<compile_context>
chip_gen: v7x
topology: tpu7x:2x2x1
jax: 0.10.2.dev20260603
libtpu: 0.0.44.dev20260713+nightly
codegen_flags: <defaults>
</compile_context>

<pallas_src>
import functools

import jax
import jax.numpy as jnp
from jax import lax
from jax.experimental import pallas as pl
from jax.experimental.pallas import tpu as pltpu
from jax.experimental.pallas import tpu_sc as plsc

_N = 10000
_E = 320000
_D = 128
_H = 128
_HH = _H // 2

_NC = 2
_NS = 16
_EPS = _E // _NS
_B = 80
_NB = _EPS // _B
_CH = 624
_CHT = _N - 15 * _CH

_mesh = plsc.VectorSubcoreMesh(core_axis_name="c", subcore_axis_name="s")


def _make_sc_segment_sum(with_counts):
    out_struct = jax.ShapeDtypeStruct((_N, _NC, _HH), jnp.float32)
    out_type = [out_struct] if with_counts else out_struct
    scratch = [
        pltpu.VMEM((_NB, _B), jnp.int32),
        pltpu.VMEM((_NB, _B), jnp.int32),
        pltpu.VMEM((4, _B, _HH), jnp.float32),
        pltpu.SemaphoreType.DMA,
        pltpu.SemaphoreType.DMA,
        pltpu.SemaphoreType.DMA,
        pltpu.SemaphoreType.DMA,
        pltpu.SemaphoreType.DMA,
        pltpu.SemaphoreType.DMA,
        pltpu.SemaphoreType.DMA,
        pltpu.SemaphoreType.DMA,
        pltpu.VMEM_SHARED((_N, _HH), jnp.float32),
    ]
    if with_counts:
        out_type.append(jax.ShapeDtypeStruct((_NC * _N,), jnp.float32))
        scratch += [
            pltpu.VMEM((_B,), jnp.float32),
            pltpu.VMEM((_N,), jnp.float32),
            pltpu.VMEM_SHARED((_N,), jnp.float32),
        ]

    @functools.partial(
        pl.kernel,
        mesh=_mesh,
        compiler_params=pltpu.CompilerParams(use_tc_tiling_on_sc=False),
        out_type=out_type,
        scratch_types=scratch,
    )
    def _sc_kernel(p_hbm, srca_hbm, srcb_hbm, dst_hbm, z2_hbm, z1_hbm,
                   *out_and_scratch):
        if with_counts:
            (out_hbm, cnt_hbm, srcv, dstv, ring,
             g0, g1, g2, g3, s0, s1, s2, s3,
             accsh, ones, cbuf, cntsh) = out_and_scratch
        else:
            (out_hbm, srcv, dstv, ring,
             g0, g1, g2, g3, s0, s1, s2, s3,
             accsh) = out_and_scratch
        gsem = (g0, g1, g2, g3)
        ssem = (s0, s1, s2, s3)
        cid = lax.axis_index("c")
        sid = lax.axis_index("s")

        @pl.when(cid == 0)
        def _():
            pltpu.sync_copy(srca_hbm.at[sid], srcv)

        @pl.when(cid == 1)
        def _():
            pltpu.sync_copy(srcb_hbm.at[sid], srcv)

        pltpu.sync_copy(dst_hbm.at[sid], dstv)

        if with_counts:
            for i in range(_B // 16):
                ones[pl.ds(i * 16, 16)] = jnp.full((16,), 1.0,
                                                   dtype=jnp.float32)

        r0 = pl.multiple_of(sid * _CH, 8)

        @pl.when(sid < _NS - 1)
        def _():
            pltpu.sync_copy(z2_hbm.at[pl.ds(r0, _CH)],
                            accsh.at[pl.ds(r0, _CH)])

        @pl.when(sid == _NS - 1)
        def _():
            pltpu.sync_copy(z2_hbm.at[pl.ds(15 * _CH, _CHT)],
                            accsh.at[pl.ds(15 * _CH, _CHT)])

        if with_counts:
            @pl.when(sid == 0)
            def _():
                pltpu.sync_copy(z1_hbm, cbuf)
                pltpu.sync_copy(cbuf, cntsh)

        plsc.subcore_barrier()

        def _startg(j, b):
            pltpu.async_copy(p_hbm.at[srcv.at[j]], ring.at[b], gsem[b])

        def _waitg(b):
            pltpu.make_async_copy(p_hbm.at[pl.ds(0, _B)], ring.at[b],
                                  gsem[b]).wait()

        def _starts(j, b, parity):
            pltpu.async_copy(ring.at[b], accsh.at[dstv.at[j]], ssem[b],
                             add=True)
            if with_counts:
                @pl.when(cid == parity)
                def _():
                    pltpu.sync_copy(ones, cntsh.at[dstv.at[j]], add=True)

        def _waits(b):
            pltpu.make_async_copy(ring.at[b], accsh.at[pl.ds(0, _B)],
                                  ssem[b]).wait()

        _startg(0, 0)
        _startg(1, 1)
        _waitg(0)
        _starts(0, 0, 0)
        _startg(2, 2)
        _waitg(1)
        _starts(1, 1, 1)
        _startg(3, 3)

        def body(k, carry):
            j = 4 * k + 2
            for o in range(4):
                b = (2 + o) % 4
                _waitg(b)
                _starts(j + o, b, o % 2)
                _waits((b + 2) % 4)
                _startg(j + o + 2, (b + 2) % 4)
            return carry

        lax.fori_loop(0, (_NB - 6) // 4, body, 0, unroll=False)

        _waitg(2)
        _starts(_NB - 4, 2, 0)
        _waits(0)
        _startg(_NB - 2, 0)
        _waitg(3)
        _starts(_NB - 3, 3, 1)
        _waits(1)
        _startg(_NB - 1, 1)
        _waitg(0)
        _starts(_NB - 2, 0, 0)
        _waits(2)
        _waitg(1)
        _starts(_NB - 1, 1, 1)
        _waits(3)
        _waits(0)
        _waits(1)

        plsc.subcore_barrier()

        @pl.when(sid < _NS - 1)
        def _():
            pltpu.sync_copy(accsh.at[pl.ds(r0, _CH)],
                            out_hbm.at[pl.ds(r0, _CH), cid])

        @pl.when(sid == _NS - 1)
        def _():
            pltpu.sync_copy(accsh.at[pl.ds(15 * _CH, _CHT)],
                            out_hbm.at[pl.ds(15 * _CH, _CHT), cid])

        if with_counts:
            @pl.when(sid == 0)
            def _():
                pltpu.sync_copy(cntsh, cbuf)
                nb5 = _N // 5
                for k in range(5):
                    pltpu.sync_copy(
                        cbuf.at[pl.ds(k * nb5, nb5)],
                        cnt_hbm.at[pl.ds(
                            pl.multiple_of(k * _NC * nb5 + cid * nb5, 8),
                            nb5)])

    return _sc_kernel


_sc_segment_sum_cnt = _make_sc_segment_sum(True)
_sc_segment_sum_nocnt = _make_sc_segment_sum(False)



_BR = 2000


def _tc_stage_a_body(x_ref, w_ref, p_ref, r_ref):
    o = jnp.dot(x_ref[...], w_ref[...], preferred_element_type=jnp.float32)
    p_ref[...] = o[:, :_H]
    r_ref[...] = o[:, _H:]


def _tc_stage_a(x, wcat):
    return pl.pallas_call(
        _tc_stage_a_body,
        grid=(_N // _BR,),
        in_specs=[
            pl.BlockSpec((_BR, _D), lambda i: (i, 0)),
            pl.BlockSpec((_D, 2 * _H), lambda i: (0, 0)),
        ],
        out_specs=[
            pl.BlockSpec((_BR, _H), lambda i: (i, 0)),
            pl.BlockSpec((_BR, _H), lambda i: (i, 0)),
        ],
        out_shape=[
            jax.ShapeDtypeStruct((_N, _H), jnp.float32),
            jax.ShapeDtypeStruct((_N, _H), jnp.float32),
        ],
    )(x, wcat)


def _tc_edges_body(e_ref, srca_ref, srcb_ref, dst_ref):
    srca_ref[...] = e_ref[0] * 2
    srcb_ref[...] = e_ref[0] * 2 + 1
    dst_ref[...] = e_ref[1]


def _tc_edges(edge_index):
    return pl.pallas_call(
        _tc_edges_body,
        out_shape=[
            jax.ShapeDtypeStruct((_E,), jnp.int32),
            jax.ShapeDtypeStruct((_E,), jnp.int32),
            jax.ShapeDtypeStruct((_E,), jnp.int32),
        ],
    )(edge_index)


def _tc_stage_b_body(agg_ref, cnt_ref, r_ref, b_ref, w_ref,
                     p2_ref, r2_ref):
    agg = agg_ref[...]
    cnt = jnp.maximum(cnt_ref[0, 0] + cnt_ref[0, 1], 1.0)
    h = jax.nn.relu(agg / cnt[:, None] + r_ref[...] + b_ref[...])
    o = jnp.dot(h, w_ref[...], preferred_element_type=jnp.float32)
    p2_ref[...] = o[:, :_H]
    r2_ref[...] = o[:, _H:]


def _tc_stage_b(agg, cnt, r1, b1, wcat2):
    return pl.pallas_call(
        _tc_stage_b_body,
        grid=(_N // _BR,),
        in_specs=[
            pl.BlockSpec((_BR, _H), lambda i: (i, 0)),
            pl.BlockSpec((1, _NC, _BR), lambda i: (i, 0, 0)),
            pl.BlockSpec((_BR, _H), lambda i: (i, 0)),
            pl.BlockSpec((1, _H), lambda i: (0, 0)),
            pl.BlockSpec((_H, 2 * _H), lambda i: (0, 0)),
        ],
        out_specs=[
            pl.BlockSpec((_BR, _H), lambda i: (i, 0)),
            pl.BlockSpec((_BR, _H), lambda i: (i, 0)),
        ],
        out_shape=[
            jax.ShapeDtypeStruct((_N, _H), jnp.float32),
            jax.ShapeDtypeStruct((_N, _H), jnp.float32),
        ],
    )(agg, cnt, r1, b1, wcat2)


def _tc_stage_c_body(agg_ref, cnt_ref, r_ref, b_ref, wrec_ref, brec_ref,
                     z_ref, xr_ref):
    agg = agg_ref[...]
    cnt = jnp.maximum(cnt_ref[0, 0] + cnt_ref[0, 1], 1.0)
    z = agg / cnt[:, None] + r_ref[...] + b_ref[...]
    z_ref[...] = z
    xr_ref[...] = jnp.dot(z, wrec_ref[...],
                          preferred_element_type=jnp.float32) + brec_ref[...]


def _tc_stage_c(agg, cnt, r2, b2, wrect, brec):
    return pl.pallas_call(
        _tc_stage_c_body,
        grid=(_N // _BR,),
        in_specs=[
            pl.BlockSpec((_BR, _H), lambda i: (i, 0)),
            pl.BlockSpec((1, _NC, _BR), lambda i: (i, 0, 0)),
            pl.BlockSpec((_BR, _H), lambda i: (i, 0)),
            pl.BlockSpec((1, _H), lambda i: (0, 0)),
            pl.BlockSpec((_H, _D), lambda i: (0, 0)),
            pl.BlockSpec((1, _D), lambda i: (0, 0)),
        ],
        out_specs=[
            pl.BlockSpec((_BR, _H), lambda i: (i, 0)),
            pl.BlockSpec((_BR, _D), lambda i: (i, 0)),
        ],
        out_shape=[
            jax.ShapeDtypeStruct((_N, _H), jnp.float32),
            jax.ShapeDtypeStruct((_N, _D), jnp.float32),
        ],
    )(agg, cnt, r2, b2, wrect, brec)


def kernel(x, edge_index, Wl1, Wr1, b1, Wl2, Wr2, b2, Wrec, brec):
    z2 = jnp.zeros((_N, _HH), dtype=jnp.float32)
    z1 = jnp.zeros((_N,), dtype=jnp.float32)

    wcat1 = jnp.concatenate([Wl1.T, Wr1.T], axis=1)
    wcat2 = jnp.concatenate([Wl2.T, Wr2.T], axis=1)

    srca_f, srcb_f, dst_f = _tc_edges(edge_index)
    p1, r1 = _tc_stage_a(x, wcat1)
    srca = srca_f.reshape(_NS, _NB, _B)
    srcb = srcb_f.reshape(_NS, _NB, _B)
    dst = dst_f.reshape(_NS, _NB, _B)
    agg1, cnt = _sc_segment_sum_cnt(p1.reshape(_NC * _N, _HH),
                                    srca, srcb, dst, z2, z1)
    cnt2 = cnt.reshape(5, _NC, _N // 5)
    p2, r2 = _tc_stage_b(agg1.reshape(_N, _H), cnt2, r1,
                         b1.reshape(1, _H), wcat2)

    agg2 = _sc_segment_sum_nocnt(p2.reshape(_NC * _N, _HH),
                                 srca, srcb, dst, z2, z1)
    z, x_recon = _tc_stage_c(agg2.reshape(_N, _H), cnt2, r2,
                             b2.reshape(1, _H), Wrec.T, brec.reshape(1, _D))
    return (z, x_recon)

# --- scband reference (transcript-rebuilt; emitter-appended) ---
"""Pipeline reference for scband-gnnanomaly-detector-26508538150912 (READ-ONLY COPY).

The authoritative reference and input builder live on the scoring server;
editing this copy changes nothing except your own understanding.
"""

import jax, jax.numpy as jnp
import numpy as np

N = 10000
E = 320000
D = 128
H = 128


def setup_inputs(seed: int = 0) -> dict:
    key = jax.random.key(seed)
    ks = jax.random.split(key, 12)
    x = jax.random.normal(ks[0], (N, D), dtype=jnp.float32)
    edge_index = jax.random.randint(ks[1], (2, E), 0, N, dtype=jnp.int32)
    s = 0.05
    Wl1 = jax.random.normal(ks[2], (H, D), dtype=jnp.float32) * s
    Wr1 = jax.random.normal(ks[3], (H, D), dtype=jnp.float32) * s
    b1 = jnp.zeros((H,), dtype=jnp.float32)
    Wl2 = jax.random.normal(ks[4], (H, H), dtype=jnp.float32) * s
    Wr2 = jax.random.normal(ks[5], (H, H), dtype=jnp.float32) * s
    b2 = jnp.zeros((H,), dtype=jnp.float32)
    Wrec = jax.random.normal(ks[6], (D, H), dtype=jnp.float32) * s
    brec = jnp.zeros((D,), dtype=jnp.float32)
    return {"x": x, "edge_index": edge_index, "Wl1": Wl1, "Wr1": Wr1, "b1": b1,
            "Wl2": Wl2, "Wr2": Wr2, "b2": b2, "Wrec": Wrec, "brec": brec}


def _sage_conv(h, edge_index, Wl, Wr, b):
    # PyG SAGEConv with mean aggregation:
    # out = lin_l(mean_{j->i} h_j) + lin_r(h_i) + bias
    src = edge_index[0]
    dst = edge_index[1]
    msgs = jnp.take(h, src, axis=0)
    agg = jax.ops.segment_sum(msgs, dst, num_segments=N)
    cnt = jax.ops.segment_sum(jnp.ones((E,), dtype=h.dtype), dst, num_segments=N)
    mean = agg / jnp.maximum(cnt, 1.0)[:, None]
    return mean @ Wl.T + h @ Wr.T + b


def reference(x, edge_index, Wl1, Wr1, b1, Wl2, Wr2, b2, Wrec, brec):
    # GraphSAGE, num_layers=2, ReLU between layers (PyG GraphSAGE default act)
    h = jax.nn.relu(_sage_conv(x, edge_index, Wl1, Wr1, b1))
    z = _sage_conv(h, edge_index, Wl2, Wr2, b2)
    x_recon = z @ Wrec.T + brec
    return (z, x_recon)

if __name__ == "__main__":
    import jax
    _d = setup_inputs()
    print(jax.jit(kernel)(*tuple(_d.values())))

</pallas_src>

<mosaic_0001>
#map = affine_map<(d0, d1) -> (0, 0)>
#map1 = affine_map<(d0, d1) -> (0, 0, 0)>
#map2 = affine_map<(d0, d1) -> (0)>
module attributes {stable_mosaic.version = 14 : i64} {
  func.func @_sc_kernel(%arg0: i32, %arg1: i32, %arg2: memref<20000x64xf32, #tpu.memory_space<hbm>>, %arg3: memref<16x250x80xi32, #tpu.memory_space<hbm>>, %arg4: memref<16x250x80xi32, #tpu.memory_space<hbm>>, %arg5: memref<16x250x80xi32, #tpu.memory_space<hbm>>, %arg6: memref<10000x64xf32, #tpu.memory_space<hbm>>, %arg7: memref<10000xf32, #tpu.memory_space<hbm>>, %arg8: memref<10000x2x64xf32, #tpu.memory_space<hbm>>, %arg9: memref<250x80xi32, #tpu.memory_space<vmem>>, %arg10: memref<250x80xi32, #tpu.memory_space<vmem>>, %arg11: memref<4x80x64xf32, #tpu.memory_space<vmem>>, %arg12: memref<!tpu.dma_semaphore, #tpu.memory_space<semaphore_mem>>, %arg13: memref<!tpu.dma_semaphore, #tpu.memory_space<semaphore_mem>>, %arg14: memref<!tpu.dma_semaphore, #tpu.memory_space<semaphore_mem>>, %arg15: memref<!tpu.dma_semaphore, #tpu.memory_space<semaphore_mem>>, %arg16: memref<!tpu.dma_semaphore, #tpu.memory_space<semaphore_mem>>, %arg17: memref<!tpu.dma_semaphore, #tpu.memory_space<semaphore_mem>>, %arg18: memref<!tpu.dma_semaphore, #tpu.memory_space<semaphore_mem>>, %arg19: memref<!tpu.dma_semaphore, #tpu.memory_space<semaphore_mem>>, %arg20: memref<10000x64xf32, #tpu.memory_space<vmem_shared>>) attributes {dimension_semantics = [#tpu.dimension_semantics<core_parallel>, #tpu.dimension_semantics<subcore_parallel>], iteration_bounds = array<i64: 2, 16>, scalar_prefetch = 0 : i64, scratch_operands = 12 : i64, tpu.core_type = #tpu.core_type<sc_vector_subcore>, window_params = [{transform_indices = #map}, {transform_indices = #map1}, {transform_indices = #map1}, {transform_indices = #map1}, {transform_indices = #map}, {transform_indices = #map2}, {transform_indices = #map1}]} {
    %eq3A = arith.constant 0 : i32
    %eq3A_0 = arith.cmpi eq, %arg0, %eq3A : i32
    %convert_element_type3A = arith.extui %eq3A_0 : i1 to i32
    %cond3A = arith.constant 0 : i32
    %cond3A_1 = arith.cmpi ne, %convert_element_type3A, %cond3A : i32
    scf.if %cond3A_1 {
      "tpu.region"() ({
        %run_scoped3A = tpu.sem_alloc : memref<!tpu.dma_semaphore, #tpu.memory_space<semaphore_mem>>
        %dma_start3A_355 = arith.constant 0 : i32
        %dma_start3A_356 = arith.constant 0 : i32
        %dma_start3A_357 = tpu.memref_slice %arg3[%arg1, %dma_start3A_355, %dma_start3A_356] : memref<16x250x80xi32, #tpu.memory_space<hbm>> -> memref<1x250x80xi32, #tpu.memory_space<hbm>>
        %dma_start3A_358 = tpu.memref_squeeze %dma_start3A_357 : memref<1x250x80xi32, #tpu.memory_space<hbm>> -> memref<250x80xi32, #tpu.memory_space<hbm>>
        %dma_start3A_359 = arith.constant 0 : i32
        %dma_start3A_360 = arith.constant 0 : i32
        %dma_start3A_361 = tpu.memref_slice %arg3[%arg1, %dma_start3A_359, %dma_start3A_360] : memref<16x250x80xi32, #tpu.memory_space<hbm>> -> memref<1x250x80xi32, #tpu.memory_space<hbm>>
        %dma_start3A_362 = tpu.memref_squeeze %dma_start3A_361 : memref<1x250x80xi32, #tpu.memory_space<hbm>> -> memref<250x80xi32, #tpu.memory_space<hbm>>
        tpu.enqueue_dma source(%dma_start3A_362 : memref<250x80xi32, #tpu.memory_space<hbm>>) target(%arg9 : memref<250x80xi32, #tpu.memory_space<vmem>>) target_semaphore(%run_scoped3A : memref<!tpu.dma_semaphore, #tpu.memory_space<semaphore_mem>>)
        %dma_wait3A_363 = arith.constant 0 : i32
        %dma_wait3A_364 = arith.constant 0 : i32
        %dma_wait3A_365 = tpu.memref_slice %arg3[%arg1, %dma_wait3A_363, %dma_wait3A_364] : memref<16x250x80xi32, #tpu.memory_space<hbm>> -> memref<1x250x80xi32, #tpu.memory_space<hbm>>
        %dma_wait3A_366 = tpu.memref_squeeze %dma_wait3A_365 : memref<1x250x80xi32, #tpu.memory_space<hbm>> -> memref<250x80xi32, #tpu.memory_space<hbm>>
        %dma_wait3A_367 = arith.constant 0 : i32
        %dma_wait3A_368 = arith.constant 0 : i32
        %dma_wait3A_369 = tpu.memref_slice %arg3[%arg1, %dma_wait3A_367, %dma_wait3A_368] : memref<16x250x80xi32, #tpu.memory_space<hbm>> -> memref<1x250x80xi32, #tpu.memory_space<hbm>>
        %dma_wait3A_370 = tpu.memref_squeeze %dma_wait3A_369 : memref<1x250x80xi32, #tpu.memory_space<hbm>> -> memref<250x80xi32, #tpu.memory_space<hbm>>
        tpu.wait_dma2 semaphore(%run_scoped3A : memref<!tpu.dma_semaphore, #tpu.memory_space<semaphore_mem>>) src(%dma_wait3A_370 : memref<250x80xi32, #tpu.memory_space<hbm>>) dst(%arg9 : memref<250x80xi32, #tpu.memory_space<vmem>>)
        tpu.yield
      }) : () -> ()
    } else {
    }
    %eq3A_2 = arith.constant 1 : i32
    %eq3A_3 = arith.cmpi eq, %arg0, %eq3A_2 : i32
    %convert_element_type3A_4 = arith.extui %eq3A_3 : i1 to i32
    %cond3A_5 = arith.constant 0 : i32
    %cond3A_6 = arith.cmpi ne, %convert_element_type3A_4, %cond3A_5 : i32
    scf.if %cond3A_6 {
      "tpu.region"() ({
        %run_scoped3A = tpu.sem_alloc : memref<!tpu.dma_semaphore, #tpu.memory_space<semaphore_mem>>
        %dma_start3A_355 = arith.constant 0 : i32
        %dma_start3A_356 = arith.constant 0 : i32
        %dma_start3A_357 = tpu.memref_slice %arg4[%arg1, %dma_start3A_355, %dma_start3A_356] : memref<16x250x80xi32, #tpu.memory_space<hbm>> -> memref<1x250x80xi32, #tpu.memory_space<hbm>>
        %dma_start3A_358 = tpu.memref_squeeze %dma_start3A_357 : memref<1x250x80xi32, #tpu.memory_space<hbm>> -> memref<250x80xi32, #tpu.memory_space<hbm>>
        %dma_start3A_359 = arith.constant 0 : i32
        %dma_start3A_360 = arith.constant 0 : i32
        %dma_start3A_361 = tpu.memref_slice %arg4[%arg1, %dma_start3A_359, %dma_start3A_360] : memref<16x250x80xi32, #tpu.memory_space<hbm>> -> memref<1x250x80xi32, #tpu.memory_space<hbm>>
        %dma_start3A_362 = tpu.memref_squeeze %dma_start3A_361 : memref<1x250x80xi32, #tpu.memory_space<hbm>> -> memref<250x80xi32, #tpu.memory_space<hbm>>
        tpu.enqueue_dma source(%dma_start3A_362 : memref<250x80xi32, #tpu.memory_space<hbm>>) target(%arg9 : memref<250x80xi32, #tpu.memory_space<vmem>>) target_semaphore(%run_scoped3A : memref<!tpu.dma_semaphore, #tpu.memory_space<semaphore_mem>>)
        %dma_wait3A_363 = arith.constant 0 : i32
        %dma_wait3A_364 = arith.constant 0 : i32
        %dma_wait3A_365 = tpu.memref_slice %arg4[%arg1, %dma_wait3A_363, %dma_wait3A_364] : memref<16x250x80xi32, #tpu.memory_space<hbm>> -> memref<1x250x80xi32, #tpu.memory_space<hbm>>
        %dma_wait3A_366 = tpu.memref_squeeze %dma_wait3A_365 : memref<1x250x80xi32, #tpu.memory_space<hbm>> -> memref<250x80xi32, #tpu.memory_space<hbm>>
        %dma_wait3A_367 = arith.constant 0 : i32
        %dma_wait3A_368 = arith.constant 0 : i32
        %dma_wait3A_369 = tpu.memref_slice %arg4[%arg1, %dma_wait3A_367, %dma_wait3A_368] : memref<16x250x80xi32, #tpu.memory_space<hbm>> -> memref<1x250x80xi32, #tpu.memory_space<hbm>>
        %dma_wait3A_370 = tpu.memref_squeeze %dma_wait3A_369 : memref<1x250x80xi32, #tpu.memory_space<hbm>> -> memref<250x80xi32, #tpu.memory_space<hbm>>
        tpu.wait_dma2 semaphore(%run_scoped3A : memref<!tpu.dma_semaphore, #tpu.memory_space<semaphore_mem>>) src(%dma_wait3A_370 : memref<250x80xi32, #tpu.memory_space<hbm>>) dst(%arg9 : memref<250x80xi32, #tpu.memory_space<vmem>>)
        tpu.yield
      }) : () -> ()
    } else {
    }
    "tpu.region"() ({
      %run_scoped3A = tpu.sem_alloc : memref<!tpu.dma_semaphore, #tpu.memory_space<semaphore_mem>>
      %dma_start3A_355 = arith.constant 0 : i32
      %dma_start3A_356 = arith.constant 0 : i32
      %dma_start3A_357 = tpu.memref_slice %arg5[%arg1, %dma_start3A_355, %dma_start3A_356] : memref<16x250x80xi32, #tpu.memory_space<hbm>> -> memref<1x250x80xi32, #tpu.memory_space<hbm>>
      %dma_start3A_358 = tpu.memref_squeeze %dma_start3A_357 : memref<1x250x80xi32, #tpu.memory_space<hbm>> -> memref<250x80xi32, #tpu.memory_space<hbm>>
      %dma_start3A_359 = arith.constant 0 : i32
      %dma_start3A_360 = arith.constant 0 : i32
      %dma_start3A_361 = tpu.memref_slice %arg5[%arg1, %dma_start3A_359, %dma_start3A_360] : memref<16x250x80xi32, #tpu.memory_space<hbm>> -> memref<1x250x80xi32, #tpu.memory_space<hbm>>
      %dma_start3A_362 = tpu.memref_squeeze %dma_start3A_361 : memref<1x250x80xi32, #tpu.memory_space<hbm>> -> memref<250x80xi32, #tpu.memory_space<hbm>>
      tpu.enqueue_dma source(%dma_start3A_362 : memref<250x80xi32, #tpu.memory_space<hbm>>) target(%arg10 : memref<250x80xi32, #tpu.memory_space<vmem>>) target_semaphore(%run_scoped3A : memref<!tpu.dma_semaphore, #tpu.memory_space<semaphore_mem>>)
      %dma_wait3A_363 = arith.constant 0 : i32
      %dma_wait3A_364 = arith.constant 0 : i32
      %dma_wait3A_365 = tpu.memref_slice %arg5[%arg1, %dma_wait3A_363, %dma_wait3A_364] : memref<16x250x80xi32, #tpu.memory_space<hbm>> -> memref<1x250x80xi32, #tpu.memory_space<hbm>>
      %dma_wait3A_366 = tpu.memref_squeeze %dma_wait3A_365 : memref<1x250x80xi32, #tpu.memory_space<hbm>> -> memref<250x80xi32, #tpu.memory_space<hbm>>
      %dma_wait3A_367 = arith.constant 0 : i32
      %dma_wait3A_368 = arith.constant 0 : i32
      %dma_wait3A_369 = tpu.memref_slice %arg5[%arg1, %dma_wait3A_367, %dma_wait3A_368] : memref<16x250x80xi32, #tpu.memory_space<hbm>> -> memref<1x250x80xi32, #tpu.memory_space<hbm>>
      %dma_wait3A_370 = tpu.memref_squeeze %dma_wait3A_369 : memref<1x250x80xi32, #tpu.memory_space<hbm>> -> memref<250x80xi32, #tpu.memory_space<hbm>>
      tpu.wait_dma2 semaphore(%run_scoped3A : memref<!tpu.dma_semaphore, #tpu.memory_space<semaphore_mem>>) src(%dma_wait3A_370 : memref<250x80xi32, #tpu.memory_space<hbm>>) dst(%arg10 : memref<250x80xi32, #tpu.memory_space<vmem>>)
      tpu.yield
    }) : () -> ()
    %mul3A = arith.constant 624 : i32
    %mul3A_7 = arith.muli %arg1, %mul3A : i32
    %multiple_of3A = tpu.assume_multiple %mul3A_7, 8 : i32
    %lt3A = arith.constant 15 : i32
    %lt3A_8 = arith.cmpi slt, %arg1, %lt3A : i32
    %convert_element_type3A_9 = arith.extui %lt3A_8 : i1 to i32
    %cond3A_10 = arith.constant 0 : i32
    %cond3A_11 = arith.cmpi ne, %convert_element_type3A_9, %cond3A_10 : i32
    scf.if %cond3A_11 {
      "tpu.region"() ({
        %run_scoped3A = tpu.sem_alloc : memref<!tpu.dma_semaphore, #tpu.memory_space<semaphore_mem>>
        %dma_start3A_355 = arith.constant 0 : i32
        %dma_start3A_356 = tpu.memref_slice %arg20[%multiple_of3A, %dma_start3A_355] : memref<10000x64xf32, #tpu.memory_space<vmem_shared>> -> memref<624x64xf32, #tpu.memory_space<vmem_shared>>
        %dma_start3A_357 = arith.constant 0 : i32
        %dma_start3A_358 = tpu.memref_slice %arg6[%multiple_of3A, %dma_start3A_357] : memref<10000x64xf32, #tpu.memory_space<hbm>> -> memref<624x64xf32, #tpu.memory_space<hbm>>
        tpu.enqueue_dma source(%dma_start3A_358 : memref<624x64xf32, #tpu.memory_space<hbm>>) target(%dma_start3A_356 : memref<624x64xf32, #tpu.memory_space<vmem_shared>>) target_semaphore(%run_scoped3A : memref<!tpu.dma_semaphore, #tpu.memory_space<semaphore_mem>>)
        %dma_wait3A_359 = arith.constant 0 : i32
        %dma_wait3A_360 = tpu.memref_slice %arg20[%multiple_of3A, %dma_wait3A_359] : memref<10000x64xf32, #tpu.memory_space<vmem_shared>> -> memref<624x64xf32, #tpu.memory_space<vmem_shared>>
        %dma_wait3A_361 = arith.constant 0 : i32
        %dma_wait3A_362 = tpu.memref_slice %arg6[%multiple_of3A, %dma_wait3A_361] : memref<10000x64xf32, #tpu.memory_space<hbm>> -> memref<624x64xf32, #tpu.memory_space<hbm>>
        tpu.wait_dma2 semaphore(%run_scoped3A : memref<!tpu.dma_semaphore, #tpu.memory_space<semaphore_mem>>) src(%dma_wait3A_362 : memref<624x64xf32, #tpu.memory_space<hbm>>) dst(%dma_wait3A_360 : memref<624x64xf32, #tpu.memory_space<vmem_shared>>)
        tpu.yield
      }) : () -> ()
    } else {
    }
    %eq3A_12 = arith.constant 15 : i32
    %eq3A_13 = arith.cmpi eq, %arg1, %eq3A_12 : i32
    %convert_element_type3A_14 = arith.extui %eq3A_13 : i1 to i32
    %cond3A_15 = arith.constant 0 : i32
    %cond3A_16 = arith.cmpi ne, %convert_element_type3A_14, %cond3A_15 : i32
    scf.if %cond3A_16 {
      "tpu.region"() ({
        %run_scoped3A = tpu.sem_alloc : memref<!tpu.dma_semaphore, #tpu.memory_space<semaphore_mem>>
        %dma_start3A_355 = arith.constant 9360 : i32
        %dma_start3A_356 = arith.constant 0 : i32
        %dma_start3A_357 = tpu.memref_slice %arg20[%dma_start3A_355, %dma_start3A_356] : memref<10000x64xf32, #tpu.memory_space<vmem_shared>> -> memref<640x64xf32, #tpu.memory_space<vmem_shared>>
        %dma_start3A_358 = arith.constant 9360 : i32
        %dma_start3A_359 = arith.constant 0 : i32
        %dma_start3A_360 = tpu.memref_slice %arg6[%dma_start3A_358, %dma_start3A_359] : memref<10000x64xf32, #tpu.memory_space<hbm>> -> memref<640x64xf32, #tpu.memory_space<hbm>>
        tpu.enqueue_dma source(%dma_start3A_360 : memref<640x64xf32, #tpu.memory_space<hbm>>) target(%dma_start3A_357 : memref<640x64xf32, #tpu.memory_space<vmem_shared>>) target_semaphore(%run_scoped3A : memref<!tpu.dma_semaphore, #tpu.memory_space<semaphore_mem>>)
        %dma_wait3A_361 = arith.constant 9360 : i32
        %dma_wait3A_362 = arith.constant 0 : i32
        %dma_wait3A_363 = tpu.memref_slice %arg20[%dma_wait3A_361, %dma_wait3A_362] : memref<10000x64xf32, #tpu.memory_space<vmem_shared>> -> memref<640x64xf32, #tpu.memory_space<vmem_shared>>
        %dma_wait3A_364 = arith.constant 9360 : i32
        %dma_wait3A_365 = arith.constant 0 : i32
        %dma_wait3A_366 = tpu.memref_slice %arg6[%dma_wait3A_364, %dma_wait3A_365] : memref<10000x64xf32, #tpu.memory_space<hbm>> -> memref<640x64xf32, #tpu.memory_space<hbm>>
        tpu.wait_dma2 semaphore(%run_scoped3A : memref<!tpu.dma_semaphore, #tpu.memory_space<semaphore_mem>>) src(%dma_wait3A_366 : memref<640x64xf32, #tpu.memory_space<hbm>>) dst(%dma_wait3A_363 : memref<640x64xf32, #tpu.memory_space<vmem_shared>>)
        tpu.yield
      }) : () -> ()
    } else {
    }
    %barrier3A = arith.constant 0 : index
    tpu.barrier barrier_id(%barrier3A)
    %dma_start3A = arith.constant 0 : i32
    %dma_start3A_17 = arith.constant 0 : i32
    %dma_start3A_18 = arith.constant 0 : i32
    %dma_start3A_19 = arith.constant 0 : i32
    %dma_start3A_20 = tpu.memref_slice %arg11[%dma_start3A_17, %dma_start3A_18, %dma_start3A_19] : memref<4x80x64xf32, #tpu.memory_space<vmem>> -> memref<1x80x64xf32, #tpu.memory_space<vmem>>
    %dma_start3A_21 = tpu.memref_squeeze %dma_start3A_20 : memref<1x80x64xf32, #tpu.memory_space<vmem>> -> memref<80x64xf32, #tpu.memory_space<vmem>>
    %dma_start3A_22 = arith.constant 0 : i32
    %dma_start3A_23 = tpu.memref_slice %arg9[%dma_start3A, %dma_start3A_22] : memref<250x80xi32, #tpu.memory_space<vmem>> -> memref<1x80xi32, #tpu.memory_space<vmem>>
    %dma_start3A_24 = tpu.memref_squeeze %dma_start3A_23 : memref<1x80xi32, #tpu.memory_space<vmem>> -> memref<80xi32, #tpu.memory_space<vmem>>
    %dma_start3A_25 = arith.constant 0 : i32
    %dma_start3A_26 = arith.constant 0 : i32
    %dma_start3A_27 = tpu.memref_slice %arg2[%dma_start3A_25, %dma_start3A_26] : memref<20000x64xf32, #tpu.memory_space<hbm>> -> memref<20000x64xf32, #tpu.memory_space<hbm>>
    tpu.enqueue_indirect_dma source(%dma_start3A_27 : memref<20000x64xf32, #tpu.memory_space<hbm>>) target(%dma_start3A_21 : memref<80x64xf32, #tpu.memory_space<vmem>>) offsets(%dma_start3A_24 : memref<80xi32, #tpu.memory_space<vmem>>) semaphore(%arg12 : memref<!tpu.dma_semaphore, #tpu.memory_space<semaphore_mem>>)
    %dma_start3A_28 = arith.constant 1 : i32
    %dma_start3A_29 = arith.constant 1 : i32
    %dma_start3A_30 = arith.constant 0 : i32
    %dma_start3A_31 = arith.constant 0 : i32
    %dma_start3A_32 = tpu.memref_slice %arg11[%dma_start3A_29, %dma_start3A_30, %dma_start3A_31] : memref<4x80x64xf32, #tpu.memory_space<vmem>> -> memref<1x80x64xf32, #tpu.memory_space<vmem>>
    %dma_start3A_33 = tpu.memref_squeeze %dma_start3A_32 : memref<1x80x64xf32, #tpu.memory_space<vmem>> -> memref<80x64xf32, #tpu.memory_space<vmem>>
    %dma_start3A_34 = arith.constant 0 : i32
    %dma_start3A_35 = tpu.memref_slice %arg9[%dma_start3A_28, %dma_start3A_34] : memref<250x80xi32, #tpu.memory_space<vmem>> -> memref<1x80xi32, #tpu.memory_space<vmem>>
    %dma_start3A_36 = tpu.memref_squeeze %dma_start3A_35 : memref<1x80xi32, #tpu.memory_space<vmem>> -> memref<80xi32, #tpu.memory_space<vmem>>
    %dma_start3A_37 = arith.constant 0 : i32
    %dma_start3A_38 = arith.constant 0 : i32
    %dma_start3A_39 = tpu.memref_slice %arg2[%dma_start3A_37, %dma_start3A_38] : memref<20000x64xf32, #tpu.memory_space<hbm>> -> memref<20000x64xf32, #tpu.memory_space<hbm>>
    tpu.enqueue_indirect_dma source(%dma_start3A_39 : memref<20000x64xf32, #tpu.memory_space<hbm>>) target(%dma_start3A_33 : memref<80x64xf32, #tpu.memory_space<vmem>>) offsets(%dma_start3A_36 : memref<80xi32, #tpu.memory_space<vmem>>) semaphore(%arg13 : memref<!tpu.dma_semaphore, #tpu.memory_space<semaphore_mem>>)
    %dma_wait3A = arith.constant 0 : i32
    %dma_wait3A_40 = arith.constant 0 : i32
    %dma_wait3A_41 = arith.constant 0 : i32
    %dma_wait3A_42 = tpu.memref_slice %arg11[%dma_wait3A, %dma_wait3A_40, %dma_wait3A_41] : memref<4x80x64xf32, #tpu.memory_space<vmem>> -> memref<1x80x64xf32, #tpu.memory_space<vmem>>
    %dma_wait3A_43 = tpu.memref_squeeze %dma_wait3A_42 : memref<1x80x64xf32, #tpu.memory_space<vmem>> -> memref<80x64xf32, #tpu.memory_space<vmem>>
    %dma_wait3A_44 = arith.constant 0 : i32
    %dma_wait3A_45 = arith.constant 0 : i32
    %dma_wait3A_46 = tpu.memref_slice %arg2[%dma_wait3A_44, %dma_wait3A_45] : memref<20000x64xf32, #tpu.memory_space<hbm>> -> memref<80x64xf32, #tpu.memory_space<hbm>>
    %dma_wait3A_47 = arith.constant 0 : i32
    %dma_wait3A_48 = arith.constant 0 : i32
    %dma_wait3A_49 = tpu.memref_slice %arg11[%dma_wait3A, %dma_wait3A_47, %dma_wait3A_48] : memref<4x80x64xf32, #tpu.memory_space<vmem>> -> memref<1x80x64xf32, #tpu.memory_space<vmem>>
    %dma_wait3A_50 = tpu.memref_squeeze %dma_wait3A_49 : memref<1x80x64xf32, #tpu.memory_space<vmem>> -> memref<80x64xf32, #tpu.memory_space<vmem>>
    %dma_wait3A_51 = arith.constant 0 : i32
    %dma_wait3A_52 = arith.constant 0 : i32
    %dma_wait3A_53 = tpu.memref_slice %arg2[%dma_wait3A_51, %dma_wait3A_52] : memref<20000x64xf32, #tpu.memory_space<hbm>> -> memref<80x64xf32, #tpu.memory_space<hbm>>
    tpu.wait_dma2 semaphore(%arg12 : memref<!tpu.dma_semaphore, #tpu.memory_space<semaphore_mem>>) src(%dma_wait3A_53 : memref<80x64xf32, #tpu.memory_space<hbm>>) dst(%dma_wait3A_50 : memref<80x64xf32, #tpu.memory_space<vmem>>)
    %dma_start3A_54 = arith.constant 0 : i32
    %dma_start3A_55 = arith.constant 0 : i32
    %dma_start3A_56 = arith.constant 0 : i32
    %dma_start3A_57 = arith.constant 0 : i32
    %dma_start3A_58 = tpu.memref_slice %arg11[%dma_start3A_54, %dma_start3A_56, %dma_start3A_57] : memref<4x80x64xf32, #tpu.memory_space<vmem>> -> memref<1x80x64xf32, #tpu.memory_space<vmem>>
    %dma_start3A_59 = tpu.memref_squeeze %dma_start3A_58 : memref<1x80x64xf32, #tpu.memory_space<vmem>> -> memref<80x64xf32, #tpu.memory_space<vmem>>
    %dma_start3A_60 = arith.constant 0 : i32
    %dma_start3A_61 = tpu.memref_slice %arg10[%dma_start3A_55, %dma_start3A_60] : memref<250x80xi32, #tpu.memory_space<vmem>> -> memref<1x80xi32, #tpu.memory_space<vmem>>
    %dma_start3A_62 = tpu.memref_squeeze %dma_start3A_61 : memref<1x80xi32, #tpu.memory_space<vmem>> -> memref<80xi32, #tpu.memory_space<vmem>>
    %dma_start3A_63 = arith.constant 0 : i32
    %dma_start3A_64 = arith.constant 0 : i32
    %dma_start3A_65 = tpu.memref_slice %arg20[%dma_start3A_63, %dma_start3A_64] : memref<10000x64xf32, #tpu.memory_space<vmem_shared>> -> memref<10000x64xf32, #tpu.memory_space<vmem_shared>>
    tpu.enqueue_indirect_dma source(%dma_start3A_59 : memref<80x64xf32, #tpu.memory_space<vmem>>) target(%dma_start3A_65 : memref<10000x64xf32, #tpu.memory_space<vmem_shared>>) offsets(%dma_start3A_62 : memref<80xi32, #tpu.memory_space<vmem>>) semaphore(%arg16 : memref<!tpu.dma_semaphore, #tpu.memory_space<semaphore_mem>>) {add = true}
    %dma_start3A_66 = arith.constant 2 : i32
    %dma_start3A_67 = arith.constant 2 : i32
    %dma_start3A_68 = arith.constant 0 : i32
    %dma_start3A_69 = arith.constant 0 : i32
    %dma_start3A_70 = tpu.memref_slice %arg11[%dma_start3A_67, %dma_start3A_68, %dma_start3A_69] : memref<4x80x64xf32, #tpu.memory_space<vmem>> -> memref<1x80x64xf32, #tpu.memory_space<vmem>>
    %dma_start3A_71 = tpu.memref_squeeze %dma_start3A_70 : memref<1x80x64xf32, #tpu.memory_space<vmem>> -> memref<80x64xf32, #tpu.memory_space<vmem>>
    %dma_start3A_72 = arith.constant 0 : i32
    %dma_start3A_73 = tpu.memref_slice %arg9[%dma_start3A_66, %dma_start3A_72] : memref<250x80xi32, #tpu.memory_space<vmem>> -> memref<1x80xi32, #tpu.memory_space<vmem>>
    %dma_start3A_74 = tpu.memref_squeeze %dma_start3A_73 : memref<1x80xi32, #tpu.memory_space<vmem>> -> memref<80xi32, #tpu.memory_space<vmem>>
    %dma_start3A_75 = arith.constant 0 : i32
    %dma_start3A_76 = arith.constant 0 : i32
    %dma_start3A_77 = tpu.memref_slice %arg2[%dma_start3A_75, %dma_start3A_76] : memref<20000x64xf32, #tpu.memory_space<hbm>> -> memref<20000x64xf32, #tpu.memory_space<hbm>>
    tpu.enqueue_indirect_dma source(%dma_start3A_77 : memref<20000x64xf32, #tpu.memory_space<hbm>>) target(%dma_start3A_71 : memref<80x64xf32, #tpu.memory_space<vmem>>) offsets(%dma_start3A_74 : memref<80xi32, #tpu.memory_space<vmem>>) semaphore(%arg14 : memref<!tpu.dma_semaphore, #tpu.memory_space<semaphore_mem>>)
    %dma_wait3A_78 = arith.constant 1 : i32
    %dma_wait3A_79 = arith.constant 0 : i32
    %dma_wait3A_80 = arith.constant 0 : i32
    %dma_wait3A_81 = tpu.memref_slice %arg11[%dma_wait3A_78, %dma_wait3A_79, %dma_wait3A_80] : memref<4x80x64xf32, #tpu.memory_space<vmem>> -> memref<1x80x64xf32, #tpu.memory_space<vmem>>
    %dma_wait3A_82 = tpu.memref_squeeze %dma_wait3A_81 : memref<1x80x64xf32, #tpu.memory_space<vmem>> -> memref<80x64xf32, #tpu.memory_space<vmem>>
    %dma_wait3A_83 = arith.constant 0 : i32
    %dma_wait3A_84 = arith.constant 0 : i32
    %dma_wait3A_85 = tpu.memref_slice %arg2[%dma_wait3A_83, %dma_wait3A_84] : memref<20000x64xf32, #tpu.memory_space<hbm>> -> memref<80x64xf32, #tpu.memory_space<hbm>>
    %dma_wait3A_86 = arith.constant 0 : i32
    %dma_wait3A_87 = arith.constant 0 : i32
    %dma_wait3A_88 = tpu.memref_slice %arg11[%dma_wait3A_78, %dma_wait3A_86, %dma_wait3A_87] : memref<4x80x64xf32, #tpu.memory_space<vmem>> -> memref<1x80x64xf32, #tpu.memory_space<vmem>>
    %dma_wait3A_89 = tpu.memref_squeeze %dma_wait3A_88 : memref<1x80x64xf32, #tpu.memory_space<vmem>> -> memref<80x64xf32, #tpu.memory_space<vmem>>
    %dma_wait3A_90 = arith.constant 0 : i32
    %dma_wait3A_91 = arith.constant 0 : i32
    %dma_wait3A_92 = tpu.memref_slice %arg2[%dma_wait3A_90, %dma_wait3A_91] : memref<20000x64xf32, #tpu.memory_space<hbm>> -> memref<80x64xf32, #tpu.memory_space<hbm>>
    tpu.wait_dma2 semaphore(%arg13 : memref<!tpu.dma_semaphore, #tpu.memory_space<semaphore_mem>>) src(%dma_wait3A_92 : memref<80x64xf32, #tpu.memory_space<hbm>>) dst(%dma_wait3A_89 : memref<80x64xf32, #tpu.memory_space<vmem>>)
    %dma_start3A_93 = arith.constant 1 : i32
    %dma_start3A_94 = arith.constant 1 : i32
    %dma_start3A_95 = arith.constant 0 : i32
    %dma_start3A_96 = arith.constant 0 : i32
    %dma_start3A_97 = tpu.memref_slice %arg11[%dma_start3A_93, %dma_start3A_95, %dma_start3A_96] : memref<4x80x64xf32, #tpu.memory_space<vmem>> -> memref<1x80x64xf32, #tpu.memory_space<vmem>>
    %dma_start3A_98 = tpu.memref_squeeze %dma_start3A_97 : memref<1x80x64xf32, #tpu.memory_space<vmem>> -> memref<80x64xf32, #tpu.memory_space<vmem>>
    %dma_start3A_99 = arith.constant 0 : i32
    %dma_start3A_100 = tpu.memref_slice %arg10[%dma_start3A_94, %dma_start3A_99] : memref<250x80xi32, #tpu.memory_space<vmem>> -> memref<1x80xi32, #tpu.memory_space<vmem>>
    %dma_start3A_101 = tpu.memref_squeeze %dma_start3A_100 : memref<1x80xi32, #tpu.memory_space<vmem>> -> memref<80xi32, #tpu.memory_space<vmem>>
    %dma_start3A_102 = arith.constant 0 : i32
    %dma_start3A_103 = arith.constant 0 : i32
    %dma_start3A_104 = tpu.memref_slice %arg20[%dma_start3A_102, %dma_start3A_103] : memref<10000x64xf32, #tpu.memory_space<vmem_shared>> -> memref<10000x64xf32, #tpu.memory_space<vmem_shared>>
    tpu.enqueue_indirect_dma source(%dma_start3A_98 : memref<80x64xf32, #tpu.memory_space<vmem>>) target(%dma_start3A_104 : memref<10000x64xf32, #tpu.memory_space<vmem_shared>>) offsets(%dma_start3A_101 : memref<80xi32, #tpu.memory_space<vmem>>) semaphore(%arg17 : memref<!tpu.dma_semaphore, #tpu.memory_space<semaphore_mem>>) {add = true}
    %dma_start3A_105 = arith.constant 3 : i32
    %dma_start3A_106 = arith.constant 3 : i32
    %dma_start3A_107 = arith.constant 0 : i32
    %dma_start3A_108 = arith.constant 0 : i32
    %dma_start3A_109 = tpu.memref_slice %arg11[%dma_start3A_106, %dma_start3A_107, %dma_start3A_108] : memref<4x80x64xf32, #tpu.memory_space<vmem>> -> memref<1x80x64xf32, #tpu.memory_space<vmem>>
    %dma_start3A_110 = tpu.memref_squeeze %dma_start3A_109 : memref<1x80x64xf32, #tpu.memory_space<vmem>> -> memref<80x64xf32, #tpu.memory_space<vmem>>
    %dma_start3A_111 = arith.constant 0 : i32
    %dma_start3A_112 = tpu.memref_slice %arg9[%dma_start3A_105, %dma_start3A_111] : memref<250x80xi32, #tpu.memory_space<vmem>> -> memref<1x80xi32, #tpu.memory_space<vmem>>
    %dma_start3A_113 = tpu.memref_squeeze %dma_start3A_112 : memref<1x80xi32, #tpu.memory_space<vmem>> -> memref<80xi32, #tpu.memory_space<vmem>>
    %dma_start3A_114 = arith.constant 0 : i32
    %dma_start3A_115 = arith.constant 0 : i32
    %dma_start3A_116 = tpu.memref_slice %arg2[%dma_start3A_114, %dma_start3A_115] : memref<20000x64xf32, #tpu.memory_space<hbm>> -> memref<20000x64xf32, #tpu.memory_space<hbm>>
    tpu.enqueue_indirect_dma source(%dma_start3A_116 : memref<20000x64xf32, #tpu.memory_space<hbm>>) target(%dma_start3A_110 : memref<80x64xf32, #tpu.memory_space<vmem>>) offsets(%dma_start3A_113 : memref<80xi32, #tpu.memory_space<vmem>>) semaphore(%arg15 : memref<!tpu.dma_semaphore, #tpu.memory_space<semaphore_mem>>)
    %scan3A = arith.constant 0 : i32
    %scan3A_117 = arith.constant 0 : i32
    %scan3A_118 = arith.constant 61 : i32
    %scan3A_119 = arith.addi %scan3A_117, %scan3A_118 : i32
    %scan3A_120 = arith.constant 1 : i32
    scf.for %scan3A_355 = %scan3A_117 to %scan3A_119 step %scan3A_120  : i32 {
      %mul3A_356 = arith.constant 4 : i32
      %mul3A_357 = arith.muli %mul3A_356, %scan3A_355 : i32
      %add3A = arith.constant 2 : i32
      %add3A_358 = arith.addi %mul3A_357, %add3A : i32
      %dma_wait3A_359 = arith.constant 2 : i32
      %dma_wait3A_360 = arith.constant 0 : i32
      %dma_wait3A_361 = arith.constant 0 : i32
      %dma_wait3A_362 = tpu.memref_slice %arg11[%dma_wait3A_359, %dma_wait3A_360, %dma_wait3A_361] : memref<4x80x64xf32, #tpu.memory_space<vmem>> -> memref<1x80x64xf32, #tpu.memory_space<vmem>>
      %dma_wait3A_363 = tpu.memref_squeeze %dma_wait3A_362 : memref<1x80x64xf32, #tpu.memory_space<vmem>> -> memref<80x64xf32, #tpu.memory_space<vmem>>
      %dma_wait3A_364 = arith.constant 0 : i32
      %dma_wait3A_365 = arith.constant 0 : i32
      %dma_wait3A_366 = tpu.memref_slice %arg2[%dma_wait3A_364, %dma_wait3A_365] : memref<20000x64xf32, #tpu.memory_space<hbm>> -> memref<80x64xf32, #tpu.memory_space<hbm>>
      %dma_wait3A_367 = arith.constant 0 : i32
      %dma_wait3A_368 = arith.constant 0 : i32
      %dma_wait3A_369 = tpu.memref_slice %arg11[%dma_wait3A_359, %dma_wait3A_367, %dma_wait3A_368] : memref<4x80x64xf32, #tpu.memory_space<vmem>> -> memref<1x80x64xf32, #tpu.memory_space<vmem>>
      %dma_wait3A_370 = tpu.memref_squeeze %dma_wait3A_369 : memref<1x80x64xf32, #tpu.memory_space<vmem>> -> memref<80x64xf32, #tpu.memory_space<vmem>>
      %dma_wait3A_371 = arith.constant 0 : i32
      %dma_wait3A_372 = arith.constant 0 : i32
      %dma_wait3A_373 = tpu.memref_slice %arg2[%dma_wait3A_371, %dma_wait3A_372] : memref<20000x64xf32, #tpu.memory_space<hbm>> -> memref<80x64xf32, #tpu.memory_space<hbm>>
      tpu.wait_dma2 semaphore(%arg14 : memref<!tpu.dma_semaphore, #tpu.memory_space<semaphore_mem>>) src(%dma_wait3A_373 : memref<80x64xf32, #tpu.memory_space<hbm>>) dst(%dma_wait3A_370 : memref<80x64xf32, #tpu.memory_space<vmem>>)
      %add3A_374 = arith.constant 0 : i32
      %add3A_375 = arith.addi %add3A_358, %add3A_374 : i32
      %dma_start3A_376 = arith.constant 2 : i32
      %dma_start3A_377 = arith.constant 0 : i32
      %dma_start3A_378 = arith.constant 0 : i32
      %dma_start3A_379 = tpu.memref_slice %arg11[%dma_start3A_376, %dma_start3A_377, %dma_start3A_378] : memref<4x80x64xf32, #tpu.memory_space<vmem>> -> memref<1x80x64xf32, #tpu.memory_space<vmem>>
      %dma_start3A_380 = tpu.memref_squeeze %dma_start3A_379 : memref<1x80x64xf32, #tpu.memory_space<vmem>> -> memref<80x64xf32, #tpu.memory_space<vmem>>
      %dma_start3A_381 = arith.constant 0 : i32
      %dma_start3A_382 = tpu.memref_slice %arg10[%add3A_375, %dma_start3A_381] : memref<250x80xi32, #tpu.memory_space<vmem>> -> memref<1x80xi32, #tpu.memory_space<vmem>>
      %dma_start3A_383 = tpu.memref_squeeze %dma_start3A_382 : memref<1x80xi32, #tpu.memory_space<vmem>> -> memref<80xi32, #tpu.memory_space<vmem>>
      %dma_start3A_384 = arith.constant 0 : i32
      %dma_start3A_385 = arith.constant 0 : i32
      %dma_start3A_386 = tpu.memref_slice %arg20[%dma_start3A_384, %dma_start3A_385] : memref<10000x64xf32, #tpu.memory_space<vmem_shared>> -> memref<10000x64xf32, #tpu.memory_space<vmem_shared>>
      tpu.enqueue_indirect_dma source(%dma_start3A_380 : memref<80x64xf32, #tpu.memory_space<vmem>>) target(%dma_start3A_386 : memref<10000x64xf32, #tpu.memory_space<vmem_shared>>) offsets(%dma_start3A_383 : memref<80xi32, #tpu.memory_space<vmem>>) semaphore(%arg18 : memref<!tpu.dma_semaphore, #tpu.memory_space<semaphore_mem>>) {add = true}
      %dma_wait3A_387 = arith.constant 0 : i32
      %dma_wait3A_388 = arith.constant 0 : i32
      %dma_wait3A_389 = arith.constant 0 : i32
      %dma_wait3A_390 = tpu.memref_slice %arg11[%dma_wait3A_387, %dma_wait3A_388, %dma_wait3A_389] : memref<4x80x64xf32, #tpu.memory_space<vmem>> -> memref<1x80x64xf32, #tpu.memory_space<vmem>>
      %dma_wait3A_391 = tpu.memref_squeeze %dma_wait3A_390 : memref<1x80x64xf32, #tpu.memory_space<vmem>> -> memref<80x64xf32, #tpu.memory_space<vmem>>
      %dma_wait3A_392 = arith.constant 0 : i32
      %dma_wait3A_393 = arith.constant 0 : i32
      %dma_wait3A_394 = tpu.memref_slice %arg20[%dma_wait3A_392, %dma_wait3A_393] : memref<10000x64xf32, #tpu.memory_space<vmem_shared>> -> memref<80x64xf32, #tpu.memory_space<vmem_shared>>
      %dma_wait3A_395 = arith.constant 0 : i32
      %dma_wait3A_396 = arith.constant 0 : i32
      %dma_wait3A_397 = tpu.memref_slice %arg20[%dma_wait3A_395, %dma_wait3A_396] : memref<10000x64xf32, #tpu.memory_space<vmem_shared>> -> memref<80x64xf32, #tpu.memory_space<vmem_shared>>
      %dma_wait3A_398 = arith.constant 0 : i32
      %dma_wait3A_399 = arith.constant 0 : i32
      %dma_wait3A_400 = tpu.memref_slice %arg11[%dma_wait3A_387, %dma_wait3A_398, %dma_wait3A_399] : memref<4x80x64xf32, #tpu.memory_space<vmem>> -> memref<1x80x64xf32, #tpu.memory_space<vmem>>
      %dma_wait3A_401 = tpu.memref_squeeze %dma_wait3A_400 : memref<1x80x64xf32, #tpu.memory_space<vmem>> -> memref<80x64xf32, #tpu.memory_space<vmem>>
      tpu.wait_dma2 semaphore(%arg16 : memref<!tpu.dma_semaphore, #tpu.memory_space<semaphore_mem>>) src(%dma_wait3A_401 : memref<80x64xf32, #tpu.memory_space<vmem>>) dst(%dma_wait3A_397 : memref<80x64xf32, #tpu.memory_space<vmem_shared>>)
      %add3A_402 = arith.constant 0 : i32
      %add3A_403 = arith.addi %add3A_358, %add3A_402 : i32
      %add3A_404 = arith.constant 2 : i32
      %add3A_405 = arith.addi %add3A_403, %add3A_404 : i32
      %dma_start3A_406 = arith.constant 0 : i32
      %dma_start3A_407 = arith.constant 0 : i32
      %dma_start3A_408 = arith.constant 0 : i32
      %dma_start3A_409 = tpu.memref_slice %arg11[%dma_start3A_406, %dma_start3A_407, %dma_start3A_408] : memref<4x80x64xf32, #tpu.memory_space<vmem>> -> memref<1x80x64xf32, #tpu.memory_space<vmem>>
      %dma_start3A_410 = tpu.memref_squeeze %dma_start3A_409 : memref<1x80x64xf32, #tpu.memory_space<vmem>> -> memref<80x64xf32, #tpu.memory_space<vmem>>
      %dma_start3A_411 = arith.constant 0 : i32
      %dma_start3A_412 = tpu.memref_slice %arg9[%add3A_405, %dma_start3A_411] : memref<250x80xi32, #tpu.memory_space<vmem>> -> memref<1x80xi32, #tpu.memory_space<vmem>>
      %dma_start3A_413 = tpu.memref_squeeze %dma_start3A_412 : memref<1x80xi32, #tpu.memory_space<vmem>> -> memref<80xi32, #tpu.memory_space<vmem>>
      %dma_start3A_414 = arith.constant 0 : i32
      %dma_start3A_415 = arith.constant 0 : i32
      %dma_start3A_416 = tpu.memref_slice %arg2[%dma_start3A_414, %dma_start3A_415] : memref<20000x64xf32, #tpu.memory_space<hbm>> -> memref<20000x64xf32, #tpu.memory_space<hbm>>
      tpu.enqueue_indirect_dma source(%dma_start3A_416 : memref<20000x64xf32, #tpu.memory_space<hbm>>) target(%dma_start3A_410 : memref<80x64xf32, #tpu.memory_space<vmem>>) offsets(%dma_start3A_413 : memref<80xi32, #tpu.memory_space<vmem>>) semaphore(%arg12 : memref<!tpu.dma_semaphore, #tpu.memory_space<semaphore_mem>>)
      %dma_wait3A_417 = arith.constant 3 : i32
      %dma_wait3A_418 = arith.constant 0 : i32
      %dma_wait3A_419 = arith.constant 0 : i32
      %dma_wait3A_420 = tpu.memref_slice %arg11[%dma_wait3A_417, %dma_wait3A_418, %dma_wait3A_419] : memref<4x80x64xf32, #tpu.memory_space<vmem>> -> memref<1x80x64xf32, #tpu.memory_space<vmem>>
      %dma_wait3A_421 = tpu.memref_squeeze %dma_wait3A_420 : memref<1x80x64xf32, #tpu.memory_space<vmem>> -> memref<80x64xf32, #tpu.memory_space<vmem>>
      %dma_wait3A_422 = arith.constant 0 : i32
      %dma_wait3A_423 = arith.constant 0 : i32
      %dma_wait3A_424 = tpu.memref_slice %arg2[%dma_wait3A_422, %dma_wait3A_423] : memref<20000x64xf32, #tpu.memory_space<hbm>> -> memref<80x64xf32, #tpu.memory_space<hbm>>
      %dma_wait3A_425 = arith.constant 0 : i32
      %dma_wait3A_426 = arith.constant 0 : i32
      %dma_wait3A_427 = tpu.memref_slice %arg11[%dma_wait3A_417, %dma_wait3A_425, %dma_wait3A_426] : memref<4x80x64xf32, #tpu.memory_space<vmem>> -> memref<1x80x64xf32, #tpu.memory_space<vmem>>
      %dma_wait3A_428 = tpu.memref_squeeze %dma_wait3A_427 : memref<1x80x64xf32, #tpu.memory_space<vmem>> -> memref<80x64xf32, #tpu.memory_space<vmem>>
      %dma_wait3A_429 = arith.constant 0 : i32
      %dma_wait3A_430 = arith.constant 0 : i32
      %dma_wait3A_431 = tpu.memref_slice %arg2[%dma_wait3A_429, %dma_wait3A_430] : memref<20000x64xf32, #tpu.memory_space<hbm>> -> memref<80x64xf32, #tpu.memory_space<hbm>>
      tpu.wait_dma2 semaphore(%arg15 : memref<!tpu.dma_semaphore, #tpu.memory_space<semaphore_mem>>) src(%dma_wait3A_431 : memref<80x64xf32, #tpu.memory_space<hbm>>) dst(%dma_wait3A_428 : memref<80x64xf32, #tpu.memory_space<vmem>>)
      %add3A_432 = arith.constant 1 : i32
      %add3A_433 = arith.addi %add3A_358, %add3A_432 : i32
      %dma_start3A_434 = arith.constant 3 : i32
      %dma_start3A_435 = arith.constant 0 : i32
      %dma_start3A_436 = arith.constant 0 : i32
      %dma_start3A_437 = tpu.memref_slice %arg11[%dma_start3A_434, %dma_start3A_435, %dma_start3A_436] : memref<4x80x64xf32, #tpu.memory_space<vmem>> -> memref<1x80x64xf32, #tpu.memory_space<vmem>>
      %dma_start3A_438 = tpu.memref_squeeze %dma_start3A_437 : memref<1x80x64xf32, #tpu.memory_space<vmem>> -> memref<80x64xf32, #tpu.memory_space<vmem>>
      %dma_start3A_439 = arith.constant 0 : i32
      %dma_start3A_440 = tpu.memref_slice %arg10[%add3A_433, %dma_start3A_439] : memref<250x80xi32, #tpu.memory_space<vmem>> -> memref<1x80xi32, #tpu.memory_space<vmem>>
      %dma_start3A_441 = tpu.memref_squeeze %dma_start3A_440 : memref<1x80xi32, #tpu.memory_space<vmem>> -> memref<80xi32, #tpu.memory_space<vmem>>
      %dma_start3A_442 = arith.constant 0 : i32
      %dma_start3A_443 = arith.constant 0 : i32
      %dma_start3A_444 = tpu.memref_slice %arg20[%dma_start3A_442, %dma_start3A_443] : memref<10000x64xf32, #tpu.memory_space<vmem_shared>> -> memref<10000x64xf32, #tpu.memory_space<vmem_shared>>
      tpu.enqueue_indirect_dma source(%dma_start3A_438 : memref<80x64xf32, #tpu.memory_space<vmem>>) target(%dma_start3A_444 : memref<10000x64xf32, #tpu.memory_space<vmem_shared>>) offsets(%dma_start3A_441 : memref<80xi32, #tpu.memory_space<vmem>>) semaphore(%arg19 : memref<!tpu.dma_semaphore, #tpu.memory_space<semaphore_mem>>) {add = true}
      %dma_wait3A_445 = arith.constant 1 : i32
      %dma_wait3A_446 = arith.constant 0 : i32
      %dma_wait3A_447 = arith.constant 0 : i32
      %dma_wait3A_448 = tpu.memref_slice %arg11[%dma_wait3A_445, %dma_wait3A_446, %dma_wait3A_447] : memref<4x80x64xf32, #tpu.memory_space<vmem>> -> memref<1x80x64xf32, #tpu.memory_space<vmem>>
      %dma_wait3A_449 = tpu.memref_squeeze %dma_wait3A_448 : memref<1x80x64xf32, #tpu.memory_space<vmem>> -> memref<80x64xf32, #tpu.memory_space<vmem>>
      %dma_wait3A_450 = arith.constant 0 : i32
      %dma_wait3A_451 = arith.constant 0 : i32
      %dma_wait3A_452 = tpu.memref_slice %arg20[%dma_wait3A_450, %dma_wait3A_451] : memref<10000x64xf32, #tpu.memory_space<vmem_shared>> -> memref<80x64xf32, #tpu.memory_space<vmem_shared>>
      %dma_wait3A_453 = arith.constant 0 : i32
      %dma_wait3A_454 = arith.constant 0 : i32
      %dma_wait3A_455 = tpu.memref_slice %arg20[%dma_wait3A_453, %dma_wait3A_454] : memref<10000x64xf32, #tpu.memory_space<vmem_shared>> -> memref<80x64xf32, #tpu.memory_space<vmem_shared>>
      %dma_wait3A_456 = arith.constant 0 : i32
      %dma_wait3A_457 = arith.constant 0 : i32
      %dma_wait3A_458 = tpu.memref_slice %arg11[%dma_wait3A_445, %dma_wait3A_456, %dma_wait3A_457] : memref<4x80x64xf32, #tpu.memory_space<vmem>> -> memref<1x80x64xf32, #tpu.memory_space<vmem>>
      %dma_wait3A_459 = tpu.memref_squeeze %dma_wait3A_458 : memref<1x80x64xf32, #tpu.memory_space<vmem>> -> memref<80x64xf32, #tpu.memory_space<vmem>>
      tpu.wait_dma2 semaphore(%arg17 : memref<!tpu.dma_semaphore, #tpu.memory_space<semaphore_mem>>) src(%dma_wait3A_459 : memref<80x64xf32, #tpu.memory_space<vmem>>) dst(%dma_wait3A_455 : memref<80x64xf32, #tpu.memory_space<vmem_shared>>)
      %add3A_460 = arith.constant 1 : i32
      %add3A_461 = arith.addi %add3A_358, %add3A_460 : i32
      %add3A_462 = arith.constant 2 : i32
      %add3A_463 = arith.addi %add3A_461, %add3A_462 : i32
      %dma_start3A_464 = arith.constant 1 : i32
      %dma_start3A_465 = arith.constant 0 : i32
      %dma_start3A_466 = arith.constant 0 : i32
      %dma_start3A_467 = tpu.memref_slice %arg11[%dma_start3A_464, %dma_start3A_465, %dma_start3A_466] : memref<4x80x64xf32, #tpu.memory_space<vmem>> -> memref<1x80x64xf32, #tpu.memory_space<vmem>>
      %dma_start3A_468 = tpu.memref_squeeze %dma_start3A_467 : memref<1x80x64xf32, #tpu.memory_space<vmem>> -> memref<80x64xf32, #tpu.memory_space<vmem>>
      %dma_start3A_469 = arith.constant 0 : i32
      %dma_start3A_470 = tpu.memref_slice %arg9[%add3A_463, %dma_start3A_469] : memref<250x80xi32, #tpu.memory_space<vmem>> -> memref<1x80xi32, #tpu.memory_space<vmem>>
      %dma_start3A_471 = tpu.memref_squeeze %dma_start3A_470 : memref<1x80xi32, #tpu.memory_space<vmem>> -> memref<80xi32, #tpu.memory_space<vmem>>
      %dma_start3A_472 = arith.constant 0 : i32
      %dma_start3A_473 = arith.constant 0 : i32
      %dma_start3A_474 = tpu.memref_slice %arg2[%dma_start3A_472, %dma_start3A_473] : memref<20000x64xf32, #tpu.memory_space<hbm>> -> memref<20000x64xf32, #tpu.memory_space<hbm>>
      tpu.enqueue_indirect_dma source(%dma_start3A_474 : memref<20000x64xf32, #tpu.memory_space<hbm>>) target(%dma_start3A_468 : memref<80x64xf32, #tpu.memory_space<vmem>>) offsets(%dma_start3A_471 : memref<80xi32, #tpu.memory_space<vmem>>) semaphore(%arg13 : memref<!tpu.dma_semaphore, #tpu.memory_space<semaphore_mem>>)
      %dma_wait3A_475 = arith.constant 0 : i32
      %dma_wait3A_476 = arith.constant 0 : i32
      %dma_wait3A_477 = arith.constant 0 : i32
      %dma_wait3A_478 = tpu.memref_slice %arg11[%dma_wait3A_475, %dma_wait3A_476, %dma_wait3A_477] : memref<4x80x64xf32, #tpu.memory_space<vmem>> -> memref<1x80x64xf32, #tpu.memory_space<vmem>>
      %dma_wait3A_479 = tpu.memref_squeeze %dma_wait3A_478 : memref<1x80x64xf32, #tpu.memory_space<vmem>> -> memref<80x64xf32, #tpu.memory_space<vmem>>
      %dma_wait3A_480 = arith.constant 0 : i32
      %dma_wait3A_481 = arith.constant 0 : i32
      %dma_wait3A_482 = tpu.memref_slice %arg2[%dma_wait3A_480, %dma_wait3A_481] : memref<20000x64xf32, #tpu.memory_space<hbm>> -> memref<80x64xf32, #tpu.memory_space<hbm>>
      %dma_wait3A_483 = arith.constant 0 : i32
      %dma_wait3A_484 = arith.constant 0 : i32
      %dma_wait3A_485 = tpu.memref_slice %arg11[%dma_wait3A_475, %dma_wait3A_483, %dma_wait3A_484] : memref<4x80x64xf32, #tpu.memory_space<vmem>> -> memref<1x80x64xf32, #tpu.memory_space<vmem>>
      %dma_wait3A_486 = tpu.memref_squeeze %dma_wait3A_485 : memref<1x80x64xf32, #tpu.memory_space<vmem>> -> memref<80x64xf32, #tpu.memory_space<vmem>>
      %dma_wait3A_487 = arith.constant 0 : i32
      %dma_wait3A_488 = arith.constant 0 : i32
      %dma_wait3A_489 = tpu.memref_slice %arg2[%dma_wait3A_487, %dma_wait3A_488] : memref<20000x64xf32, #tpu.memory_space<hbm>> -> memref<80x64xf32, #tpu.memory_space<hbm>>
      tpu.wait_dma2 semaphore(%arg12 : memref<!tpu.dma_semaphore, #tpu.memory_space<semaphore_mem>>) src(%dma_wait3A_489 : memref<80x64xf32, #tpu.memory_space<hbm>>) dst(%dma_wait3A_486 : memref<80x64xf32, #tpu.memory_space<vmem>>)
      %add3A_490 = arith.constant 2 : i32
      %add3A_491 = arith.addi %add3A_358, %add3A_490 : i32
      %dma_start3A_492 = arith.constant 0 : i32
      %dma_start3A_493 = arith.constant 0 : i32
      %dma_start3A_494 = arith.constant 0 : i32
      %dma_start3A_495 = tpu.memref_slice %arg11[%dma_start3A_492, %dma_start3A_493, %dma_start3A_494] : memref<4x80x64xf32, #tpu.memory_space<vmem>> -> memref<1x80x64xf32, #tpu.memory_space<vmem>>
      %dma_start3A_496 = tpu.memref_squeeze %dma_start3A_495 : memref<1x80x64xf32, #tpu.memory_space<vmem>> -> memref<80x64xf32, #tpu.memory_space<vmem>>
      %dma_start3A_497 = arith.constant 0 : i32
      %dma_start3A_498 = tpu.memref_slice %arg10[%add3A_491, %dma_start3A_497] : memref<250x80xi32, #tpu.memory_space<vmem>> -> memref<1x80xi32, #tpu.memory_space<vmem>>
      %dma_start3A_499 = tpu.memref_squeeze %dma_start3A_498 : memref<1x80xi32, #tpu.memory_space<vmem>> -> memref<80xi32, #tpu.memory_space<vmem>>
      %dma_start3A_500 = arith.constant 0 : i32
      %dma_start3A_501 = arith.constant 0 : i32
      %dma_start3A_502 = tpu.memref_slice %arg20[%dma_start3A_500, %dma_start3A_501] : memref<10000x64xf32, #tpu.memory_space<vmem_shared>> -> memref<10000x64xf32, #tpu.memory_space<vmem_shared>>
      tpu.enqueue_indirect_dma source(%dma_start3A_496 : memref<80x64xf32, #tpu.memory_space<vmem>>) target(%dma_start3A_502 : memref<10000x64xf32, #tpu.memory_space<vmem_shared>>) offsets(%dma_start3A_499 : memref<80xi32, #tpu.memory_space<vmem>>) semaphore(%arg16 : memref<!tpu.dma_semaphore, #tpu.memory_space<semaphore_mem>>) {add = true}
      %dma_wait3A_503 = arith.constant 2 : i32
      %dma_wait3A_504 = arith.constant 0 : i32
      %dma_wait3A_505 = arith.constant 0 : i32
      %dma_wait3A_506 = tpu.memref_slice %arg11[%dma_wait3A_503, %dma_wait3A_504, %dma_wait3A_505] : memref<4x80x64xf32, #tpu.memory_space<vmem>> -> memref<1x80x64xf32, #tpu.memory_space<vmem>>
      %dma_wait3A_507 = tpu.memref_squeeze %dma_wait3A_506 : memref<1x80x64xf32, #tpu.memory_space<vmem>> -> memref<80x64xf32, #tpu.memory_space<vmem>>
      %dma_wait3A_508 = arith.constant 0 : i32
      %dma_wait3A_509 = arith.constant 0 : i32
      %dma_wait3A_510 = tpu.memref_slice %arg20[%dma_wait3A_508, %dma_wait3A_509] : memref<10000x64xf32, #tpu.memory_space<vmem_shared>> -> memref<80x64xf32, #tpu.memory_space<vmem_shared>>
      %dma_wait3A_511 = arith.constant 0 : i32
      %dma_wait3A_512 = arith.constant 0 : i32
      %dma_wait3A_513 = tpu.memref_slice %arg20[%dma_wait3A_511, %dma_wait3A_512] : memref<10000x64xf32, #tpu.memory_space<vmem_shared>> -> memref<80x64xf32, #tpu.memory_space<vmem_shared>>
      %dma_wait3A_514 = arith.constant 0 : i32
      %dma_wait3A_515 = arith.constant 0 : i32
      %dma_wait3A_516 = tpu.memref_slice %arg11[%dma_wait3A_503, %dma_wait3A_514, %dma_wait3A_515] : memref<4x80x64xf32, #tpu.memory_space<vmem>> -> memref<1x80x64xf32, #tpu.memory_space<vmem>>
      %dma_wait3A_517 = tpu.memref_squeeze %dma_wait3A_516 : memref<1x80x64xf32, #tpu.memory_space<vmem>> -> memref<80x64xf32, #tpu.memory_space<vmem>>
      tpu.wait_dma2 semaphore(%arg18 : memref<!tpu.dma_semaphore, #tpu.memory_space<semaphore_mem>>) src(%dma_wait3A_517 : memref<80x64xf32, #tpu.memory_space<vmem>>) dst(%dma_wait3A_513 : memref<80x64xf32, #tpu.memory_space<vmem_shared>>)
      %add3A_518 = arith.constant 2 : i32
      %add3A_519 = arith.addi %add3A_358, %add3A_518 : i32
      %add3A_520 = arith.constant 2 : i32
      %add3A_521 = arith.addi %add3A_519, %add3A_520 : i32
      %dma_start3A_522 = arith.constant 2 : i32
      %dma_start3A_523 = arith.constant 0 : i32
      %dma_start3A_524 = arith.constant 0 : i32
      %dma_start3A_525 = tpu.memref_slice %arg11[%dma_start3A_522, %dma_start3A_523, %dma_start3A_524] : memref<4x80x64xf32, #tpu.memory_space<vmem>> -> memref<1x80x64xf32, #tpu.memory_space<vmem>>
      %dma_start3A_526 = tpu.memref_squeeze %dma_start3A_525 : memref<1x80x64xf32, #tpu.memory_space<vmem>> -> memref<80x64xf32, #tpu.memory_space<vmem>>
      %dma_start3A_527 = arith.constant 0 : i32
      %dma_start3A_528 = tpu.memref_slice %arg9[%add3A_521, %dma_start3A_527] : memref<250x80xi32, #tpu.memory_space<vmem>> -> memref<1x80xi32, #tpu.memory_space<vmem>>
      %dma_start3A_529 = tpu.memref_squeeze %dma_start3A_528 : memref<1x80xi32, #tpu.memory_space<vmem>> -> memref<80xi32, #tpu.memory_space<vmem>>
      %dma_start3A_530 = arith.constant 0 : i32
      %dma_start3A_531 = arith.constant 0 : i32
      %dma_start3A_532 = tpu.memref_slice %arg2[%dma_start3A_530, %dma_start3A_531] : memref<20000x64xf32, #tpu.memory_space<hbm>> -> memref<20000x64xf32, #tpu.memory_space<hbm>>
      tpu.enqueue_indirect_dma source(%dma_start3A_532 : memref<20000x64xf32, #tpu.memory_space<hbm>>) target(%dma_start3A_526 : memref<80x64xf32, #tpu.memory_space<vmem>>) offsets(%dma_start3A_529 : memref<80xi32, #tpu.memory_space<vmem>>) semaphore(%arg14 : memref<!tpu.dma_semaphore, #tpu.memory_space<semaphore_mem>>)
      %dma_wait3A_533 = arith.constant 1 : i32
      %dma_wait3A_534 = arith.constant 0 : i32
      %dma_wait3A_535 = arith.constant 0 : i32
      %dma_wait3A_536 = tpu.memref_slice %arg11[%dma_wait3A_533, %dma_wait3A_534, %dma_wait3A_535] : memref<4x80x64xf32, #tpu.memory_space<vmem>> -> memref<1x80x64xf32, #tpu.memory_space<vmem>>
      %dma_wait3A_537 = tpu.memref_squeeze %dma_wait3A_536 : memref<1x80x64xf32, #tpu.memory_space<vmem>> -> memref<80x64xf32, #tpu.memory_space<vmem>>
      %dma_wait3A_538 = arith.constant 0 : i32
      %dma_wait3A_539 = arith.constant 0 : i32
      %dma_wait3A_540 = tpu.memref_slice %arg2[%dma_wait3A_538, %dma_wait3A_539] : memref<20000x64xf32, #tpu.memory_space<hbm>> -> memref<80x64xf32, #tpu.memory_space<hbm>>
      %dma_wait3A_541 = arith.constant 0 : i32
      %dma_wait3A_542 = arith.constant 0 : i32
      %dma_wait3A_543 = tpu.memref_slice %arg11[%dma_wait3A_533, %dma_wait3A_541, %dma_wait3A_542] : memref<4x80x64xf32, #tpu.memory_space<vmem>> -> memref<1x80x64xf32, #tpu.memory_space<vmem>>
      %dma_wait3A_544 = tpu.memref_squeeze %dma_wait3A_543 : memref<1x80x64xf32, #tpu.memory_space<vmem>> -> memref<80x64xf32, #tpu.memory_space<vmem>>
      %dma_wait3A_545 = arith.constant 0 : i32
      %dma_wait3A_546 = arith.constant 0 : i32
      %dma_wait3A_547 = tpu.memref_slice %arg2[%dma_wait3A_545, %dma_wait3A_546] : memref<20000x64xf32, #tpu.memory_space<hbm>> -> memref<80x64xf32, #tpu.memory_space<hbm>>
      tpu.wait_dma2 semaphore(%arg13 : memref<!tpu.dma_semaphore, #tpu.memory_space<semaphore_mem>>) src(%dma_wait3A_547 : memref<80x64xf32, #tpu.memory_space<hbm>>) dst(%dma_wait3A_544 : memref<80x64xf32, #tpu.memory_space<vmem>>)
      %add3A_548 = arith.constant 3 : i32
      %add3A_549 = arith.addi %add3A_358, %add3A_548 : i32
      %dma_start3A_550 = arith.constant 1 : i32
      %dma_start3A_551 = arith.constant 0 : i32
      %dma_start3A_552 = arith.constant 0 : i32
      %dma_start3A_553 = tpu.memref_slice %arg11[%dma_start3A_550, %dma_start3A_551, %dma_start3A_552] : memref<4x80x64xf32, #tpu.memory_space<vmem>> -> memref<1x80x64xf32, #tpu.memory_space<vmem>>
      %dma_start3A_554 = tpu.memref_squeeze %dma_start3A_553 : memref<1x80x64xf32, #tpu.memory_space<vmem>> -> memref<80x64xf32, #tpu.memory_space<vmem>>
      %dma_start3A_555 = arith.constant 0 : i32
      %dma_start3A_556 = tpu.memref_slice %arg10[%add3A_549, %dma_start3A_555] : memref<250x80xi32, #tpu.memory_space<vmem>> -> memref<1x80xi32, #tpu.memory_space<vmem>>
      %dma_start3A_557 = tpu.memref_squeeze %dma_start3A_556 : memref<1x80xi32, #tpu.memory_space<vmem>> -> memref<80xi32, #tpu.memory_space<vmem>>
      %dma_start3A_558 = arith.constant 0 : i32
      %dma_start3A_559 = arith.constant 0 : i32
      %dma_start3A_560 = tpu.memref_slice %arg20[%dma_start3A_558, %dma_start3A_559] : memref<10000x64xf32, #tpu.memory_space<vmem_shared>> -> memref<10000x64xf32, #tpu.memory_space<vmem_shared>>
      tpu.enqueue_indirect_dma source(%dma_start3A_554 : memref<80x64xf32, #tpu.memory_space<vmem>>) target(%dma_start3A_560 : memref<10000x64xf32, #tpu.memory_space<vmem_shared>>) offsets(%dma_start3A_557 : memref<80xi32, #tpu.memory_space<vmem>>) semaphore(%arg17 : memref<!tpu.dma_semaphore, #tpu.memory_space<semaphore_mem>>) {add = true}
      %dma_wait3A_561 = arith.constant 3 : i32
      %dma_wait3A_562 = arith.constant 0 : i32
      %dma_wait3A_563 = arith.constant 0 : i32
      %dma_wait3A_564 = tpu.memref_slice %arg11[%dma_wait3A_561, %dma_wait3A_562, %dma_wait3A_563] : memref<4x80x64xf32, #tpu.memory_space<vmem>> -> memref<1x80x64xf32, #tpu.memory_space<vmem>>
      %dma_wait3A_565 = tpu.memref_squeeze %dma_wait3A_564 : memref<1x80x64xf32, #tpu.memory_space<vmem>> -> memref<80x64xf32, #tpu.memory_space<vmem>>
      %dma_wait3A_566 = arith.constant 0 : i32
      %dma_wait3A_567 = arith.constant 0 : i32
      %dma_wait3A_568 = tpu.memref_slice %arg20[%dma_wait3A_566, %dma_wait3A_567] : memref<10000x64xf32, #tpu.memory_space<vmem_shared>> -> memref<80x64xf32, #tpu.memory_space<vmem_shared>>
      %dma_wait3A_569 = arith.constant 0 : i32
      %dma_wait3A_570 = arith.constant 0 : i32
      %dma_wait3A_571 = tpu.memref_slice %arg20[%dma_wait3A_569, %dma_wait3A_570] : memref<10000x64xf32, #tpu.memory_space<vmem_shared>> -> memref<80x64xf32, #tpu.memory_space<vmem_shared>>
      %dma_wait3A_572 = arith.constant 0 : i32
      %dma_wait3A_573 = arith.constant 0 : i32
      %dma_wait3A_574 = tpu.memref_slice %arg11[%dma_wait3A_561, %dma_wait3A_572, %dma_wait3A_573] : memref<4x80x64xf32, #tpu.memory_space<vmem>> -> memref<1x80x64xf32, #tpu.memory_space<vmem>>
      %dma_wait3A_575 = tpu.memref_squeeze %dma_wait3A_574 : memref<1x80x64xf32, #tpu.memory_space<vmem>> -> memref<80x64xf32, #tpu.memory_space<vmem>>
      tpu.wait_dma2 semaphore(%arg19 : memref<!tpu.dma_semaphore, #tpu.memory_space<semaphore_mem>>) src(%dma_wait3A_575 : memref<80x64xf32, #tpu.memory_space<vmem>>) dst(%dma_wait3A_571 : memref<80x64xf32, #tpu.memory_space<vmem_shared>>)
      %add3A_576 = arith.constant 3 : i32
      %add3A_577 = arith.addi %add3A_358, %add3A_576 : i32
      %add3A_578 = arith.constant 2 : i32
      %add3A_579 = arith.addi %add3A_577, %add3A_578 : i32
      %dma_start3A_580 = arith.constant 3 : i32
      %dma_start3A_581 = arith.constant 0 : i32
      %dma_start3A_582 = arith.constant 0 : i32
      %dma_start3A_583 = tpu.memref_slice %arg11[%dma_start3A_580, %dma_start3A_581, %dma_start3A_582] : memref<4x80x64xf32, #tpu.memory_space<vmem>> -> memref<1x80x64xf32, #tpu.memory_space<vmem>>
      %dma_start3A_584 = tpu.memref_squeeze %dma_start3A_583 : memref<1x80x64xf32, #tpu.memory_space<vmem>> -> memref<80x64xf32, #tpu.memory_space<vmem>>
      %dma_start3A_585 = arith.constant 0 : i32
      %dma_start3A_586 = tpu.memref_slice %arg9[%add3A_579, %dma_start3A_585] : memref<250x80xi32, #tpu.memory_space<vmem>> -> memref<1x80xi32, #tpu.memory_space<vmem>>
      %dma_start3A_587 = tpu.memref_squeeze %dma_start3A_586 : memref<1x80xi32, #tpu.memory_space<vmem>> -> memref<80xi32, #tpu.memory_space<vmem>>
      %dma_start3A_588 = arith.constant 0 : i32
      %dma_start3A_589 = arith.constant 0 : i32
      %dma_start3A_590 = tpu.memref_slice %arg2[%dma_start3A_588, %dma_start3A_589] : memref<20000x64xf32, #tpu.memory_space<hbm>> -> memref<20000x64xf32, #tpu.memory_space<hbm>>
      tpu.enqueue_indirect_dma source(%dma_start3A_590 : memref<20000x64xf32, #tpu.memory_space<hbm>>) target(%dma_start3A_584 : memref<80x64xf32, #tpu.memory_space<vmem>>) offsets(%dma_start3A_587 : memref<80xi32, #tpu.memory_space<vmem>>) semaphore(%arg15 : memref<!tpu.dma_semaphore, #tpu.memory_space<semaphore_mem>>)
    }
    %scan3A_121 = arith.constant 61 : i32
    %dma_wait3A_122 = arith.constant 2 : i32
    %dma_wait3A_123 = arith.constant 0 : i32
    %dma_wait3A_124 = arith.constant 0 : i32
    %dma_wait3A_125 = tpu.memref_slice %arg11[%dma_wait3A_122, %dma_wait3A_123, %dma_wait3A_124] : memref<4x80x64xf32, #tpu.memory_space<vmem>> -> memref<1x80x64xf32, #tpu.memory_space<vmem>>
    %dma_wait3A_126 = tpu.memref_squeeze %dma_wait3A_125 : memref<1x80x64xf32, #tpu.memory_space<vmem>> -> memref<80x64xf32, #tpu.memory_space<vmem>>
    %dma_wait3A_127 = arith.constant 0 : i32
    %dma_wait3A_128 = arith.constant 0 : i32
    %dma_wait3A_129 = tpu.memref_slice %arg2[%dma_wait3A_127, %dma_wait3A_128] : memref<20000x64xf32, #tpu.memory_space<hbm>> -> memref<80x64xf32, #tpu.memory_space<hbm>>
    %dma_wait3A_130 = arith.constant 0 : i32
    %dma_wait3A_131 = arith.constant 0 : i32
    %dma_wait3A_132 = tpu.memref_slice %arg11[%dma_wait3A_122, %dma_wait3A_130, %dma_wait3A_131] : memref<4x80x64xf32, #tpu.memory_space<vmem>> -> memref<1x80x64xf32, #tpu.memory_space<vmem>>
    %dma_wait3A_133 = tpu.memref_squeeze %dma_wait3A_132 : memref<1x80x64xf32, #tpu.memory_space<vmem>> -> memref<80x64xf32, #tpu.memory_space<vmem>>
    %dma_wait3A_134 = arith.constant 0 : i32
    %dma_wait3A_135 = arith.constant 0 : i32
    %dma_wait3A_136 = tpu.memref_slice %arg2[%dma_wait3A_134, %dma_wait3A_135] : memref<20000x64xf32, #tpu.memory_space<hbm>> -> memref<80x64xf32, #tpu.memory_space<hbm>>
    tpu.wait_dma2 semaphore(%arg14 : memref<!tpu.dma_semaphore, #tpu.memory_space<semaphore_mem>>) src(%dma_wait3A_136 : memref<80x64xf32, #tpu.memory_space<hbm>>) dst(%dma_wait3A_133 : memref<80x64xf32, #tpu.memory_space<vmem>>)
    %dma_start3A_137 = arith.constant 2 : i32
    %dma_start3A_138 = arith.constant 246 : i32
    %dma_start3A_139 = arith.constant 0 : i32
    %dma_start3A_140 = arith.constant 0 : i32
    %dma_start3A_141 = tpu.memref_slice %arg11[%dma_start3A_137, %dma_start3A_139, %dma_start3A_140] : memref<4x80x64xf32, #tpu.memory_space<vmem>> -> memref<1x80x64xf32, #tpu.memory_space<vmem>>
    %dma_start3A_142 = tpu.memref_squeeze %dma_start3A_141 : memref<1x80x64xf32, #tpu.memory_space<vmem>> -> memref<80x64xf32, #tpu.memory_space<vmem>>
    %dma_start3A_143 = arith.constant 0 : i32
    %dma_start3A_144 = tpu.memref_slice %arg10[%dma_start3A_138, %dma_start3A_143] : memref<250x80xi32, #tpu.memory_space<vmem>> -> memref<1x80xi32, #tpu.memory_space<vmem>>
    %dma_start3A_145 = tpu.memref_squeeze %dma_start3A_144 : memref<1x80xi32, #tpu.memory_space<vmem>> -> memref<80xi32, #tpu.memory_space<vmem>>
    %dma_start3A_146 = arith.constant 0 : i32
    %dma_start3A_147 = arith.constant 0 : i32
    %dma_start3A_148 = tpu.memref_slice %arg20[%dma_start3A_146, %dma_start3A_147] : memref<10000x64xf32, #tpu.memory_space<vmem_shared>> -> memref<10000x64xf32, #tpu.memory_space<vmem_shared>>
    tpu.enqueue_indirect_dma source(%dma_start3A_142 : memref<80x64xf32, #tpu.memory_space<vmem>>) target(%dma_start3A_148 : memref<10000x64xf32, #tpu.memory_space<vmem_shared>>) offsets(%dma_start3A_145 : memref<80xi32, #tpu.memory_space<vmem>>) semaphore(%arg18 : memref<!tpu.dma_semaphore, #tpu.memory_space<semaphore_mem>>) {add = true}
    %dma_wait3A_149 = arith.constant 0 : i32
    %dma_wait3A_150 = arith.constant 0 : i32
    %dma_wait3A_151 = arith.constant 0 : i32
    %dma_wait3A_152 = tpu.memref_slice %arg11[%dma_wait3A_149, %dma_wait3A_150, %dma_wait3A_151] : memref<4x80x64xf32, #tpu.memory_space<vmem>> -> memref<1x80x64xf32, #tpu.memory_space<vmem>>
    %dma_wait3A_153 = tpu.memref_squeeze %dma_wait3A_152 : memref<1x80x64xf32, #tpu.memory_space<vmem>> -> memref<80x64xf32, #tpu.memory_space<vmem>>
    %dma_wait3A_154 = arith.constant 0 : i32
    %dma_wait3A_155 = arith.constant 0 : i32
    %dma_wait3A_156 = tpu.memref_slice %arg20[%dma_wait3A_154, %dma_wait3A_155] : memref<10000x64xf32, #tpu.memory_space<vmem_shared>> -> memref<80x64xf32, #tpu.memory_space<vmem_shared>>
    %dma_wait3A_157 = arith.constant 0 : i32
    %dma_wait3A_158 = arith.constant 0 : i32
    %dma_wait3A_159 = tpu.memref_slice %arg20[%dma_wait3A_157, %dma_wait3A_158] : memref<10000x64xf32, #tpu.memory_space<vmem_shared>> -> memref<80x64xf32, #tpu.memory_space<vmem_shared>>
    %dma_wait3A_160 = arith.constant 0 : i32
    %dma_wait3A_161 = arith.constant 0 : i32
    %dma_wait3A_162 = tpu.memref_slice %arg11[%dma_wait3A_149, %dma_wait3A_160, %dma_wait3A_161] : memref<4x80x64xf32, #tpu.memory_space<vmem>> -> memref<1x80x64xf32, #tpu.memory_space<vmem>>
    %dma_wait3A_163 = tpu.memref_squeeze %dma_wait3A_162 : memref<1x80x64xf32, #tpu.memory_space<vmem>> -> memref<80x64xf32, #tpu.memory_space<vmem>>
    tpu.wait_dma2 semaphore(%arg16 : memref<!tpu.dma_semaphore, #tpu.memory_space<semaphore_mem>>) src(%dma_wait3A_163 : memref<80x64xf32, #tpu.memory_space<vmem>>) dst(%dma_wait3A_159 : memref<80x64xf32, #tpu.memory_space<vmem_shared>>)
    %dma_start3A_164 = arith.constant 248 : i32
    %dma_start3A_165 = arith.constant 0 : i32
    %dma_start3A_166 = arith.constant 0 : i32
    %dma_start3A_167 = arith.constant 0 : i32
    %dma_start3A_168 = tpu.memref_slice %arg11[%dma_start3A_165, %dma_start3A_166, %dma_start3A_167] : memref<4x80x64xf32, #tpu.memory_space<vmem>> -> memref<1x80x64xf32, #tpu.memory_space<vmem>>
    %dma_start3A_169 = tpu.memref_squeeze %dma_start3A_168 : memref<1x80x64xf32, #tpu.memory_space<vmem>> -> memref<80x64xf32, #tpu.memory_space<vmem>>
    %dma_start3A_170 = arith.constant 0 : i32
    %dma_start3A_171 = tpu.memref_slice %arg9[%dma_start3A_164, %dma_start3A_170] : memref<250x80xi32, #tpu.memory_space<vmem>> -> memref<1x80xi32, #tpu.memory_space<vmem>>
    %dma_start3A_172 = tpu.memref_squeeze %dma_start3A_171 : memref<1x80xi32, #tpu.memory_space<vmem>> -> memref<80xi32, #tpu.memory_space<vmem>>
    %dma_start3A_173 = arith.constant 0 : i32
    %dma_start3A_174 = arith.constant 0 : i32
    %dma_start3A_175 = tpu.memref_slice %arg2[%dma_start3A_173, %dma_start3A_174] : memref<20000x64xf32, #tpu.memory_space<hbm>> -> memref<20000x64xf32, #tpu.memory_space<hbm>>
    tpu.enqueue_indirect_dma source(%dma_start3A_175 : memref<20000x64xf32, #tpu.memory_space<hbm>>) target(%dma_start3A_169 : memref<80x64xf32, #tpu.memory_space<vmem>>) offsets(%dma_start3A_172 : memref<80xi32, #tpu.memory_space<vmem>>) semaphore(%arg12 : memref<!tpu.dma_semaphore, #tpu.memory_space<semaphore_mem>>)
    %dma_wait3A_176 = arith.constant 3 : i32
    %dma_wait3A_177 = arith.constant 0 : i32
    %dma_wait3A_178 = arith.constant 0 : i32
    %dma_wait3A_179 = tpu.memref_slice %arg11[%dma_wait3A_176, %dma_wait3A_177, %dma_wait3A_178] : memref<4x80x64xf32, #tpu.memory_space<vmem>> -> memref<1x80x64xf32, #tpu.memory_space<vmem>>
    %dma_wait3A_180 = tpu.memref_squeeze %dma_wait3A_179 : memref<1x80x64xf32, #tpu.memory_space<vmem>> -> memref<80x64xf32, #tpu.memory_space<vmem>>
    %dma_wait3A_181 = arith.constant 0 : i32
    %dma_wait3A_182 = arith.constant 0 : i32
    %dma_wait3A_183 = tpu.memref_slice %arg2[%dma_wait3A_181, %dma_wait3A_182] : memref<20000x64xf32, #tpu.memory_space<hbm>> -> memref<80x64xf32, #tpu.memory_space<hbm>>
    %dma_wait3A_184 = arith.constant 0 : i32
    %dma_wait3A_185 = arith.constant 0 : i32
    %dma_wait3A_186 = tpu.memref_slice %arg11[%dma_wait3A_176, %dma_wait3A_184, %dma_wait3A_185] : memref<4x80x64xf32, #tpu.memory_space<vmem>> -> memref<1x80x64xf32, #tpu.memory_space<vmem>>
    %dma_wait3A_187 = tpu.memref_squeeze %dma_wait3A_186 : memref<1x80x64xf32, #tpu.memory_space<vmem>> -> memref<80x64xf32, #tpu.memory_space<vmem>>
    %dma_wait3A_188 = arith.constant 0 : i32
    %dma_wait3A_189 = arith.constant 0 : i32
    %dma_wait3A_190 = tpu.memref_slice %arg2[%dma_wait3A_188, %dma_wait3A_189] : memref<20000x64xf32, #tpu.memory_space<hbm>> -> memref<80x64xf32, #tpu.memory_space<hbm>>
    tpu.wait_dma2 semaphore(%arg15 : memref<!tpu.dma_semaphore, #tpu.memory_space<semaphore_mem>>) src(%dma_wait3A_190 : memref<80x64xf32, #tpu.memory_space<hbm>>) dst(%dma_wait3A_187 : memref<80x64xf32, #tpu.memory_space<vmem>>)
    %dma_start3A_191 = arith.constant 3 : i32
    %dma_start3A_192 = arith.constant 247 : i32
    %dma_start3A_193 = arith.constant 0 : i32
    %dma_start3A_194 = arith.constant 0 : i32
    %dma_start3A_195 = tpu.memref_slice %arg11[%dma_start3A_191, %dma_start3A_193, %dma_start3A_194] : memref<4x80x64xf32, #tpu.memory_space<vmem>> -> memref<1x80x64xf32, #tpu.memory_space<vmem>>
    %dma_start3A_196 = tpu.memref_squeeze %dma_start3A_195 : memref<1x80x64xf32, #tpu.memory_space<vmem>> -> memref<80x64xf32, #tpu.memory_space<vmem>>
    %dma_start3A_197 = arith.constant 0 : i32
    %dma_start3A_198 = tpu.memref_slice %arg10[%dma_start3A_192, %dma_start3A_197] : memref<250x80xi32, #tpu.memory_space<vmem>> -> memref<1x80xi32, #tpu.memory_space<vmem>>
    %dma_start3A_199 = tpu.memref_squeeze %dma_start3A_198 : memref<1x80xi32, #tpu.memory_space<vmem>> -> memref<80xi32, #tpu.memory_space<vmem>>
    %dma_start3A_200 = arith.constant 0 : i32
    %dma_start3A_201 = arith.constant 0 : i32
    %dma_start3A_202 = tpu.memref_slice %arg20[%dma_start3A_200, %dma_start3A_201] : memref<10000x64xf32, #tpu.memory_space<vmem_shared>> -> memref<10000x64xf32, #tpu.memory_space<vmem_shared>>
    tpu.enqueue_indirect_dma source(%dma_start3A_196 : memref<80x64xf32, #tpu.memory_space<vmem>>) target(%dma_start3A_202 : memref<10000x64xf32, #tpu.memory_space<vmem_shared>>) offsets(%dma_start3A_199 : memref<80xi32, #tpu.memory_space<vmem>>) semaphore(%arg19 : memref<!tpu.dma_semaphore, #tpu.memory_space<semaphore_mem>>) {add = true}
    %dma_wait3A_203 = arith.constant 1 : i32
    %dma_wait3A_204 = arith.constant 0 : i32
    %dma_wait3A_205 = arith.constant 0 : i32
    %dma_wait3A_206 = tpu.memref_slice %arg11[%dma_wait3A_203, %dma_wait3A_204, %dma_wait3A_205] : memref<4x80x64xf32, #tpu.memory_space<vmem>> -> memref<1x80x64xf32, #tpu.memory_space<vmem>>
    %dma_wait3A_207 = tpu.memref_squeeze %dma_wait3A_206 : memref<1x80x64xf32, #tpu.memory_space<vmem>> -> memref<80x64xf32, #tpu.memory_space<vmem>>
    %dma_wait3A_208 = arith.constant 0 : i32
    %dma_wait3A_209 = arith.constant 0 : i32
    %dma_wait3A_210 = tpu.memref_slice %arg20[%dma_wait3A_208, %dma_wait3A_209] : memref<10000x64xf32, #tpu.memory_space<vmem_shared>> -> memref<80x64xf32, #tpu.memory_space<vmem_shared>>
    %dma_wait3A_211 = arith.constant 0 : i32
    %dma_wait3A_212 = arith.constant 0 : i32
    %dma_wait3A_213 = tpu.memref_slice %arg20[%dma_wait3A_211, %dma_wait3A_212] : memref<10000x64xf32, #tpu.memory_space<vmem_shared>> -> memref<80x64xf32, #tpu.memory_space<vmem_shared>>
    %dma_wait3A_214 = arith.constant 0 : i32
    %dma_wait3A_215 = arith.constant 0 : i32
    %dma_wait3A_216 = tpu.memref_slice %arg11[%dma_wait3A_203, %dma_wait3A_214, %dma_wait3A_215] : memref<4x80x64xf32, #tpu.memory_space<vmem>> -> memref<1x80x64xf32, #tpu.memory_space<vmem>>
    %dma_wait3A_217 = tpu.memref_squeeze %dma_wait3A_216 : memref<1x80x64xf32, #tpu.memory_space<vmem>> -> memref<80x64xf32, #tpu.memory_space<vmem>>
    tpu.wait_dma2 semaphore(%arg17 : memref<!tpu.dma_semaphore, #tpu.memory_space<semaphore_mem>>) src(%dma_wait3A_217 : memref<80x64xf32, #tpu.memory_space<vmem>>) dst(%dma_wait3A_213 : memref<80x64xf32, #tpu.memory_space<vmem_shared>>)
    %dma_start3A_218 = arith.constant 249 : i32
    %dma_start3A_219 = arith.constant 1 : i32
    %dma_start3A_220 = arith.constant 0 : i32
    %dma_start3A_221 = arith.constant 0 : i32
    %dma_start3A_222 = tpu.memref_slice %arg11[%dma_start3A_219, %dma_start3A_220, %dma_start3A_221] : memref<4x80x64xf32, #tpu.memory_space<vmem>> -> memref<1x80x64xf32, #tpu.memory_space<vmem>>
    %dma_start3A_223 = tpu.memref_squeeze %dma_start3A_222 : memref<1x80x64xf32, #tpu.memory_space<vmem>> -> memref<80x64xf32, #tpu.memory_space<vmem>>
    %dma_start3A_224 = arith.constant 0 : i32
    %dma_start3A_225 = tpu.memref_slice %arg9[%dma_start3A_218, %dma_start3A_224] : memref<250x80xi32, #tpu.memory_space<vmem>> -> memref<1x80xi32, #tpu.memory_space<vmem>>
    %dma_start3A_226 = tpu.memref_squeeze %dma_start3A_225 : memref<1x80xi32, #tpu.memory_space<vmem>> -> memref<80xi32, #tpu.memory_space<vmem>>
    %dma_start3A_227 = arith.constant 0 : i32
    %dma_start3A_228 = arith.constant 0 : i32
    %dma_start3A_229 = tpu.memref_slice %arg2[%dma_start3A_227, %dma_start3A_228] : memref<20000x64xf32, #tpu.memory_space<hbm>> -> memref<20000x64xf32, #tpu.memory_space<hbm>>
    tpu.enqueue_indirect_dma source(%dma_start3A_229 : memref<20000x64xf32, #tpu.memory_space<hbm>>) target(%dma_start3A_223 : memref<80x64xf32, #tpu.memory_space<vmem>>) offsets(%dma_start3A_226 : memref<80xi32, #tpu.memory_space<vmem>>) semaphore(%arg13 : memref<!tpu.dma_semaphore, #tpu.memory_space<semaphore_mem>>)
    %dma_wait3A_230 = arith.constant 0 : i32
    %dma_wait3A_231 = arith.constant 0 : i32
    %dma_wait3A_232 = arith.constant 0 : i32
    %dma_wait3A_233 = tpu.memref_slice %arg11[%dma_wait3A_230, %dma_wait3A_231, %dma_wait3A_232] : memref<4x80x64xf32, #tpu.memory_space<vmem>> -> memref<1x80x64xf32, #tpu.memory_space<vmem>>
    %dma_wait3A_234 = tpu.memref_squeeze %dma_wait3A_233 : memref<1x80x64xf32, #tpu.memory_space<vmem>> -> memref<80x64xf32, #tpu.memory_space<vmem>>
    %dma_wait3A_235 = arith.constant 0 : i32
    %dma_wait3A_236 = arith.constant 0 : i32
    %dma_wait3A_237 = tpu.memref_slice %arg2[%dma_wait3A_235, %dma_wait3A_236] : memref<20000x64xf32, #tpu.memory_space<hbm>> -> memref<80x64xf32, #tpu.memory_space<hbm>>
    %dma_wait3A_238 = arith.constant 0 : i32
    %dma_wait3A_239 = arith.constant 0 : i32
    %dma_wait3A_240 = tpu.memref_slice %arg11[%dma_wait3A_230, %dma_wait3A_238, %dma_wait3A_239] : memref<4x80x64xf32, #tpu.memory_space<vmem>> -> memref<1x80x64xf32, #tpu.memory_space<vmem>>
    %dma_wait3A_241 = tpu.memref_squeeze %dma_wait3A_240 : memref<1x80x64xf32, #tpu.memory_space<vmem>> -> memref<80x64xf32, #tpu.memory_space<vmem>>
    %dma_wait3A_242 = arith.constant 0 : i32
    %dma_wait3A_243 = arith.constant 0 : i32
    %dma_wait3A_244 = tpu.memref_slice %arg2[%dma_wait3A_242, %dma_wait3A_243] : memref<20000x64xf32, #tpu.memory_space<hbm>> -> memref<80x64xf32, #tpu.memory_space<hbm>>
    tpu.wait_dma2 semaphore(%arg12 : memref<!tpu.dma_semaphore, #tpu.memory_space<semaphore_mem>>) src(%dma_wait3A_244 : memref<80x64xf32, #tpu.memory_space<hbm>>) dst(%dma_wait3A_241 : memref<80x64xf32, #tpu.memory_space<vmem>>)
    %dma_start3A_245 = arith.constant 0 : i32
    %dma_start3A_246 = arith.constant 248 : i32
    %dma_start3A_247 = arith.constant 0 : i32
    %dma_start3A_248 = arith.constant 0 : i32
    %dma_start3A_249 = tpu.memref_slice %arg11[%dma_start3A_245, %dma_start3A_247, %dma_start3A_248] : memref<4x80x64xf32, #tpu.memory_space<vmem>> -> memref<1x80x64xf32, #tpu.memory_space<vmem>>
    %dma_start3A_250 = tpu.memref_squeeze %dma_start3A_249 : memref<1x80x64xf32, #tpu.memory_space<vmem>> -> memref<80x64xf32, #tpu.memory_space<vmem>>
    %dma_start3A_251 = arith.constant 0 : i32
    %dma_start3A_252 = tpu.memref_slice %arg10[%dma_start3A_246, %dma_start3A_251] : memref<250x80xi32, #tpu.memory_space<vmem>> -> memref<1x80xi32, #tpu.memory_space<vmem>>
    %dma_start3A_253 = tpu.memref_squeeze %dma_start3A_252 : memref<1x80xi32, #tpu.memory_space<vmem>> -> memref<80xi32, #tpu.memory_space<vmem>>
    %dma_start3A_254 = arith.constant 0 : i32
    %dma_start3A_255 = arith.constant 0 : i32
    %dma_start3A_256 = tpu.memref_slice %arg20[%dma_start3A_254, %dma_start3A_255] : memref<10000x64xf32, #tpu.memory_space<vmem_shared>> -> memref<10000x64xf32, #tpu.memory_space<vmem_shared>>
    tpu.enqueue_indirect_dma source(%dma_start3A_250 : memref<80x64xf32, #tpu.memory_space<vmem>>) target(%dma_start3A_256 : memref<10000x64xf32, #tpu.memory_space<vmem_shared>>) offsets(%dma_start3A_253 : memref<80xi32, #tpu.memory_space<vmem>>) semaphore(%arg16 : memref<!tpu.dma_semaphore, #tpu.memory_space<semaphore_mem>>) {add = true}
    %dma_wait3A_257 = arith.constant 2 : i32
    %dma_wait3A_258 = arith.constant 0 : i32
    %dma_wait3A_259 = arith.constant 0 : i32
    %dma_wait3A_260 = tpu.memref_slice %arg11[%dma_wait3A_257, %dma_wait3A_258, %dma_wait3A_259] : memref<4x80x64xf32, #tpu.memory_space<vmem>> -> memref<1x80x64xf32, #tpu.memory_space<vmem>>
    %dma_wait3A_261 = tpu.memref_squeeze %dma_wait3A_260 : memref<1x80x64xf32, #tpu.memory_space<vmem>> -> memref<80x64xf32, #tpu.memory_space<vmem>>
    %dma_wait3A_262 = arith.constant 0 : i32
    %dma_wait3A_263 = arith.constant 0 : i32
    %dma_wait3A_264 = tpu.memref_slice %arg20[%dma_wait3A_262, %dma_wait3A_263] : memref<10000x64xf32, #tpu.memory_space<vmem_shared>> -> memref<80x64xf32, #tpu.memory_space<vmem_shared>>
    %dma_wait3A_265 = arith.constant 0 : i32
    %dma_wait3A_266 = arith.constant 0 : i32
    %dma_wait3A_267 = tpu.memref_slice %arg20[%dma_wait3A_265, %dma_wait3A_266] : memref<10000x64xf32, #tpu.memory_space<vmem_shared>> -> memref<80x64xf32, #tpu.memory_space<vmem_shared>>
    %dma_wait3A_268 = arith.constant 0 : i32
    %dma_wait3A_269 = arith.constant 0 : i32
    %dma_wait3A_270 = tpu.memref_slice %arg11[%dma_wait3A_257, %dma_wait3A_268, %dma_wait3A_269] : memref<4x80x64xf32, #tpu.memory_space<vmem>> -> memref<1x80x64xf32, #tpu.memory_space<vmem>>
    %dma_wait3A_271 = tpu.memref_squeeze %dma_wait3A_270 : memref<1x80x64xf32, #tpu.memory_space<vmem>> -> memref<80x64xf32, #tpu.memory_space<vmem>>
    tpu.wait_dma2 semaphore(%arg18 : memref<!tpu.dma_semaphore, #tpu.memory_space<semaphore_mem>>) src(%dma_wait3A_271 : memref<80x64xf32, #tpu.memory_space<vmem>>) dst(%dma_wait3A_267 : memref<80x64xf32, #tpu.memory_space<vmem_shared>>)
    %dma_wait3A_272 = arith.constant 1 : i32
    %dma_wait3A_273 = arith.constant 0 : i32
    %dma_wait3A_274 = arith.constant 0 : i32
    %dma_wait3A_275 = tpu.memref_slice %arg11[%dma_wait3A_272, %dma_wait3A_273, %dma_wait3A_274] : memref<4x80x64xf32, #tpu.memory_space<vmem>> -> memref<1x80x64xf32, #tpu.memory_space<vmem>>
    %dma_wait3A_276 = tpu.memref_squeeze %dma_wait3A_275 : memref<1x80x64xf32, #tpu.memory_space<vmem>> -> memref<80x64xf32, #tpu.memory_space<vmem>>
    %dma_wait3A_277 = arith.constant 0 : i32
    %dma_wait3A_278 = arith.constant 0 : i32
    %dma_wait3A_279 = tpu.memref_slice %arg2[%dma_wait3A_277, %dma_wait3A_278] : memref<20000x64xf32, #tpu.memory_space<hbm>> -> memref<80x64xf32, #tpu.memory_space<hbm>>
    %dma_wait3A_280 = arith.constant 0 : i32
    %dma_wait3A_281 = arith.constant 0 : i32
    %dma_wait3A_282 = tpu.memref_slice %arg11[%dma_wait3A_272, %dma_wait3A_280, %dma_wait3A_281] : memref<4x80x64xf32, #tpu.memory_space<vmem>> -> memref<1x80x64xf32, #tpu.memory_space<vmem>>
    %dma_wait3A_283 = tpu.memref_squeeze %dma_wait3A_282 : memref<1x80x64xf32, #tpu.memory_space<vmem>> -> memref<80x64xf32, #tpu.memory_space<vmem>>
    %dma_wait3A_284 = arith.constant 0 : i32
    %dma_wait3A_285 = arith.constant 0 : i32
    %dma_wait3A_286 = tpu.memref_slice %arg2[%dma_wait3A_284, %dma_wait3A_285] : memref<20000x64xf32, #tpu.memory_space<hbm>> -> memref<80x64xf32, #tpu.memory_space<hbm>>
    tpu.wait_dma2 semaphore(%arg13 : memref<!tpu.dma_semaphore, #tpu.memory_space<semaphore_mem>>) src(%dma_wait3A_286 : memref<80x64xf32, #tpu.memory_space<hbm>>) dst(%dma_wait3A_283 : memref<80x64xf32, #tpu.memory_space<vmem>>)
    %dma_start3A_287 = arith.constant 1 : i32
    %dma_start3A_288 = arith.constant 249 : i32
    %dma_start3A_289 = arith.constant 0 : i32
    %dma_start3A_290 = arith.constant 0 : i32
    %dma_start3A_291 = tpu.memref_slice %arg11[%dma_start3A_287, %dma_start3A_289, %dma_start3A_290] : memref<4x80x64xf32, #tpu.memory_space<vmem>> -> memref<1x80x64xf32, #tpu.memory_space<vmem>>
    %dma_start3A_292 = tpu.memref_squeeze %dma_start3A_291 : memref<1x80x64xf32, #tpu.memory_space<vmem>> -> memref<80x64xf32, #tpu.memory_space<vmem>>
    %dma_start3A_293 = arith.constant 0 : i32
    %dma_start3A_294 = tpu.memref_slice %arg10[%dma_start3A_288, %dma_start3A_293] : memref<250x80xi32, #tpu.memory_space<vmem>> -> memref<1x80xi32, #tpu.memory_space<vmem>>
    %dma_start3A_295 = tpu.memref_squeeze %dma_start3A_294 : memref<1x80xi32, #tpu.memory_space<vmem>> -> memref<80xi32, #tpu.memory_space<vmem>>
    %dma_start3A_296 = arith.constant 0 : i32
    %dma_start3A_297 = arith.constant 0 : i32
    %dma_start3A_298 = tpu.memref_slice %arg20[%dma_start3A_296, %dma_start3A_297] : memref<10000x64xf32, #tpu.memory_space<vmem_shared>> -> memref<10000x64xf32, #tpu.memory_space<vmem_shared>>
    tpu.enqueue_indirect_dma source(%dma_start3A_292 : memref<80x64xf32, #tpu.memory_space<vmem>>) target(%dma_start3A_298 : memref<10000x64xf32, #tpu.memory_space<vmem_shared>>) offsets(%dma_start3A_295 : memref<80xi32, #tpu.memory_space<vmem>>) semaphore(%arg17 : memref<!tpu.dma_semaphore, #tpu.memory_space<semaphore_mem>>) {add = true}
    %dma_wait3A_299 = arith.constant 3 : i32
    %dma_wait3A_300 = arith.constant 0 : i32
    %dma_wait3A_301 = arith.constant 0 : i32
    %dma_wait3A_302 = tpu.memref_slice %arg11[%dma_wait3A_299, %dma_wait3A_300, %dma_wait3A_301] : memref<4x80x64xf32, #tpu.memory_space<vmem>> -> memref<1x80x64xf32, #tpu.memory_space<vmem>>
    %dma_wait3A_303 = tpu.memref_squeeze %dma_wait3A_302 : memref<1x80x64xf32, #tpu.memory_space<vmem>> -> memref<80x64xf32, #tpu.memory_space<vmem>>
    %dma_wait3A_304 = arith.constant 0 : i32
    %dma_wait3A_305 = arith.constant 0 : i32
    %dma_wait3A_306 = tpu.memref_slice %arg20[%dma_wait3A_304, %dma_wait3A_305] : memref<10000x64xf32, #tpu.memory_space<vmem_shared>> -> memref<80x64xf32, #tpu.memory_space<vmem_shared>>
    %dma_wait3A_307 = arith.constant 0 : i32
    %dma_wait3A_308 = arith.constant 0 : i32
    %dma_wait3A_309 = tpu.memref_slice %arg20[%dma_wait3A_307, %dma_wait3A_308] : memref<10000x64xf32, #tpu.memory_space<vmem_shared>> -> memref<80x64xf32, #tpu.memory_space<vmem_shared>>
    %dma_wait3A_310 = arith.constant 0 : i32
    %dma_wait3A_311 = arith.constant 0 : i32
    %dma_wait3A_312 = tpu.memref_slice %arg11[%dma_wait3A_299, %dma_wait3A_310, %dma_wait3A_311] : memref<4x80x64xf32, #tpu.memory_space<vmem>> -> memref<1x80x64xf32, #tpu.memory_space<vmem>>
    %dma_wait3A_313 = tpu.memref_squeeze %dma_wait3A_312 : memref<1x80x64xf32, #tpu.memory_space<vmem>> -> memref<80x64xf32, #tpu.memory_space<vmem>>
    tpu.wait_dma2 semaphore(%arg19 : memref<!tpu.dma_semaphore, #tpu.memory_space<semaphore_mem>>) src(%dma_wait3A_313 : memref<80x64xf32, #tpu.memory_space<vmem>>) dst(%dma_wait3A_309 : memref<80x64xf32, #tpu.memory_space<vmem_shared>>)
    %dma_wait3A_314 = arith.constant 0 : i32
    %dma_wait3A_315 = arith.constant 0 : i32
    %dma_wait3A_316 = arith.constant 0 : i32
    %dma_wait3A_317 = tpu.memref_slice %arg11[%dma_wait3A_314, %dma_wait3A_315, %dma_wait3A_316] : memref<4x80x64xf32, #tpu.memory_space<vmem>> -> memref<1x80x64xf32, #tpu.memory_space<vmem>>
    %dma_wait3A_318 = tpu.memref_squeeze %dma_wait3A_317 : memref<1x80x64xf32, #tpu.memory_space<vmem>> -> memref<80x64xf32, #tpu.memory_space<vmem>>
    %dma_wait3A_319 = arith.constant 0 : i32
    %dma_wait3A_320 = arith.constant 0 : i32
    %dma_wait3A_321 = tpu.memref_slice %arg20[%dma_wait3A_319, %dma_wait3A_320] : memref<10000x64xf32, #tpu.memory_space<vmem_shared>> -> memref<80x64xf32, #tpu.memory_space<vmem_shared>>
    %dma_wait3A_322 = arith.constant 0 : i32
    %dma_wait3A_323 = arith.constant 0 : i32
    %dma_wait3A_324 = tpu.memref_slice %arg20[%dma_wait3A_322, %dma_wait3A_323] : memref<10000x64xf32, #tpu.memory_space<vmem_shared>> -> memref<80x64xf32, #tpu.memory_space<vmem_shared>>
    %dma_wait3A_325 = arith.constant 0 : i32
    %dma_wait3A_326 = arith.constant 0 : i32
    %dma_wait3A_327 = tpu.memref_slice %arg11[%dma_wait3A_314, %dma_wait3A_325, %dma_wait3A_326] : memref<4x80x64xf32, #tpu.memory_space<vmem>> -> memref<1x80x64xf32, #tpu.memory_space<vmem>>
    %dma_wait3A_328 = tpu.memref_squeeze %dma_wait3A_327 : memref<1x80x64xf32, #tpu.memory_space<vmem>> -> memref<80x64xf32, #tpu.memory_space<vmem>>
    tpu.wait_dma2 semaphore(%arg16 : memref<!tpu.dma_semaphore, #tpu.memory_space<semaphore_mem>>) src(%dma_wait3A_328 : memref<80x64xf32, #tpu.memory_space<vmem>>) dst(%dma_wait3A_324 : memref<80x64xf32, #tpu.memory_space<vmem_shared>>)
    %dma_wait3A_329 = arith.constant 1 : i32
    %dma_wait3A_330 = arith.constant 0 : i32
    %dma_wait3A_331 = arith.constant 0 : i32
    %dma_wait3A_332 = tpu.memref_slice %arg11[%dma_wait3A_329, %dma_wait3A_330, %dma_wait3A_331] : memref<4x80x64xf32, #tpu.memory_space<vmem>> -> memref<1x80x64xf32, #tpu.memory_space<vmem>>
    %dma_wait3A_333 = tpu.memref_squeeze %dma_wait3A_332 : memref<1x80x64xf32, #tpu.memory_space<vmem>> -> memref<80x64xf32, #tpu.memory_space<vmem>>
    %dma_wait3A_334 = arith.constant 0 : i32
    %dma_wait3A_335 = arith.constant 0 : i32
    %dma_wait3A_336 = tpu.memref_slice %arg20[%dma_wait3A_334, %dma_wait3A_335] : memref<10000x64xf32, #tpu.memory_space<vmem_shared>> -> memref<80x64xf32, #tpu.memory_space<vmem_shared>>
    %dma_wait3A_337 = arith.constant 0 : i32
    %dma_wait3A_338 = arith.constant 0 : i32
    %dma_wait3A_339 = tpu.memref_slice %arg20[%dma_wait3A_337, %dma_wait3A_338] : memref<10000x64xf32, #tpu.memory_space<vmem_shared>> -> memref<80x64xf32, #tpu.memory_space<vmem_shared>>
    %dma_wait3A_340 = arith.constant 0 : i32
    %dma_wait3A_341 = arith.constant 0 : i32
    %dma_wait3A_342 = tpu.memref_slice %arg11[%dma_wait3A_329, %dma_wait3A_340, %dma_wait3A_341] : memref<4x80x64xf32, #tpu.memory_space<vmem>> -> memref<1x80x64xf32, #tpu.memory_space<vmem>>
    %dma_wait3A_343 = tpu.memref_squeeze %dma_wait3A_342 : memref<1x80x64xf32, #tpu.memory_space<vmem>> -> memref<80x64xf32, #tpu.memory_space<vmem>>
    tpu.wait_dma2 semaphore(%arg17 : memref<!tpu.dma_semaphore, #tpu.memory_space<semaphore_mem>>) src(%dma_wait3A_343 : memref<80x64xf32, #tpu.memory_space<vmem>>) dst(%dma_wait3A_339 : memref<80x64xf32, #tpu.memory_space<vmem_shared>>)
    %barrier3A_344 = arith.constant 0 : index
    tpu.barrier barrier_id(%barrier3A_344)
    %lt3A_345 = arith.constant 15 : i32
    %lt3A_346 = arith.cmpi slt, %arg1, %lt3A_345 : i32
    %convert_element_type3A_347 = arith.extui %lt3A_346 : i1 to i32
    %cond3A_348 = arith.constant 0 : i32
    %cond3A_349 = arith.cmpi ne, %convert_element_type3A_347, %cond3A_348 : i32
    scf.if %cond3A_349 {
      "tpu.region"() ({
        %run_scoped3A = tpu.sem_alloc : memref<!tpu.dma_semaphore, #tpu.memory_space<semaphore_mem>>
        %dma_start3A_355 = arith.constant 0 : i32
        %dma_start3A_356 = tpu.memref_slice %arg8[%multiple_of3A, %arg0, %dma_start3A_355] : memref<10000x2x64xf32, #tpu.memory_space<hbm>> -> memref<624x1x64xf32, #tpu.memory_space<hbm>>
        %dma_start3A_357 = tpu.memref_squeeze %dma_start3A_356 : memref<624x1x64xf32, #tpu.memory_space<hbm>> -> memref<624x64xf32, #tpu.memory_space<hbm>>
        %dma_start3A_358 = arith.constant 0 : i32
        %dma_start3A_359 = tpu.memref_slice %arg20[%multiple_of3A, %dma_start3A_358] : memref<10000x64xf32, #tpu.memory_space<vmem_shared>> -> memref<624x64xf32, #tpu.memory_space<vmem_shared>>
        tpu.enqueue_dma source(%dma_start3A_359 : memref<624x64xf32, #tpu.memory_space<vmem_shared>>) target(%dma_start3A_357 : memref<624x64xf32, #tpu.memory_space<hbm>>) target_semaphore(%run_scoped3A : memref<!tpu.dma_semaphore, #tpu.memory_space<semaphore_mem>>)
        %dma_wait3A_360 = arith.constant 0 : i32
        %dma_wait3A_361 = tpu.memref_slice %arg8[%multiple_of3A, %arg0, %dma_wait3A_360] : memref<10000x2x64xf32, #tpu.memory_space<hbm>> -> memref<624x1x64xf32, #tpu.memory_space<hbm>>
        %dma_wait3A_362 = tpu.memref_squeeze %dma_wait3A_361 : memref<624x1x64xf32, #tpu.memory_space<hbm>> -> memref<624x64xf32, #tpu.memory_space<hbm>>
        %dma_wait3A_363 = arith.constant 0 : i32
        %dma_wait3A_364 = tpu.memref_slice %arg20[%multiple_of3A, %dma_wait3A_363] : memref<10000x64xf32, #tpu.memory_space<vmem_shared>> -> memref<624x64xf32, #tpu.memory_space<vmem_shared>>
        tpu.wait_dma2 semaphore(%run_scoped3A : memref<!tpu.dma_semaphore, #tpu.memory_space<semaphore_mem>>) src(%dma_wait3A_364 : memref<624x64xf32, #tpu.memory_space<vmem_shared>>) dst(%dma_wait3A_362 : memref<624x64xf32, #tpu.memory_space<hbm>>)
        tpu.yield
      }) : () -> ()
    } else {
    }
    %eq3A_350 = arith.constant 15 : i32
    %eq3A_351 = arith.cmpi eq, %arg1, %eq3A_350 : i32
    %convert_element_type3A_352 = arith.extui %eq3A_351 : i1 to i32
    %cond3A_353 = arith.constant 0 : i32
    %cond3A_354 = arith.cmpi ne, %convert_element_type3A_352, %cond3A_353 : i32
    scf.if %cond3A_354 {
      "tpu.region"() ({
        %run_scoped3A = tpu.sem_alloc : memref<!tpu.dma_semaphore, #tpu.memory_space<semaphore_mem>>
        %dma_start3A_355 = arith.constant 9360 : i32
        %dma_start3A_356 = arith.constant 0 : i32
        %dma_start3A_357 = tpu.memref_slice %arg8[%dma_start3A_355, %arg0, %dma_start3A_356] : memref<10000x2x64xf32, #tpu.memory_space<hbm>> -> memref<640x1x64xf32, #tpu.memory_space<hbm>>
        %dma_start3A_358 = tpu.memref_squeeze %dma_start3A_357 : memref<640x1x64xf32, #tpu.memory_space<hbm>> -> memref<640x64xf32, #tpu.memory_space<hbm>>
        %dma_start3A_359 = arith.constant 9360 : i32
        %dma_start3A_360 = arith.constant 0 : i32
        %dma_start3A_361 = tpu.memref_slice %arg20[%dma_start3A_359, %dma_start3A_360] : memref<10000x64xf32, #tpu.memory_space<vmem_shared>> -> memref<640x64xf32, #tpu.memory_space<vmem_shared>>
        tpu.enqueue_dma source(%dma_start3A_361 : memref<640x64xf32, #tpu.memory_space<vmem_shared>>) target(%dma_start3A_358 : memref<640x64xf32, #tpu.memory_space<hbm>>) target_semaphore(%run_scoped3A : memref<!tpu.dma_semaphore, #tpu.memory_space<semaphore_mem>>)
        %dma_wait3A_362 = arith.constant 9360 : i32
        %dma_wait3A_363 = arith.constant 0 : i32
        %dma_wait3A_364 = tpu.memref_slice %arg8[%dma_wait3A_362, %arg0, %dma_wait3A_363] : memref<10000x2x64xf32, #tpu.memory_space<hbm>> -> memref<640x1x64xf32, #tpu.memory_space<hbm>>
        %dma_wait3A_365 = tpu.memref_squeeze %dma_wait3A_364 : memref<640x1x64xf32, #tpu.memory_space<hbm>> -> memref<640x64xf32, #tpu.memory_space<hbm>>
        %dma_wait3A_366 = arith.constant 9360 : i32
        %dma_wait3A_367 = arith.constant 0 : i32
        %dma_wait3A_368 = tpu.memref_slice %arg20[%dma_wait3A_366, %dma_wait3A_367] : memref<10000x64xf32, #tpu.memory_space<vmem_shared>> -> memref<640x64xf32, #tpu.memory_space<vmem_shared>>
        tpu.wait_dma2 semaphore(%run_scoped3A : memref<!tpu.dma_semaphore, #tpu.memory_space<semaphore_mem>>) src(%dma_wait3A_368 : memref<640x64xf32, #tpu.memory_space<vmem_shared>>) dst(%dma_wait3A_365 : memref<640x64xf32, #tpu.memory_space<hbm>>)
        tpu.yield
      }) : () -> ()
    } else {
    }
    return
  }
}

#map = affine_map<(d0, d1) -> (0, 0)>
#map1 = affine_map<(d0, d1) -> (0, 0, 0)>
#map2 = affine_map<(d0, d1) -> (0)>
module attributes {stable_mosaic.version = 14 : i64} {
  func.func @_sc_kernel(%arg0: i32, %arg1: i32, %arg2: memref<20000x64xf32, #tpu.memory_space<hbm>>, %arg3: memref<16x250x80xi32, #tpu.memory_space<hbm>>, %arg4: memref<16x250x80xi32, #tpu.memory_space<hbm>>, %arg5: memref<16x250x80xi32, #tpu.memory_space<hbm>>, %arg6: memref<10000x64xf32, #tpu.memory_space<hbm>>, %arg7: memref<10000xf32, #tpu.memory_space<hbm>>, %arg8: memref<10000x2x64xf32, #tpu.memory_space<hbm>>, %arg9: memref<20000xf32, #tpu.memory_space<hbm>>, %arg10: memref<250x80xi32, #tpu.memory_space<vmem>>, %arg11: memref<250x80xi32, #tpu.memory_space<vmem>>, %arg12: memref<4x80x64xf32, #tpu.memory_space<vmem>>, %arg13: memref<!tpu.dma_semaphore, #tpu.memory_space<semaphore_mem>>, %arg14: memref<!tpu.dma_semaphore, #tpu.memory_space<semaphore_mem>>, %arg15: memref<!tpu.dma_semaphore, #tpu.memory_space<semaphore_mem>>, %arg16: memref<!tpu.dma_semaphore, #tpu.memory_space<semaphore_mem>>, %arg17: memref<!tpu.dma_semaphore, #tpu.memory_space<semaphore_mem>>, %arg18: memref<!tpu.dma_semaphore, #tpu.memory_space<semaphore_mem>>, %arg19: memref<!tpu.dma_semaphore, #tpu.memory_space<semaphore_mem>>, %arg20: memref<!tpu.dma_semaphore, #tpu.memory_space<semaphore_mem>>, %arg21: memref<10000x64xf32, #tpu.memory_space<vmem_shared>>, %arg22: memref<80xf32, #tpu.memory_space<vmem>>, %arg23: memref<10000xf32, #tpu.memory_space<vmem>>, %arg24: memref<10000xf32, #tpu.memory_space<vmem_shared>>) attributes {dimension_semantics = [#tpu.dimension_semantics<core_parallel>, #tpu.dimension_semantics<subcore_parallel>], iteration_bounds = array<i64: 2, 16>, scalar_prefetch = 0 : i64, scratch_operands = 15 : i64, tpu.core_type = #tpu.core_type<sc_vector_subcore>, window_params = [{transform_indices = #map}, {transform_indices = #map1}, {transform_indices = #map1}, {transform_indices = #map1}, {transform_indices = #map}, {transform_indices = #map2}, {transform_indices = #map1}, {transform_indices = #map2}]} {
    %eq3A = arith.constant 0 : i32
    %eq3A_0 = arith.cmpi eq, %arg0, %eq3A : i32
    %convert_element_type3A = arith.extui %eq3A_0 : i1 to i32
    %cond3A = arith.constant 0 : i32
    %cond3A_1 = arith.cmpi ne, %convert_element_type3A, %cond3A : i32
    scf.if %cond3A_1 {
      "tpu.region"() ({
        %run_scoped3A = tpu.sem_alloc : memref<!tpu.dma_semaphore, #tpu.memory_space<semaphore_mem>>
        %dma_start3A_423 = arith.constant 0 : i32
        %dma_start3A_424 = arith.constant 0 : i32
        %dma_start3A_425 = tpu.memref_slice %arg3[%arg1, %dma_start3A_423, %dma_start3A_424] : memref<16x250x80xi32, #tpu.memory_space<hbm>> -> memref<1x250x80xi32, #tpu.memory_space<hbm>>
        %dma_start3A_426 = tpu.memref_squeeze %dma_start3A_425 : memref<1x250x80xi32, #tpu.memory_space<hbm>> -> memref<250x80xi32, #tpu.memory_space<hbm>>
        %dma_start3A_427 = arith.constant 0 : i32
        %dma_start3A_428 = arith.constant 0 : i32
        %dma_start3A_429 = tpu.memref_slice %arg3[%arg1, %dma_start3A_427, %dma_start3A_428] : memref<16x250x80xi32, #tpu.memory_space<hbm>> -> memref<1x250x80xi32, #tpu.memory_space<hbm>>
        %dma_start3A_430 = tpu.memref_squeeze %dma_start3A_429 : memref<1x250x80xi32, #tpu.memory_space<hbm>> -> memref<250x80xi32, #tpu.memory_space<hbm>>
        tpu.enqueue_dma source(%dma_start3A_430 : memref<250x80xi32, #tpu.memory_space<hbm>>) target(%arg10 : memref<250x80xi32, #tpu.memory_space<vmem>>) target_semaphore(%run_scoped3A : memref<!tpu.dma_semaphore, #tpu.memory_space<semaphore_mem>>)
        %dma_wait3A_431 = arith.constant 0 : i32
        %dma_wait3A_432 = arith.constant 0 : i32
        %dma_wait3A_433 = tpu.memref_slice %arg3[%arg1, %dma_wait3A_431, %dma_wait3A_432] : memref<16x250x80xi32, #tpu.memory_space<hbm>> -> memref<1x250x80xi32, #tpu.memory_space<hbm>>
        %dma_wait3A_434 = tpu.memref_squeeze %dma_wait3A_433 : memref<1x250x80xi32, #tpu.memory_space<hbm>> -> memref<250x80xi32, #tpu.memory_space<hbm>>
        %dma_wait3A_435 = arith.constant 0 : i32
        %dma_wait3A_436 = arith.constant 0 : i32
        %dma_wait3A_437 = tpu.memref_slice %arg3[%arg1, %dma_wait3A_435, %dma_wait3A_436] : memref<16x250x80xi32, #tpu.memory_space<hbm>> -> memref<1x250x80xi32, #tpu.memory_space<hbm>>
        %dma_wait3A_438 = tpu.memref_squeeze %dma_wait3A_437 : memref<1x250x80xi32, #tpu.memory_space<hbm>> -> memref<250x80xi32, #tpu.memory_space<hbm>>
        tpu.wait_dma2 semaphore(%run_scoped3A : memref<!tpu.dma_semaphore, #tpu.memory_space<semaphore_mem>>) src(%dma_wait3A_438 : memref<250x80xi32, #tpu.memory_space<hbm>>) dst(%arg10 : memref<250x80xi32, #tpu.memory_space<vmem>>)
        tpu.yield
      }) : () -> ()
    } else {
    }
    %eq3A_2 = arith.constant 1 : i32
    %eq3A_3 = arith.cmpi eq, %arg0, %eq3A_2 : i32
    %convert_element_type3A_4 = arith.extui %eq3A_3 : i1 to i32
    %cond3A_5 = arith.constant 0 : i32
    %cond3A_6 = arith.cmpi ne, %convert_element_type3A_4, %cond3A_5 : i32
    scf.if %cond3A_6 {
      "tpu.region"() ({
        %run_scoped3A = tpu.sem_alloc : memref<!tpu.dma_semaphore, #tpu.memory_space<semaphore_mem>>
        %dma_start3A_423 = arith.constant 0 : i32
        %dma_start3A_424 = arith.constant 0 : i32
        %dma_start3A_425 = tpu.memref_slice %arg4[%arg1, %dma_start3A_423, %dma_start3A_424] : memref<16x250x80xi32, #tpu.memory_space<hbm>> -> memref<1x250x80xi32, #tpu.memory_space<hbm>>
        %dma_start3A_426 = tpu.memref_squeeze %dma_start3A_425 : memref<1x250x80xi32, #tpu.memory_space<hbm>> -> memref<250x80xi32, #tpu.memory_space<hbm>>
        %dma_start3A_427 = arith.constant 0 : i32
        %dma_start3A_428 = arith.constant 0 : i32
        %dma_start3A_429 = tpu.memref_slice %arg4[%arg1, %dma_start3A_427, %dma_start3A_428] : memref<16x250x80xi32, #tpu.memory_space<hbm>> -> memref<1x250x80xi32, #tpu.memory_space<hbm>>
        %dma_start3A_430 = tpu.memref_squeeze %dma_start3A_429 : memref<1x250x80xi32, #tpu.memory_space<hbm>> -> memref<250x80xi32, #tpu.memory_space<hbm>>
        tpu.enqueue_dma source(%dma_start3A_430 : memref<250x80xi32, #tpu.memory_space<hbm>>) target(%arg10 : memref<250x80xi32, #tpu.memory_space<vmem>>) target_semaphore(%run_scoped3A : memref<!tpu.dma_semaphore, #tpu.memory_space<semaphore_mem>>)
        %dma_wait3A_431 = arith.constant 0 : i32
        %dma_wait3A_432 = arith.constant 0 : i32
        %dma_wait3A_433 = tpu.memref_slice %arg4[%arg1, %dma_wait3A_431, %dma_wait3A_432] : memref<16x250x80xi32, #tpu.memory_space<hbm>> -> memref<1x250x80xi32, #tpu.memory_space<hbm>>
        %dma_wait3A_434 = tpu.memref_squeeze %dma_wait3A_433 : memref<1x250x80xi32, #tpu.memory_space<hbm>> -> memref<250x80xi32, #tpu.memory_space<hbm>>
        %dma_wait3A_435 = arith.constant 0 : i32
        %dma_wait3A_436 = arith.constant 0 : i32
        %dma_wait3A_437 = tpu.memref_slice %arg4[%arg1, %dma_wait3A_435, %dma_wait3A_436] : memref<16x250x80xi32, #tpu.memory_space<hbm>> -> memref<1x250x80xi32, #tpu.memory_space<hbm>>
        %dma_wait3A_438 = tpu.memref_squeeze %dma_wait3A_437 : memref<1x250x80xi32, #tpu.memory_space<hbm>> -> memref<250x80xi32, #tpu.memory_space<hbm>>
        tpu.wait_dma2 semaphore(%run_scoped3A : memref<!tpu.dma_semaphore, #tpu.memory_space<semaphore_mem>>) src(%dma_wait3A_438 : memref<250x80xi32, #tpu.memory_space<hbm>>) dst(%arg10 : memref<250x80xi32, #tpu.memory_space<vmem>>)
        tpu.yield
      }) : () -> ()
    } else {
    }
    "tpu.region"() ({
      %run_scoped3A = tpu.sem_alloc : memref<!tpu.dma_semaphore, #tpu.memory_space<semaphore_mem>>
      %dma_start3A_423 = arith.constant 0 : i32
      %dma_start3A_424 = arith.constant 0 : i32
      %dma_start3A_425 = tpu.memref_slice %arg5[%arg1, %dma_start3A_423, %dma_start3A_424] : memref<16x250x80xi32, #tpu.memory_space<hbm>> -> memref<1x250x80xi32, #tpu.memory_space<hbm>>
      %dma_start3A_426 = tpu.memref_squeeze %dma_start3A_425 : memref<1x250x80xi32, #tpu.memory_space<hbm>> -> memref<250x80xi32, #tpu.memory_space<hbm>>
      %dma_start3A_427 = arith.constant 0 : i32
      %dma_start3A_428 = arith.constant 0 : i32
      %dma_start3A_429 = tpu.memref_slice %arg5[%arg1, %dma_start3A_427, %dma_start3A_428] : memref<16x250x80xi32, #tpu.memory_space<hbm>> -> memref<1x250x80xi32, #tpu.memory_space<hbm>>
      %dma_start3A_430 = tpu.memref_squeeze %dma_start3A_429 : memref<1x250x80xi32, #tpu.memory_space<hbm>> -> memref<250x80xi32, #tpu.memory_space<hbm>>
      tpu.enqueue_dma source(%dma_start3A_430 : memref<250x80xi32, #tpu.memory_space<hbm>>) target(%arg11 : memref<250x80xi32, #tpu.memory_space<vmem>>) target_semaphore(%run_scoped3A : memref<!tpu.dma_semaphore, #tpu.memory_space<semaphore_mem>>)
      %dma_wait3A_431 = arith.constant 0 : i32
      %dma_wait3A_432 = arith.constant 0 : i32
      %dma_wait3A_433 = tpu.memref_slice %arg5[%arg1, %dma_wait3A_431, %dma_wait3A_432] : memref<16x250x80xi32, #tpu.memory_space<hbm>> -> memref<1x250x80xi32, #tpu.memory_space<hbm>>
      %dma_wait3A_434 = tpu.memref_squeeze %dma_wait3A_433 : memref<1x250x80xi32, #tpu.memory_space<hbm>> -> memref<250x80xi32, #tpu.memory_space<hbm>>
      %dma_wait3A_435 = arith.constant 0 : i32
      %dma_wait3A_436 = arith.constant 0 : i32
      %dma_wait3A_437 = tpu.memref_slice %arg5[%arg1, %dma_wait3A_435, %dma_wait3A_436] : memref<16x250x80xi32, #tpu.memory_space<hbm>> -> memref<1x250x80xi32, #tpu.memory_space<hbm>>
      %dma_wait3A_438 = tpu.memref_squeeze %dma_wait3A_437 : memref<1x250x80xi32, #tpu.memory_space<hbm>> -> memref<250x80xi32, #tpu.memory_space<hbm>>
      tpu.wait_dma2 semaphore(%run_scoped3A : memref<!tpu.dma_semaphore, #tpu.memory_space<semaphore_mem>>) src(%dma_wait3A_438 : memref<250x80xi32, #tpu.memory_space<hbm>>) dst(%arg11 : memref<250x80xi32, #tpu.memory_space<vmem>>)
      tpu.yield
    }) : () -> ()
    %broadcast_in_dim3A = arith.constant 1.000000e+00 : f32
    %broadcast_in_dim3A_7 = vector.broadcast %broadcast_in_dim3A : f32 to vector<16xf32>
    %swap3A = arith.constant 0 : index
    %swap3A_8 = tpu.vector_load %arg22[%swap3A] {strides = array<i32>} : memref<80xf32, #tpu.memory_space<vmem>>, vector<16xf32>,
    %swap3A_9 = vector.shape_cast %swap3A_8 : vector<16xf32> to vector<16xf32>
    %swap3A_10 = vector.shape_cast %broadcast_in_dim3A_7 : vector<16xf32> to vector<16xf32>
    tpu.vector_store %arg22[%swap3A], %swap3A_10 {strides = array<i32>} : memref<80xf32, #tpu.memory_space<vmem>>, vector<16xf32>,
    %broadcast_in_dim3A_11 = arith.constant 1.000000e+00 : f32
    %broadcast_in_dim3A_12 = vector.broadcast %broadcast_in_dim3A_11 : f32 to vector<16xf32>
    %swap3A_13 = arith.constant 16 : index
    %swap3A_14 = tpu.vector_load %arg22[%swap3A_13] {strides = array<i32>} : memref<80xf32, #tpu.memory_space<vmem>>, vector<16xf32>,
    %swap3A_15 = vector.shape_cast %swap3A_14 : vector<16xf32> to vector<16xf32>
    %swap3A_16 = vector.shape_cast %broadcast_in_dim3A_12 : vector<16xf32> to vector<16xf32>
    tpu.vector_store %arg22[%swap3A_13], %swap3A_16 {strides = array<i32>} : memref<80xf32, #tpu.memory_space<vmem>>, vector<16xf32>,
    %broadcast_in_dim3A_17 = arith.constant 1.000000e+00 : f32
    %broadcast_in_dim3A_18 = vector.broadcast %broadcast_in_dim3A_17 : f32 to vector<16xf32>
    %swap3A_19 = arith.constant 32 : index
    %swap3A_20 = tpu.vector_load %arg22[%swap3A_19] {strides = array<i32>} : memref<80xf32, #tpu.memory_space<vmem>>, vector<16xf32>,
    %swap3A_21 = vector.shape_cast %swap3A_20 : vector<16xf32> to vector<16xf32>
    %swap3A_22 = vector.shape_cast %broadcast_in_dim3A_18 : vector<16xf32> to vector<16xf32>
    tpu.vector_store %arg22[%swap3A_19], %swap3A_22 {strides = array<i32>} : memref<80xf32, #tpu.memory_space<vmem>>, vector<16xf32>,
    %broadcast_in_dim3A_23 = arith.constant 1.000000e+00 : f32
    %broadcast_in_dim3A_24 = vector.broadcast %broadcast_in_dim3A_23 : f32 to vector<16xf32>
    %swap3A_25 = arith.constant 48 : index
    %swap3A_26 = tpu.vector_load %arg22[%swap3A_25] {strides = array<i32>} : memref<80xf32, #tpu.memory_space<vmem>>, vector<16xf32>,
    %swap3A_27 = vector.shape_cast %swap3A_26 : vector<16xf32> to vector<16xf32>
    %swap3A_28 = vector.shape_cast %broadcast_in_dim3A_24 : vector<16xf32> to vector<16xf32>
    tpu.vector_store %arg22[%swap3A_25], %swap3A_28 {strides = array<i32>} : memref<80xf32, #tpu.memory_space<vmem>>, vector<16xf32>,
    %broadcast_in_dim3A_29 = arith.constant 1.000000e+00 : f32
    %broadcast_in_dim3A_30 = vector.broadcast %broadcast_in_dim3A_29 : f32 to vector<16xf32>
    %swap3A_31 = arith.constant 64 : index
    %swap3A_32 = tpu.vector_load %arg22[%swap3A_31] {strides = array<i32>} : memref<80xf32, #tpu.memory_space<vmem>>, vector<16xf32>,
    %swap3A_33 = vector.shape_cast %swap3A_32 : vector<16xf32> to vector<16xf32>
    %swap3A_34 = vector.shape_cast %broadcast_in_dim3A_30 : vector<16xf32> to vector<16xf32>
    tpu.vector_store %arg22[%swap3A_31], %swap3A_34 {strides = array<i32>} : memref<80xf32, #tpu.memory_space<vmem>>, vector<16xf32>,
    %mul3A = arith.constant 624 : i32
    %mul3A_35 = arith.muli %arg1, %mul3A : i32
    %multiple_of3A = tpu.assume_multiple %mul3A_35, 8 : i32
    %lt3A = arith.constant 15 : i32
    %lt3A_36 = arith.cmpi slt, %arg1, %lt3A : i32
    %convert_element_type3A_37 = arith.extui %lt3A_36 : i1 to i32
    %cond3A_38 = arith.constant 0 : i32
    %cond3A_39 = arith.cmpi ne, %convert_element_type3A_37, %cond3A_38 : i32
    scf.if %cond3A_39 {
      "tpu.region"() ({
        %run_scoped3A = tpu.sem_alloc : memref<!tpu.dma_semaphore, #tpu.memory_space<semaphore_mem>>
        %dma_start3A_423 = arith.constant 0 : i32
        %dma_start3A_424 = tpu.memref_slice %arg21[%multiple_of3A, %dma_start3A_423] : memref<10000x64xf32, #tpu.memory_space<vmem_shared>> -> memref<624x64xf32, #tpu.memory_space<vmem_shared>>
        %dma_start3A_425 = arith.constant 0 : i32
        %dma_start3A_426 = tpu.memref_slice %arg6[%multiple_of3A, %dma_start3A_425] : memref<10000x64xf32, #tpu.memory_space<hbm>> -> memref<624x64xf32, #tpu.memory_space<hbm>>
        tpu.enqueue_dma source(%dma_start3A_426 : memref<624x64xf32, #tpu.memory_space<hbm>>) target(%dma_start3A_424 : memref<624x64xf32, #tpu.memory_space<vmem_shared>>) target_semaphore(%run_scoped3A : memref<!tpu.dma_semaphore, #tpu.memory_space<semaphore_mem>>)
        %dma_wait3A_427 = arith.constant 0 : i32
        %dma_wait3A_428 = tpu.memref_slice %arg21[%multiple_of3A, %dma_wait3A_427] : memref<10000x64xf32, #tpu.memory_space<vmem_shared>> -> memref<624x64xf32, #tpu.memory_space<vmem_shared>>
        %dma_wait3A_429 = arith.constant 0 : i32
        %dma_wait3A_430 = tpu.memref_slice %arg6[%multiple_of3A, %dma_wait3A_429] : memref<10000x64xf32, #tpu.memory_space<hbm>> -> memref<624x64xf32, #tpu.memory_space<hbm>>
        tpu.wait_dma2 semaphore(%run_scoped3A : memref<!tpu.dma_semaphore, #tpu.memory_space<semaphore_mem>>) src(%dma_wait3A_430 : memref<624x64xf32, #tpu.memory_space<hbm>>) dst(%dma_wait3A_428 : memref<624x64xf32, #tpu.memory_space<vmem_shared>>)
        tpu.yield
      }) : () -> ()
    } else {
    }
    %eq3A_40 = arith.constant 15 : i32
    %eq3A_41 = arith.cmpi eq, %arg1, %eq3A_40 : i32
    %convert_element_type3A_42 = arith.extui %eq3A_41 : i1 to i32
    %cond3A_43 = arith.constant 0 : i32
    %cond3A_44 = arith.cmpi ne, %convert_element_type3A_42, %cond3A_43 : i32
    scf.if %cond3A_44 {
      "tpu.region"() ({
        %run_scoped3A = tpu.sem_alloc : memref<!tpu.dma_semaphore, #tpu.memory_space<semaphore_mem>>
        %dma_start3A_423 = arith.constant 9360 : i32
        %dma_start3A_424 = arith.constant 0 : i32
        %dma_start3A_425 = tpu.memref_slice %arg21[%dma_start3A_423, %dma_start3A_424] : memref<10000x64xf32, #tpu.memory_space<vmem_shared>> -> memref<640x64xf32, #tpu.memory_space<vmem_shared>>
        %dma_start3A_426 = arith.constant 9360 : i32
        %dma_start3A_427 = arith.constant 0 : i32
        %dma_start3A_428 = tpu.memref_slice %arg6[%dma_start3A_426, %dma_start3A_427] : memref<10000x64xf32, #tpu.memory_space<hbm>> -> memref<640x64xf32, #tpu.memory_space<hbm>>
        tpu.enqueue_dma source(%dma_start3A_428 : memref<640x64xf32, #tpu.memory_space<hbm>>) target(%dma_start3A_425 : memref<640x64xf32, #tpu.memory_space<vmem_shared>>) target_semaphore(%run_scoped3A : memref<!tpu.dma_semaphore, #tpu.memory_space<semaphore_mem>>)
        %dma_wait3A_429 = arith.constant 9360 : i32
        %dma_wait3A_430 = arith.constant 0 : i32
        %dma_wait3A_431 = tpu.memref_slice %arg21[%dma_wait3A_429, %dma_wait3A_430] : memref<10000x64xf32, #tpu.memory_space<vmem_shared>> -> memref<640x64xf32, #tpu.memory_space<vmem_shared>>
        %dma_wait3A_432 = arith.constant 9360 : i32
        %dma_wait3A_433 = arith.constant 0 : i32
        %dma_wait3A_434 = tpu.memref_slice %arg6[%dma_wait3A_432, %dma_wait3A_433] : memref<10000x64xf32, #tpu.memory_space<hbm>> -> memref<640x64xf32, #tpu.memory_space<hbm>>
        tpu.wait_dma2 semaphore(%run_scoped3A : memref<!tpu.dma_semaphore, #tpu.memory_space<semaphore_mem>>) src(%dma_wait3A_434 : memref<640x64xf32, #tpu.memory_space<hbm>>) dst(%dma_wait3A_431 : memref<640x64xf32, #tpu.memory_space<vmem_shared>>)
        tpu.yield
      }) : () -> ()
    } else {
    }
    %eq3A_45 = arith.constant 0 : i32
    %eq3A_46 = arith.cmpi eq, %arg1, %eq3A_45 : i32
    %convert_element_type3A_47 = arith.extui %eq3A_46 : i1 to i32
    %cond3A_48 = arith.constant 0 : i32
    %cond3A_49 = arith.cmpi ne, %convert_element_type3A_47, %cond3A_48 : i32
    scf.if %cond3A_49 {
      "tpu.region"() ({
        %run_scoped3A = tpu.sem_alloc : memref<!tpu.dma_semaphore, #tpu.memory_space<semaphore_mem>>
        tpu.enqueue_dma source(%arg7 : memref<10000xf32, #tpu.memory_space<hbm>>) target(%arg23 : memref<10000xf32, #tpu.memory_space<vmem>>) target_semaphore(%run_scoped3A : memref<!tpu.dma_semaphore, #tpu.memory_space<semaphore_mem>>)
        tpu.wait_dma2 semaphore(%run_scoped3A : memref<!tpu.dma_semaphore, #tpu.memory_space<semaphore_mem>>) src(%arg7 : memref<10000xf32, #tpu.memory_space<hbm>>) dst(%arg23 : memref<10000xf32, #tpu.memory_space<vmem>>)
        tpu.yield
      }) : () -> ()
      "tpu.region"() ({
        %run_scoped3A = tpu.sem_alloc : memref<!tpu.dma_semaphore, #tpu.memory_space<semaphore_mem>>
        tpu.enqueue_dma source(%arg23 : memref<10000xf32, #tpu.memory_space<vmem>>) target(%arg24 : memref<10000xf32, #tpu.memory_space<vmem_shared>>) target_semaphore(%run_scoped3A : memref<!tpu.dma_semaphore, #tpu.memory_space<semaphore_mem>>)
        tpu.wait_dma2 semaphore(%run_scoped3A : memref<!tpu.dma_semaphore, #tpu.memory_space<semaphore_mem>>) src(%arg23 : memref<10000xf32, #tpu.memory_space<vmem>>) dst(%arg24 : memref<10000xf32, #tpu.memory_space<vmem_shared>>)
        tpu.yield
      }) : () -> ()
    } else {
    }
    %barrier3A = arith.constant 0 : index
    tpu.barrier barrier_id(%barrier3A)
    %dma_start3A = arith.constant 0 : i32
    %dma_start3A_50 = arith.constant 0 : i32
    %dma_start3A_51 = arith.constant 0 : i32
    %dma_start3A_52 = arith.constant 0 : i32
    %dma_start3A_53 = tpu.memref_slice %arg12[%dma_start3A_50, %dma_start3A_51, %dma_start3A_52] : memref<4x80x64xf32, #tpu.memory_space<vmem>> -> memref<1x80x64xf32, #tpu.memory_space<vmem>>
    %dma_start3A_54 = tpu.memref_squeeze %dma_start3A_53 : memref<1x80x64xf32, #tpu.memory_space<vmem>> -> memref<80x64xf32, #tpu.memory_space<vmem>>
    %dma_start3A_55 = arith.constant 0 : i32
    %dma_start3A_56 = tpu.memref_slice %arg10[%dma_start3A, %dma_start3A_55] : memref<250x80xi32, #tpu.memory_space<vmem>> -> memref<1x80xi32, #tpu.memory_space<vmem>>
    %dma_start3A_57 = tpu.memref_squeeze %dma_start3A_56 : memref<1x80xi32, #tpu.memory_space<vmem>> -> memref<80xi32, #tpu.memory_space<vmem>>
    %dma_start3A_58 = arith.constant 0 : i32
    %dma_start3A_59 = arith.constant 0 : i32
    %dma_start3A_60 = tpu.memref_slice %arg2[%dma_start3A_58, %dma_start3A_59] : memref<20000x64xf32, #tpu.memory_space<hbm>> -> memref<20000x64xf32, #tpu.memory_space<hbm>>
    tpu.enqueue_indirect_dma source(%dma_start3A_60 : memref<20000x64xf32, #tpu.memory_space<hbm>>) target(%dma_start3A_54 : memref<80x64xf32, #tpu.memory_space<vmem>>) offsets(%dma_start3A_57 : memref<80xi32, #tpu.memory_space<vmem>>) semaphore(%arg13 : memref<!tpu.dma_semaphore, #tpu.memory_space<semaphore_mem>>)
    %dma_start3A_61 = arith.constant 1 : i32
    %dma_start3A_62 = arith.constant 1 : i32
    %dma_start3A_63 = arith.constant 0 : i32
    %dma_start3A_64 = arith.constant 0 : i32
    %dma_start3A_65 = tpu.memref_slice %arg12[%dma_start3A_62, %dma_start3A_63, %dma_start3A_64] : memref<4x80x64xf32, #tpu.memory_space<vmem>> -> memref<1x80x64xf32, #tpu.memory_space<vmem>>
    %dma_start3A_66 = tpu.memref_squeeze %dma_start3A_65 : memref<1x80x64xf32, #tpu.memory_space<vmem>> -> memref<80x64xf32, #tpu.memory_space<vmem>>
    %dma_start3A_67 = arith.constant 0 : i32
    %dma_start3A_68 = tpu.memref_slice %arg10[%dma_start3A_61, %dma_start3A_67] : memref<250x80xi32, #tpu.memory_space<vmem>> -> memref<1x80xi32, #tpu.memory_space<vmem>>
    %dma_start3A_69 = tpu.memref_squeeze %dma_start3A_68 : memref<1x80xi32, #tpu.memory_space<vmem>> -> memref<80xi32, #tpu.memory_space<vmem>>
    %dma_start3A_70 = arith.constant 0 : i32
    %dma_start3A_71 = arith.constant 0 : i32
    %dma_start3A_72 = tpu.memref_slice %arg2[%dma_start3A_70, %dma_start3A_71] : memref<20000x64xf32, #tpu.memory_space<hbm>> -> memref<20000x64xf32, #tpu.memory_space<hbm>>
    tpu.enqueue_indirect_dma source(%dma_start3A_72 : memref<20000x64xf32, #tpu.memory_space<hbm>>) target(%dma_start3A_66 : memref<80x64xf32, #tpu.memory_space<vmem>>) offsets(%dma_start3A_69 : memref<80xi32, #tpu.memory_space<vmem>>) semaphore(%arg14 : memref<!tpu.dma_semaphore, #tpu.memory_space<semaphore_mem>>)
    %dma_wait3A = arith.constant 0 : i32
    %dma_wait3A_73 = arith.constant 0 : i32
    %dma_wait3A_74 = arith.constant 0 : i32
    %dma_wait3A_75 = tpu.memref_slice %arg12[%dma_wait3A, %dma_wait3A_73, %dma_wait3A_74] : memref<4x80x64xf32, #tpu.memory_space<vmem>> -> memref<1x80x64xf32, #tpu.memory_space<vmem>>
    %dma_wait3A_76 = tpu.memref_squeeze %dma_wait3A_75 : memref<1x80x64xf32, #tpu.memory_space<vmem>> -> memref<80x64xf32, #tpu.memory_space<vmem>>
    %dma_wait3A_77 = arith.constant 0 : i32
    %dma_wait3A_78 = arith.constant 0 : i32
    %dma_wait3A_79 = tpu.memref_slice %arg2[%dma_wait3A_77, %dma_wait3A_78] : memref<20000x64xf32, #tpu.memory_space<hbm>> -> memref<80x64xf32, #tpu.memory_space<hbm>>
    %dma_wait3A_80 = arith.constant 0 : i32
    %dma_wait3A_81 = arith.constant 0 : i32
    %dma_wait3A_82 = tpu.memref_slice %arg12[%dma_wait3A, %dma_wait3A_80, %dma_wait3A_81] : memref<4x80x64xf32, #tpu.memory_space<vmem>> -> memref<1x80x64xf32, #tpu.memory_space<vmem>>
    %dma_wait3A_83 = tpu.memref_squeeze %dma_wait3A_82 : memref<1x80x64xf32, #tpu.memory_space<vmem>> -> memref<80x64xf32, #tpu.memory_space<vmem>>
    %dma_wait3A_84 = arith.constant 0 : i32
    %dma_wait3A_85 = arith.constant 0 : i32
    %dma_wait3A_86 = tpu.memref_slice %arg2[%dma_wait3A_84, %dma_wait3A_85] : memref<20000x64xf32, #tpu.memory_space<hbm>> -> memref<80x64xf32, #tpu.memory_space<hbm>>
    tpu.wait_dma2 semaphore(%arg13 : memref<!tpu.dma_semaphore, #tpu.memory_space<semaphore_mem>>) src(%dma_wait3A_86 : memref<80x64xf32, #tpu.memory_space<hbm>>) dst(%dma_wait3A_83 : memref<80x64xf32, #tpu.memory_space<vmem>>)
    %dma_start3A_87 = arith.constant 0 : i32
    %dma_start3A_88 = arith.constant 0 : i32
    %dma_start3A_89 = arith.constant 0 : i32
    %dma_start3A_90 = arith.constant 0 : i32
    %dma_start3A_91 = tpu.memref_slice %arg12[%dma_start3A_87, %dma_start3A_89, %dma_start3A_90] : memref<4x80x64xf32, #tpu.memory_space<vmem>> -> memref<1x80x64xf32, #tpu.memory_space<vmem>>
    %dma_start3A_92 = tpu.memref_squeeze %dma_start3A_91 : memref<1x80x64xf32, #tpu.memory_space<vmem>> -> memref<80x64xf32, #tpu.memory_space<vmem>>
    %dma_start3A_93 = arith.constant 0 : i32
    %dma_start3A_94 = tpu.memref_slice %arg11[%dma_start3A_88, %dma_start3A_93] : memref<250x80xi32, #tpu.memory_space<vmem>> -> memref<1x80xi32, #tpu.memory_space<vmem>>
    %dma_start3A_95 = tpu.memref_squeeze %dma_start3A_94 : memref<1x80xi32, #tpu.memory_space<vmem>> -> memref<80xi32, #tpu.memory_space<vmem>>
    %dma_start3A_96 = arith.constant 0 : i32
    %dma_start3A_97 = arith.constant 0 : i32
    %dma_start3A_98 = tpu.memref_slice %arg21[%dma_start3A_96, %dma_start3A_97] : memref<10000x64xf32, #tpu.memory_space<vmem_shared>> -> memref<10000x64xf32, #tpu.memory_space<vmem_shared>>
    tpu.enqueue_indirect_dma source(%dma_start3A_92 : memref<80x64xf32, #tpu.memory_space<vmem>>) target(%dma_start3A_98 : memref<10000x64xf32, #tpu.memory_space<vmem_shared>>) offsets(%dma_start3A_95 : memref<80xi32, #tpu.memory_space<vmem>>) semaphore(%arg17 : memref<!tpu.dma_semaphore, #tpu.memory_space<semaphore_mem>>) {add = true}
    %eq3A_99 = arith.constant 0 : i32
    %eq3A_100 = arith.cmpi eq, %arg0, %eq3A_99 : i32
    %convert_element_type3A_101 = arith.extui %eq3A_100 : i1 to i32
    %cond3A_102 = arith.constant 0 : i32
    %cond3A_103 = arith.cmpi ne, %convert_element_type3A_101, %cond3A_102 : i32
    scf.if %cond3A_103 {
      %run_scoped3A = arith.constant 0 : i32
      "tpu.region"() ({
        %run_scoped3A_423 = tpu.sem_alloc : memref<!tpu.dma_semaphore, #tpu.memory_space<semaphore_mem>>
        %dma_start3A_424 = arith.constant 0 : i32
        %dma_start3A_425 = tpu.memref_slice %arg11[%run_scoped3A, %dma_start3A_424] : memref<250x80xi32, #tpu.memory_space<vmem>> -> memref<1x80xi32, #tpu.memory_space<vmem>>
        %dma_start3A_426 = tpu.memref_squeeze %dma_start3A_425 : memref<1x80xi32, #tpu.memory_space<vmem>> -> memref<80xi32, #tpu.memory_space<vmem>>
        %dma_start3A_427 = arith.constant 0 : i32
        %dma_start3A_428 = tpu.memref_slice %arg24[%dma_start3A_427] : memref<10000xf32, #tpu.memory_space<vmem_shared>> -> memref<10000xf32, #tpu.memory_space<vmem_shared>>
        tpu.enqueue_indirect_dma source(%arg22 : memref<80xf32, #tpu.memory_space<vmem>>) target(%dma_start3A_428 : memref<10000xf32, #tpu.memory_space<vmem_shared>>) offsets(%dma_start3A_426 : memref<80xi32, #tpu.memory_space<vmem>>) semaphore(%run_scoped3A_423 : memref<!tpu.dma_semaphore, #tpu.memory_space<semaphore_mem>>) {add = true}
        %dma_wait3A_429 = arith.constant 0 : i32
        %dma_wait3A_430 = tpu.memref_slice %arg11[%run_scoped3A, %dma_wait3A_429] : memref<250x80xi32, #tpu.memory_space<vmem>> -> memref<1x80xi32, #tpu.memory_space<vmem>>
        %dma_wait3A_431 = tpu.memref_squeeze %dma_wait3A_430 : memref<1x80xi32, #tpu.memory_space<vmem>> -> memref<80xi32, #tpu.memory_space<vmem>>
        %dma_wait3A_432 = arith.constant 0 : i32
        %dma_wait3A_433 = tpu.memref_slice %arg24[%dma_wait3A_432] : memref<10000xf32, #tpu.memory_space<vmem_shared>> -> memref<10000xf32, #tpu.memory_space<vmem_shared>>
        tpu.wait_indirect_dma semaphore(%run_scoped3A_423 : memref<!tpu.dma_semaphore, #tpu.memory_space<semaphore_mem>>) src(%arg22 : memref<80xf32, #tpu.memory_space<vmem>>) dst(%dma_wait3A_433 : memref<10000xf32, #tpu.memory_space<vmem_shared>>)
        tpu.yield
      }) : () -> ()
    } else {
    }
    %dma_start3A_104 = arith.constant 2 : i32
    %dma_start3A_105 = arith.constant 2 : i32
    %dma_start3A_106 = arith.constant 0 : i32
    %dma_start3A_107 = arith.constant 0 : i32
    %dma_start3A_108 = tpu.memref_slice %arg12[%dma_start3A_105, %dma_start3A_106, %dma_start3A_107] : memref<4x80x64xf32, #tpu.memory_space<vmem>> -> memref<1x80x64xf32, #tpu.memory_space<vmem>>
    %dma_start3A_109 = tpu.memref_squeeze %dma_start3A_108 : memref<1x80x64xf32, #tpu.memory_space<vmem>> -> memref<80x64xf32, #tpu.memory_space<vmem>>
    %dma_start3A_110 = arith.constant 0 : i32
    %dma_start3A_111 = tpu.memref_slice %arg10[%dma_start3A_104, %dma_start3A_110] : memref<250x80xi32, #tpu.memory_space<vmem>> -> memref<1x80xi32, #tpu.memory_space<vmem>>
    %dma_start3A_112 = tpu.memref_squeeze %dma_start3A_111 : memref<1x80xi32, #tpu.memory_space<vmem>> -> memref<80xi32, #tpu.memory_space<vmem>>
    %dma_start3A_113 = arith.constant 0 : i32
    %dma_start3A_114 = arith.constant 0 : i32
    %dma_start3A_115 = tpu.memref_slice %arg2[%dma_start3A_113, %dma_start3A_114] : memref<20000x64xf32, #tpu.memory_space<hbm>> -> memref<20000x64xf32, #tpu.memory_space<hbm>>
    tpu.enqueue_indirect_dma source(%dma_start3A_115 : memref<20000x64xf32, #tpu.memory_space<hbm>>) target(%dma_start3A_109 : memref<80x64xf32, #tpu.memory_space<vmem>>) offsets(%dma_start3A_112 : memref<80xi32, #tpu.memory_space<vmem>>) semaphore(%arg15 : memref<!tpu.dma_semaphore, #tpu.memory_space<semaphore_mem>>)
    %dma_wait3A_116 = arith.constant 1 : i32
    %dma_wait3A_117 = arith.constant 0 : i32
    %dma_wait3A_118 = arith.constant 0 : i32
    %dma_wait3A_119 = tpu.memref_slice %arg12[%dma_wait3A_116, %dma_wait3A_117, %dma_wait3A_118] : memref<4x80x64xf32, #tpu.memory_space<vmem>> -> memref<1x80x64xf32, #tpu.memory_space<vmem>>
    %dma_wait3A_120 = tpu.memref_squeeze %dma_wait3A_119 : memref<1x80x64xf32, #tpu.memory_space<vmem>> -> memref<80x64xf32, #tpu.memory_space<vmem>>
    %dma_wait3A_121 = arith.constant 0 : i32
    %dma_wait3A_122 = arith.constant 0 : i32
    %dma_wait3A_123 = tpu.memref_slice %arg2[%dma_wait3A_121, %dma_wait3A_122] : memref<20000x64xf32, #tpu.memory_space<hbm>> -> memref<80x64xf32, #tpu.memory_space<hbm>>
    %dma_wait3A_124 = arith.constant 0 : i32
    %dma_wait3A_125 = arith.constant 0 : i32
    %dma_wait3A_126 = tpu.memref_slice %arg12[%dma_wait3A_116, %dma_wait3A_124, %dma_wait3A_125] : memref<4x80x64xf32, #tpu.memory_space<vmem>> -> memref<1x80x64xf32, #tpu.memory_space<vmem>>
    %dma_wait3A_127 = tpu.memref_squeeze %dma_wait3A_126 : memref<1x80x64xf32, #tpu.memory_space<vmem>> -> memref<80x64xf32, #tpu.memory_space<vmem>>
    %dma_wait3A_128 = arith.constant 0 : i32
    %dma_wait3A_129 = arith.constant 0 : i32
    %dma_wait3A_130 = tpu.memref_slice %arg2[%dma_wait3A_128, %dma_wait3A_129] : memref<20000x64xf32, #tpu.memory_space<hbm>> -> memref<80x64xf32, #tpu.memory_space<hbm>>
    tpu.wait_dma2 semaphore(%arg14 : memref<!tpu.dma_semaphore, #tpu.memory_space<semaphore_mem>>) src(%dma_wait3A_130 : memref<80x64xf32, #tpu.memory_space<hbm>>) dst(%dma_wait3A_127 : memref<80x64xf32, #tpu.memory_space<vmem>>)
    %dma_start3A_131 = arith.constant 1 : i32
    %dma_start3A_132 = arith.constant 1 : i32
    %dma_start3A_133 = arith.constant 0 : i32
    %dma_start3A_134 = arith.constant 0 : i32
    %dma_start3A_135 = tpu.memref_slice %arg12[%dma_start3A_131, %dma_start3A_133, %dma_start3A_134] : memref<4x80x64xf32, #tpu.memory_space<vmem>> -> memref<1x80x64xf32, #tpu.memory_space<vmem>>
    %dma_start3A_136 = tpu.memref_squeeze %dma_start3A_135 : memref<1x80x64xf32, #tpu.memory_space<vmem>> -> memref<80x64xf32, #tpu.memory_space<vmem>>
    %dma_start3A_137 = arith.constant 0 : i32
    %dma_start3A_138 = tpu.memref_slice %arg11[%dma_start3A_132, %dma_start3A_137] : memref<250x80xi32, #tpu.memory_space<vmem>> -> memref<1x80xi32, #tpu.memory_space<vmem>>
    %dma_start3A_139 = tpu.memref_squeeze %dma_start3A_138 : memref<1x80xi32, #tpu.memory_space<vmem>> -> memref<80xi32, #tpu.memory_space<vmem>>
    %dma_start3A_140 = arith.constant 0 : i32
    %dma_start3A_141 = arith.constant 0 : i32
    %dma_start3A_142 = tpu.memref_slice %arg21[%dma_start3A_140, %dma_start3A_141] : memref<10000x64xf32, #tpu.memory_space<vmem_shared>> -> memref<10000x64xf32, #tpu.memory_space<vmem_shared>>
    tpu.enqueue_indirect_dma source(%dma_start3A_136 : memref<80x64xf32, #tpu.memory_space<vmem>>) target(%dma_start3A_142 : memref<10000x64xf32, #tpu.memory_space<vmem_shared>>) offsets(%dma_start3A_139 : memref<80xi32, #tpu.memory_space<vmem>>) semaphore(%arg18 : memref<!tpu.dma_semaphore, #tpu.memory_space<semaphore_mem>>) {add = true}
    %eq3A_143 = arith.constant 1 : i32
    %eq3A_144 = arith.cmpi eq, %arg0, %eq3A_143 : i32
    %convert_element_type3A_145 = arith.extui %eq3A_144 : i1 to i32
    %cond3A_146 = arith.constant 0 : i32
    %cond3A_147 = arith.cmpi ne, %convert_element_type3A_145, %cond3A_146 : i32
    scf.if %cond3A_147 {
      %run_scoped3A = arith.constant 1 : i32
      "tpu.region"() ({
        %run_scoped3A_423 = tpu.sem_alloc : memref<!tpu.dma_semaphore, #tpu.memory_space<semaphore_mem>>
        %dma_start3A_424 = arith.constant 0 : i32
        %dma_start3A_425 = tpu.memref_slice %arg11[%run_scoped3A, %dma_start3A_424] : memref<250x80xi32, #tpu.memory_space<vmem>> -> memref<1x80xi32, #tpu.memory_space<vmem>>
        %dma_start3A_426 = tpu.memref_squeeze %dma_start3A_425 : memref<1x80xi32, #tpu.memory_space<vmem>> -> memref<80xi32, #tpu.memory_space<vmem>>
        %dma_start3A_427 = arith.constant 0 : i32
        %dma_start3A_428 = tpu.memref_slice %arg24[%dma_start3A_427] : memref<10000xf32, #tpu.memory_space<vmem_shared>> -> memref<10000xf32, #tpu.memory_space<vmem_shared>>
        tpu.enqueue_indirect_dma source(%arg22 : memref<80xf32, #tpu.memory_space<vmem>>) target(%dma_start3A_428 : memref<10000xf32, #tpu.memory_space<vmem_shared>>) offsets(%dma_start3A_426 : memref<80xi32, #tpu.memory_space<vmem>>) semaphore(%run_scoped3A_423 : memref<!tpu.dma_semaphore, #tpu.memory_space<semaphore_mem>>) {add = true}
        %dma_wait3A_429 = arith.constant 0 : i32
        %dma_wait3A_430 = tpu.memref_slice %arg11[%run_scoped3A, %dma_wait3A_429] : memref<250x80xi32, #tpu.memory_space<vmem>> -> memref<1x80xi32, #tpu.memory_space<vmem>>
        %dma_wait3A_431 = tpu.memref_squeeze %dma_wait3A_430 : memref<1x80xi32, #tpu.memory_space<vmem>> -> memref<80xi32, #tpu.memory_space<vmem>>
        %dma_wait3A_432 = arith.constant 0 : i32
        %dma_wait3A_433 = tpu.memref_slice %arg24[%dma_wait3A_432] : memref<10000xf32, #tpu.memory_space<vmem_shared>> -> memref<10000xf32, #tpu.memory_space<vmem_shared>>
        tpu.wait_indirect_dma semaphore(%run_scoped3A_423 : memref<!tpu.dma_semaphore, #tpu.memory_space<semaphore_mem>>) src(%arg22 : memref<80xf32, #tpu.memory_space<vmem>>) dst(%dma_wait3A_433 : memref<10000xf32, #tpu.memory_space<vmem_shared>>)
        tpu.yield
      }) : () -> ()
    } else {
    }
    %dma_start3A_148 = arith.constant 3 : i32
    %dma_start3A_149 = arith.constant 3 : i32
    %dma_start3A_150 = arith.constant 0 : i32
    %dma_start3A_151 = arith.constant 0 : i32
    %dma_start3A_152 = tpu.memref_slice %arg12[%dma_start3A_149, %dma_start3A_150, %dma_start3A_151] : memref<4x80x64xf32, #tpu.memory_space<vmem>> -> memref<1x80x64xf32, #tpu.memory_space<vmem>>
    %dma_start3A_153 = tpu.memref_squeeze %dma_start3A_152 : memref<1x80x64xf32, #tpu.memory_space<vmem>> -> memref<80x64xf32, #tpu.memory_space<vmem>>
    %dma_start3A_154 = arith.constant 0 : i32
    %dma_start3A_155 = tpu.memref_slice %arg10[%dma_start3A_148, %dma_start3A_154] : memref<250x80xi32, #tpu.memory_space<vmem>> -> memref<1x80xi32, #tpu.memory_space<vmem>>
    %dma_start3A_156 = tpu.memref_squeeze %dma_start3A_155 : memref<1x80xi32, #tpu.memory_space<vmem>> -> memref<80xi32, #tpu.memory_space<vmem>>
    %dma_start3A_157 = arith.constant 0 : i32
    %dma_start3A_158 = arith.constant 0 : i32
    %dma_start3A_159 = tpu.memref_slice %arg2[%dma_start3A_157, %dma_start3A_158] : memref<20000x64xf32, #tpu.memory_space<hbm>> -> memref<20000x64xf32, #tpu.memory_space<hbm>>
    tpu.enqueue_indirect_dma source(%dma_start3A_159 : memref<20000x64xf32, #tpu.memory_space<hbm>>) target(%dma_start3A_153 : memref<80x64xf32, #tpu.memory_space<vmem>>) offsets(%dma_start3A_156 : memref<80xi32, #tpu.memory_space<vmem>>) semaphore(%arg16 : memref<!tpu.dma_semaphore, #tpu.memory_space<semaphore_mem>>)
    %scan3A = arith.constant 0 : i32
    %scan3A_160 = arith.constant 0 : i32
    %scan3A_161 = arith.constant 61 : i32
    %scan3A_162 = arith.addi %scan3A_160, %scan3A_161 : i32
    %scan3A_163 = arith.constant 1 : i32
    scf.for %scan3A_423 = %scan3A_160 to %scan3A_162 step %scan3A_163  : i32 {
      %mul3A_424 = arith.constant 4 : i32
      %mul3A_425 = arith.muli %mul3A_424, %scan3A_423 : i32
      %add3A = arith.constant 2 : i32
      %add3A_426 = arith.addi %mul3A_425, %add3A : i32
      %dma_wait3A_427 = arith.constant 2 : i32
      %dma_wait3A_428 = arith.constant 0 : i32
      %dma_wait3A_429 = arith.constant 0 : i32
      %dma_wait3A_430 = tpu.memref_slice %arg12[%dma_wait3A_427, %dma_wait3A_428, %dma_wait3A_429] : memref<4x80x64xf32, #tpu.memory_space<vmem>> -> memref<1x80x64xf32, #tpu.memory_space<vmem>>
      %dma_wait3A_431 = tpu.memref_squeeze %dma_wait3A_430 : memref<1x80x64xf32, #tpu.memory_space<vmem>> -> memref<80x64xf32, #tpu.memory_space<vmem>>
      %dma_wait3A_432 = arith.constant 0 : i32
      %dma_wait3A_433 = arith.constant 0 : i32
      %dma_wait3A_434 = tpu.memref_slice %arg2[%dma_wait3A_432, %dma_wait3A_433] : memref<20000x64xf32, #tpu.memory_space<hbm>> -> memref<80x64xf32, #tpu.memory_space<hbm>>
      %dma_wait3A_435 = arith.constant 0 : i32
      %dma_wait3A_436 = arith.constant 0 : i32
      %dma_wait3A_437 = tpu.memref_slice %arg12[%dma_wait3A_427, %dma_wait3A_435, %dma_wait3A_436] : memref<4x80x64xf32, #tpu.memory_space<vmem>> -> memref<1x80x64xf32, #tpu.memory_space<vmem>>
      %dma_wait3A_438 = tpu.memref_squeeze %dma_wait3A_437 : memref<1x80x64xf32, #tpu.memory_space<vmem>> -> memref<80x64xf32, #tpu.memory_space<vmem>>
      %dma_wait3A_439 = arith.constant 0 : i32
      %dma_wait3A_440 = arith.constant 0 : i32
      %dma_wait3A_441 = tpu.memref_slice %arg2[%dma_wait3A_439, %dma_wait3A_440] : memref<20000x64xf32, #tpu.memory_space<hbm>> -> memref<80x64xf32, #tpu.memory_space<hbm>>
      tpu.wait_dma2 semaphore(%arg15 : memref<!tpu.dma_semaphore, #tpu.memory_space<semaphore_mem>>) src(%dma_wait3A_441 : memref<80x64xf32, #tpu.memory_space<hbm>>) dst(%dma_wait3A_438 : memref<80x64xf32, #tpu.memory_space<vmem>>)
      %add3A_442 = arith.constant 0 : i32
      %add3A_443 = arith.addi %add3A_426, %add3A_442 : i32
      %dma_start3A_444 = arith.constant 2 : i32
      %dma_start3A_445 = arith.constant 0 : i32
      %dma_start3A_446 = arith.constant 0 : i32
      %dma_start3A_447 = tpu.memref_slice %arg12[%dma_start3A_444, %dma_start3A_445, %dma_start3A_446] : memref<4x80x64xf32, #tpu.memory_space<vmem>> -> memref<1x80x64xf32, #tpu.memory_space<vmem>>
      %dma_start3A_448 = tpu.memref_squeeze %dma_start3A_447 : memref<1x80x64xf32, #tpu.memory_space<vmem>> -> memref<80x64xf32, #tpu.memory_space<vmem>>
      %dma_start3A_449 = arith.constant 0 : i32
      %dma_start3A_450 = tpu.memref_slice %arg11[%add3A_443, %dma_start3A_449] : memref<250x80xi32, #tpu.memory_space<vmem>> -> memref<1x80xi32, #tpu.memory_space<vmem>>
      %dma_start3A_451 = tpu.memref_squeeze %dma_start3A_450 : memref<1x80xi32, #tpu.memory_space<vmem>> -> memref<80xi32, #tpu.memory_space<vmem>>
      %dma_start3A_452 = arith.constant 0 : i32
      %dma_start3A_453 = arith.constant 0 : i32
      %dma_start3A_454 = tpu.memref_slice %arg21[%dma_start3A_452, %dma_start3A_453] : memref<10000x64xf32, #tpu.memory_space<vmem_shared>> -> memref<10000x64xf32, #tpu.memory_space<vmem_shared>>
      tpu.enqueue_indirect_dma source(%dma_start3A_448 : memref<80x64xf32, #tpu.memory_space<vmem>>) target(%dma_start3A_454 : memref<10000x64xf32, #tpu.memory_space<vmem_shared>>) offsets(%dma_start3A_451 : memref<80xi32, #tpu.memory_space<vmem>>) semaphore(%arg19 : memref<!tpu.dma_semaphore, #tpu.memory_space<semaphore_mem>>) {add = true}
      %eq3A_455 = arith.constant 0 : i32
      %eq3A_456 = arith.cmpi eq, %arg0, %eq3A_455 : i32
      %convert_element_type3A_457 = arith.extui %eq3A_456 : i1 to i32
      %cond3A_458 = arith.constant 0 : i32
      %cond3A_459 = arith.cmpi ne, %convert_element_type3A_457, %cond3A_458 : i32
      scf.if %cond3A_459 {
        "tpu.region"() ({
          %run_scoped3A = tpu.sem_alloc : memref<!tpu.dma_semaphore, #tpu.memory_space<semaphore_mem>>
          %dma_start3A_679 = arith.constant 0 : i32
          %dma_start3A_680 = tpu.memref_slice %arg11[%add3A_443, %dma_start3A_679] : memref<250x80xi32, #tpu.memory_space<vmem>> -> memref<1x80xi32, #tpu.memory_space<vmem>>
          %dma_start3A_681 = tpu.memref_squeeze %dma_start3A_680 : memref<1x80xi32, #tpu.memory_space<vmem>> -> memref<80xi32, #tpu.memory_space<vmem>>
          %dma_start3A_682 = arith.constant 0 : i32
          %dma_start3A_683 = tpu.memref_slice %arg24[%dma_start3A_682] : memref<10000xf32, #tpu.memory_space<vmem_shared>> -> memref<10000xf32, #tpu.memory_space<vmem_shared>>
          tpu.enqueue_indirect_dma source(%arg22 : memref<80xf32, #tpu.memory_space<vmem>>) target(%dma_start3A_683 : memref<10000xf32, #tpu.memory_space<vmem_shared>>) offsets(%dma_start3A_681 : memref<80xi32, #tpu.memory_space<vmem>>) semaphore(%run_scoped3A : memref<!tpu.dma_semaphore, #tpu.memory_space<semaphore_mem>>) {add = true}
          %dma_wait3A_684 = arith.constant 0 : i32
          %dma_wait3A_685 = tpu.memref_slice %arg11[%add3A_443, %dma_wait3A_684] : memref<250x80xi32, #tpu.memory_space<vmem>> -> memref<1x80xi32, #tpu.memory_space<vmem>>
          %dma_wait3A_686 = tpu.memref_squeeze %dma_wait3A_685 : memref<1x80xi32, #tpu.memory_space<vmem>> -> memref<80xi32, #tpu.memory_space<vmem>>
          %dma_wait3A_687 = arith.constant 0 : i32
          %dma_wait3A_688 = tpu.memref_slice %arg24[%dma_wait3A_687] : memref<10000xf32, #tpu.memory_space<vmem_shared>> -> memref<10000xf32, #tpu.memory_space<vmem_shared>>
          tpu.wait_indirect_dma semaphore(%run_scoped3A : memref<!tpu.dma_semaphore, #tpu.memory_space<semaphore_mem>>) src(%arg22 : memref<80xf32, #tpu.memory_space<vmem>>) dst(%dma_wait3A_688 : memref<10000xf32, #tpu.memory_space<vmem_shared>>)
          tpu.yield
        }) : () -> ()
      } else {
      }
      %dma_wait3A_460 = arith.constant 0 : i32
      %dma_wait3A_461 = arith.constant 0 : i32
      %dma_wait3A_462 = arith.constant 0 : i32
      %dma_wait3A_463 = tpu.memref_slice %arg12[%dma_wait3A_460, %dma_wait3A_461, %dma_wait3A_462] : memref<4x80x64xf32, #tpu.memory_space<vmem>> -> memref<1x80x64xf32, #tpu.memory_space<vmem>>
      %dma_wait3A_464 = tpu.memref_squeeze %dma_wait3A_463 : memref<1x80x64xf32, #tpu.memory_space<vmem>> -> memref<80x64xf32, #tpu.memory_space<vmem>>
      %dma_wait3A_465 = arith.constant 0 : i32
      %dma_wait3A_466 = arith.constant 0 : i32
      %dma_wait3A_467 = tpu.memref_slice %arg21[%dma_wait3A_465, %dma_wait3A_466] : memref<10000x64xf32, #tpu.memory_space<vmem_shared>> -> memref<80x64xf32, #tpu.memory_space<vmem_shared>>
      %dma_wait3A_468 = arith.constant 0 : i32
      %dma_wait3A_469 = arith.constant 0 : i32
      %dma_wait3A_470 = tpu.memref_slice %arg21[%dma_wait3A_468, %dma_wait3A_469] : memref<10000x64xf32, #tpu.memory_space<vmem_shared>> -> memref<80x64xf32, #tpu.memory_space<vmem_shared>>
      %dma_wait3A_471 = arith.constant 0 : i32
      %dma_wait3A_472 = arith.constant 0 : i32
      %dma_wait3A_473 = tpu.memref_slice %arg12[%dma_wait3A_460, %dma_wait3A_471, %dma_wait3A_472] : memref<4x80x64xf32, #tpu.memory_space<vmem>> -> memref<1x80x64xf32, #tpu.memory_space<vmem>>
      %dma_wait3A_474 = tpu.memref_squeeze %dma_wait3A_473 : memref<1x80x64xf32, #tpu.memory_space<vmem>> -> memref<80x64xf32, #tpu.memory_space<vmem>>
      tpu.wait_dma2 semaphore(%arg17 : memref<!tpu.dma_semaphore, #tpu.memory_space<semaphore_mem>>) src(%dma_wait3A_474 : memref<80x64xf32, #tpu.memory_space<vmem>>) dst(%dma_wait3A_470 : memref<80x64xf32, #tpu.memory_space<vmem_shared>>)
      %add3A_475 = arith.constant 0 : i32
      %add3A_476 = arith.addi %add3A_426, %add3A_475 : i32
      %add3A_477 = arith.constant 2 : i32
      %add3A_478 = arith.addi %add3A_476, %add3A_477 : i32
      %dma_start3A_479 = arith.constant 0 : i32
      %dma_start3A_480 = arith.constant 0 : i32
      %dma_start3A_481 = arith.constant 0 : i32
      %dma_start3A_482 = tpu.memref_slice %arg12[%dma_start3A_479, %dma_start3A_480, %dma_start3A_481] : memref<4x80x64xf32, #tpu.memory_space<vmem>> -> memref<1x80x64xf32, #tpu.memory_space<vmem>>
      %dma_start3A_483 = tpu.memref_squeeze %dma_start3A_482 : memref<1x80x64xf32, #tpu.memory_space<vmem>> -> memref<80x64xf32, #tpu.memory_space<vmem>>
      %dma_start3A_484 = arith.constant 0 : i32
      %dma_start3A_485 = tpu.memref_slice %arg10[%add3A_478, %dma_start3A_484] : memref<250x80xi32, #tpu.memory_space<vmem>> -> memref<1x80xi32, #tpu.memory_space<vmem>>
      %dma_start3A_486 = tpu.memref_squeeze %dma_start3A_485 : memref<1x80xi32, #tpu.memory_space<vmem>> -> memref<80xi32, #tpu.memory_space<vmem>>
      %dma_start3A_487 = arith.constant 0 : i32
      %dma_start3A_488 = arith.constant 0 : i32
      %dma_start3A_489 = tpu.memref_slice %arg2[%dma_start3A_487, %dma_start3A_488] : memref<20000x64xf32, #tpu.memory_space<hbm>> -> memref<20000x64xf32, #tpu.memory_space<hbm>>
      tpu.enqueue_indirect_dma source(%dma_start3A_489 : memref<20000x64xf32, #tpu.memory_space<hbm>>) target(%dma_start3A_483 : memref<80x64xf32, #tpu.memory_space<vmem>>) offsets(%dma_start3A_486 : memref<80xi32, #tpu.memory_space<vmem>>) semaphore(%arg13 : memref<!tpu.dma_semaphore, #tpu.memory_space<semaphore_mem>>)
      %dma_wait3A_490 = arith.constant 3 : i32
      %dma_wait3A_491 = arith.constant 0 : i32
      %dma_wait3A_492 = arith.constant 0 : i32
      %dma_wait3A_493 = tpu.memref_slice %arg12[%dma_wait3A_490, %dma_wait3A_491, %dma_wait3A_492] : memref<4x80x64xf32, #tpu.memory_space<vmem>> -> memref<1x80x64xf32, #tpu.memory_space<vmem>>
      %dma_wait3A_494 = tpu.memref_squeeze %dma_wait3A_493 : memref<1x80x64xf32, #tpu.memory_space<vmem>> -> memref<80x64xf32, #tpu.memory_space<vmem>>
      %dma_wait3A_495 = arith.constant 0 : i32
      %dma_wait3A_496 = arith.constant 0 : i32
      %dma_wait3A_497 = tpu.memref_slice %arg2[%dma_wait3A_495, %dma_wait3A_496] : memref<20000x64xf32, #tpu.memory_space<hbm>> -> memref<80x64xf32, #tpu.memory_space<hbm>>
      %dma_wait3A_498 = arith.constant 0 : i32
      %dma_wait3A_499 = arith.constant 0 : i32
      %dma_wait3A_500 = tpu.memref_slice %arg12[%dma_wait3A_490, %dma_wait3A_498, %dma_wait3A_499] : memref<4x80x64xf32, #tpu.memory_space<vmem>> -> memref<1x80x64xf32, #tpu.memory_space<vmem>>
      %dma_wait3A_501 = tpu.memref_squeeze %dma_wait3A_500 : memref<1x80x64xf32, #tpu.memory_space<vmem>> -> memref<80x64xf32, #tpu.memory_space<vmem>>
      %dma_wait3A_502 = arith.constant 0 : i32
      %dma_wait3A_503 = arith.constant 0 : i32
      %dma_wait3A_504 = tpu.memref_slice %arg2[%dma_wait3A_502, %dma_wait3A_503] : memref<20000x64xf32, #tpu.memory_space<hbm>> -> memref<80x64xf32, #tpu.memory_space<hbm>>
      tpu.wait_dma2 semaphore(%arg16 : memref<!tpu.dma_semaphore, #tpu.memory_space<semaphore_mem>>) src(%dma_wait3A_504 : memref<80x64xf32, #tpu.memory_space<hbm>>) dst(%dma_wait3A_501 : memref<80x64xf32, #tpu.memory_space<vmem>>)
      %add3A_505 = arith.constant 1 : i32
      %add3A_506 = arith.addi %add3A_426, %add3A_505 : i32
      %dma_start3A_507 = arith.constant 3 : i32
      %dma_start3A_508 = arith.constant 0 : i32
      %dma_start3A_509 = arith.constant 0 : i32
      %dma_start3A_510 = tpu.memref_slice %arg12[%dma_start3A_507, %dma_start3A_508, %dma_start3A_509] : memref<4x80x64xf32, #tpu.memory_space<vmem>> -> memref<1x80x64xf32, #tpu.memory_space<vmem>>
      %dma_start3A_511 = tpu.memref_squeeze %dma_start3A_510 : memref<1x80x64xf32, #tpu.memory_space<vmem>> -> memref<80x64xf32, #tpu.memory_space<vmem>>
      %dma_start3A_512 = arith.constant 0 : i32
      %dma_start3A_513 = tpu.memref_slice %arg11[%add3A_506, %dma_start3A_512] : memref<250x80xi32, #tpu.memory_space<vmem>> -> memref<1x80xi32, #tpu.memory_space<vmem>>
      %dma_start3A_514 = tpu.memref_squeeze %dma_start3A_513 : memref<1x80xi32, #tpu.memory_space<vmem>> -> memref<80xi32, #tpu.memory_space<vmem>>
      %dma_start3A_515 = arith.constant 0 : i32
      %dma_start3A_516 = arith.constant 0 : i32
      %dma_start3A_517 = tpu.memref_slice %arg21[%dma_start3A_515, %dma_start3A_516] : memref<10000x64xf32, #tpu.memory_space<vmem_shared>> -> memref<10000x64xf32, #tpu.memory_space<vmem_shared>>
      tpu.enqueue_indirect_dma source(%dma_start3A_511 : memref<80x64xf32, #tpu.memory_space<vmem>>) target(%dma_start3A_517 : memref<10000x64xf32, #tpu.memory_space<vmem_shared>>) offsets(%dma_start3A_514 : memref<80xi32, #tpu.memory_space<vmem>>) semaphore(%arg20 : memref<!tpu.dma_semaphore, #tpu.memory_space<semaphore_mem>>) {add = true}
      %eq3A_518 = arith.constant 1 : i32
      %eq3A_519 = arith.cmpi eq, %arg0, %eq3A_518 : i32
      %convert_element_type3A_520 = arith.extui %eq3A_519 : i1 to i32
      %cond3A_521 = arith.constant 0 : i32
      %cond3A_522 = arith.cmpi ne, %convert_element_type3A_520, %cond3A_521 : i32
      scf.if %cond3A_522 {
        "tpu.region"() ({
          %run_scoped3A = tpu.sem_alloc : memref<!tpu.dma_semaphore, #tpu.memory_space<semaphore_mem>>
          %dma_start3A_679 = arith.constant 0 : i32
          %dma_start3A_680 = tpu.memref_slice %arg11[%add3A_506, %dma_start3A_679] : memref<250x80xi32, #tpu.memory_space<vmem>> -> memref<1x80xi32, #tpu.memory_space<vmem>>
          %dma_start3A_681 = tpu.memref_squeeze %dma_start3A_680 : memref<1x80xi32, #tpu.memory_space<vmem>> -> memref<80xi32, #tpu.memory_space<vmem>>
          %dma_start3A_682 = arith.constant 0 : i32
          %dma_start3A_683 = tpu.memref_slice %arg24[%dma_start3A_682] : memref<10000xf32, #tpu.memory_space<vmem_shared>> -> memref<10000xf32, #tpu.memory_space<vmem_shared>>
          tpu.enqueue_indirect_dma source(%arg22 : memref<80xf32, #tpu.memory_space<vmem>>) target(%dma_start3A_683 : memref<10000xf32, #tpu.memory_space<vmem_shared>>) offsets(%dma_start3A_681 : memref<80xi32, #tpu.memory_space<vmem>>) semaphore(%run_scoped3A : memref<!tpu.dma_semaphore, #tpu.memory_space<semaphore_mem>>) {add = true}
          %dma_wait3A_684 = arith.constant 0 : i32
          %dma_wait3A_685 = tpu.memref_slice %arg11[%add3A_506, %dma_wait3A_684] : memref<250x80xi32, #tpu.memory_space<vmem>> -> memref<1x80xi32, #tpu.memory_space<vmem>>
          %dma_wait3A_686 = tpu.memref_squeeze %dma_wait3A_685 : memref<1x80xi32, #tpu.memory_space<vmem>> -> memref<80xi32, #tpu.memory_space<vmem>>
          %dma_wait3A_687 = arith.constant 0 : i32
          %dma_wait3A_688 = tpu.memref_slice %arg24[%dma_wait3A_687] : memref<10000xf32, #tpu.memory_space<vmem_shared>> -> memref<10000xf32, #tpu.memory_space<vmem_shared>>
          tpu.wait_indirect_dma semaphore(%run_scoped3A : memref<!tpu.dma_semaphore, #tpu.memory_space<semaphore_mem>>) src(%arg22 : memref<80xf32, #tpu.memory_space<vmem>>) dst(%dma_wait3A_688 : memref<10000xf32, #tpu.memory_space<vmem_shared>>)
          tpu.yield
        }) : () -> ()
      } else {
      }
      %dma_wait3A_523 = arith.constant 1 : i32
      %dma_wait3A_524 = arith.constant 0 : i32
      %dma_wait3A_525 = arith.constant 0 : i32
      %dma_wait3A_526 = tpu.memref_slice %arg12[%dma_wait3A_523, %dma_wait3A_524, %dma_wait3A_525] : memref<4x80x64xf32, #tpu.memory_space<vmem>> -> memref<1x80x64xf32, #tpu.memory_space<vmem>>
      %dma_wait3A_527 = tpu.memref_squeeze %dma_wait3A_526 : memref<1x80x64xf32, #tpu.memory_space<vmem>> -> memref<80x64xf32, #tpu.memory_space<vmem>>
      %dma_wait3A_528 = arith.constant 0 : i32
      %dma_wait3A_529 = arith.constant 0 : i32
      %dma_wait3A_530 = tpu.memref_slice %arg21[%dma_wait3A_528, %dma_wait3A_529] : memref<10000x64xf32, #tpu.memory_space<vmem_shared>> -> memref<80x64xf32, #tpu.memory_space<vmem_shared>>
      %dma_wait3A_531 = arith.constant 0 : i32
      %dma_wait3A_532 = arith.constant 0 : i32
      %dma_wait3A_533 = tpu.memref_slice %arg21[%dma_wait3A_531, %dma_wait3A_532] : memref<10000x64xf32, #tpu.memory_space<vmem_shared>> -> memref<80x64xf32, #tpu.memory_space<vmem_shared>>
      %dma_wait3A_534 = arith.constant 0 : i32
      %dma_wait3A_535 = arith.constant 0 : i32
      %dma_wait3A_536 = tpu.memref_slice %arg12[%dma_wait3A_523, %dma_wait3A_534, %dma_wait3A_535] : memref<4x80x64xf32, #tpu.memory_space<vmem>> -> memref<1x80x64xf32, #tpu.memory_space<vmem>>
      %dma_wait3A_537 = tpu.memref_squeeze %dma_wait3A_536 : memref<1x80x64xf32, #tpu.memory_space<vmem>> -> memref<80x64xf32, #tpu.memory_space<vmem>>
      tpu.wait_dma2 semaphore(%arg18 : memref<!tpu.dma_semaphore, #tpu.memory_space<semaphore_mem>>) src(%dma_wait3A_537 : memref<80x64xf32, #tpu.memory_space<vmem>>) dst(%dma_wait3A_533 : memref<80x64xf32, #tpu.memory_space<vmem_shared>>)
      %add3A_538 = arith.constant 1 : i32
      %add3A_539 = arith.addi %add3A_426, %add3A_538 : i32
      %add3A_540 = arith.constant 2 : i32
      %add3A_541 = arith.addi %add3A_539, %add3A_540 : i32
      %dma_start3A_542 = arith.constant 1 : i32
      %dma_start3A_543 = arith.constant 0 : i32
      %dma_start3A_544 = arith.constant 0 : i32
      %dma_start3A_545 = tpu.memref_slice %arg12[%dma_start3A_542, %dma_start3A_543, %dma_start3A_544] : memref<4x80x64xf32, #tpu.memory_space<vmem>> -> memref<1x80x64xf32, #tpu.memory_space<vmem>>
      %dma_start3A_546 = tpu.memref_squeeze %dma_start3A_545 : memref<1x80x64xf32, #tpu.memory_space<vmem>> -> memref<80x64xf32, #tpu.memory_space<vmem>>
      %dma_start3A_547 = arith.constant 0 : i32
      %dma_start3A_548 = tpu.memref_slice %arg10[%add3A_541, %dma_start3A_547] : memref<250x80xi32, #tpu.memory_space<vmem>> -> memref<1x80xi32, #tpu.memory_space<vmem>>
      %dma_start3A_549 = tpu.memref_squeeze %dma_start3A_548 : memref<1x80xi32, #tpu.memory_space<vmem>> -> memref<80xi32, #tpu.memory_space<vmem>>
      %dma_start3A_550 = arith.constant 0 : i32
      %dma_start3A_551 = arith.constant 0 : i32
      %dma_start3A_552 = tpu.memref_slice %arg2[%dma_start3A_550, %dma_start3A_551] : memref<20000x64xf32, #tpu.memory_space<hbm>> -> memref<20000x64xf32, #tpu.memory_space<hbm>>
      tpu.enqueue_indirect_dma source(%dma_start3A_552 : memref<20000x64xf32, #tpu.memory_space<hbm>>) target(%dma_start3A_546 : memref<80x64xf32, #tpu.memory_space<vmem>>) offsets(%dma_start3A_549 : memref<80xi32, #tpu.memory_space<vmem>>) semaphore(%arg14 : memref<!tpu.dma_semaphore, #tpu.memory_space<semaphore_mem>>)
      %dma_wait3A_553 = arith.constant 0 : i32
      %dma_wait3A_554 = arith.constant 0 : i32
      %dma_wait3A_555 = arith.constant 0 : i32
      %dma_wait3A_556 = tpu.memref_slice %arg12[%dma_wait3A_553, %dma_wait3A_554, %dma_wait3A_555] : memref<4x80x64xf32, #tpu.memory_space<vmem>> -> memref<1x80x64xf32, #tpu.memory_space<vmem>>
      %dma_wait3A_557 = tpu.memref_squeeze %dma_wait3A_556 : memref<1x80x64xf32, #tpu.memory_space<vmem>> -> memref<80x64xf32, #tpu.memory_space<vmem>>
      %dma_wait3A_558 = arith.constant 0 : i32
      %dma_wait3A_559 = arith.constant 0 : i32
      %dma_wait3A_560 = tpu.memref_slice %arg2[%dma_wait3A_558, %dma_wait3A_559] : memref<20000x64xf32, #tpu.memory_space<hbm>> -> memref<80x64xf32, #tpu.memory_space<hbm>>
      %dma_wait3A_561 = arith.constant 0 : i32
      %dma_wait3A_562 = arith.constant 0 : i32
      %dma_wait3A_563 = tpu.memref_slice %arg12[%dma_wait3A_553, %dma_wait3A_561, %dma_wait3A_562] : memref<4x80x64xf32, #tpu.memory_space<vmem>> -> memref<1x80x64xf32, #tpu.memory_space<vmem>>
      %dma_wait3A_564 = tpu.memref_squeeze %dma_wait3A_563 : memref<1x80x64xf32, #tpu.memory_space<vmem>> -> memref<80x64xf32, #tpu.memory_space<vmem>>
      %dma_wait3A_565 = arith.constant 0 : i32
      %dma_wait3A_566 = arith.constant 0 : i32
      %dma_wait3A_567 = tpu.memref_slice %arg2[%dma_wait3A_565, %dma_wait3A_566] : memref<20000x64xf32, #tpu.memory_space<hbm>> -> memref<80x64xf32, #tpu.memory_space<hbm>>
      tpu.wait_dma2 semaphore(%arg13 : memref<!tpu.dma_semaphore, #tpu.memory_space<semaphore_mem>>) src(%dma_wait3A_567 : memref<80x64xf32, #tpu.memory_space<hbm>>) dst(%dma_wait3A_564 : memref<80x64xf32, #tpu.memory_space<vmem>>)
      %add3A_568 = arith.constant 2 : i32
      %add3A_569 = arith.addi %add3A_426, %add3A_568 : i32
      %dma_start3A_570 = arith.constant 0 : i32
      %dma_start3A_571 = arith.constant 0 : i32
      %dma_start3A_572 = arith.constant 0 : i32
      %dma_start3A_573 = tpu.memref_slice %arg12[%dma_start3A_570, %dma_start3A_571, %dma_start3A_572] : memref<4x80x64xf32, #tpu.memory_space<vmem>> -> memref<1x80x64xf32, #tpu.memory_space<vmem>>
      %dma_start3A_574 = tpu.memref_squeeze %dma_start3A_573 : memref<1x80x64xf32, #tpu.memory_space<vmem>> -> memref<80x64xf32, #tpu.memory_space<vmem>>
      %dma_start3A_575 = arith.constant 0 : i32
      %dma_start3A_576 = tpu.memref_slice %arg11[%add3A_569, %dma_start3A_575] : memref<250x80xi32, #tpu.memory_space<vmem>> -> memref<1x80xi32, #tpu.memory_space<vmem>>
      %dma_start3A_577 = tpu.memref_squeeze %dma_start3A_576 : memref<1x80xi32, #tpu.memory_space<vmem>> -> memref<80xi32, #tpu.memory_space<vmem>>
      %dma_start3A_578 = arith.constant 0 : i32
      %dma_start3A_579 = arith.constant 0 : i32
      %dma_start3A_580 = tpu.memref_slice %arg21[%dma_start3A_578, %dma_start3A_579] : memref<10000x64xf32, #tpu.memory_space<vmem_shared>> -> memref<10000x64xf32, #tpu.memory_space<vmem_shared>>
      tpu.enqueue_indirect_dma source(%dma_start3A_574 : memref<80x64xf32, #tpu.memory_space<vmem>>) target(%dma_start3A_580 : memref<10000x64xf32, #tpu.memory_space<vmem_shared>>) offsets(%dma_start3A_577 : memref<80xi32, #tpu.memory_space<vmem>>) semaphore(%arg17 : memref<!tpu.dma_semaphore, #tpu.memory_space<semaphore_mem>>) {add = true}
      %eq3A_581 = arith.constant 0 : i32
      %eq3A_582 = arith.cmpi eq, %arg0, %eq3A_581 : i32
      %convert_element_type3A_583 = arith.extui %eq3A_582 : i1 to i32
      %cond3A_584 = arith.constant 0 : i32
      %cond3A_585 = arith.cmpi ne, %convert_element_type3A_583, %cond3A_584 : i32
      scf.if %cond3A_585 {
        "tpu.region"() ({
          %run_scoped3A = tpu.sem_alloc : memref<!tpu.dma_semaphore, #tpu.memory_space<semaphore_mem>>
          %dma_start3A_679 = arith.constant 0 : i32
          %dma_start3A_680 = tpu.memref_slice %arg11[%add3A_569, %dma_start3A_679] : memref<250x80xi32, #tpu.memory_space<vmem>> -> memref<1x80xi32, #tpu.memory_space<vmem>>
          %dma_start3A_681 = tpu.memref_squeeze %dma_start3A_680 : memref<1x80xi32, #tpu.memory_space<vmem>> -> memref<80xi32, #tpu.memory_space<vmem>>
          %dma_start3A_682 = arith.constant 0 : i32
          %dma_start3A_683 = tpu.memref_slice %arg24[%dma_start3A_682] : memref<10000xf32, #tpu.memory_space<vmem_shared>> -> memref<10000xf32, #tpu.memory_space<vmem_shared>>
          tpu.enqueue_indirect_dma source(%arg22 : memref<80xf32, #tpu.memory_space<vmem>>) target(%dma_start3A_683 : memref<10000xf32, #tpu.memory_space<vmem_shared>>) offsets(%dma_start3A_681 : memref<80xi32, #tpu.memory_space<vmem>>) semaphore(%run_scoped3A : memref<!tpu.dma_semaphore, #tpu.memory_space<semaphore_mem>>) {add = true}
          %dma_wait3A_684 = arith.constant 0 : i32
          %dma_wait3A_685 = tpu.memref_slice %arg11[%add3A_569, %dma_wait3A_684] : memref<250x80xi32, #tpu.memory_space<vmem>> -> memref<1x80xi32, #tpu.memory_space<vmem>>
          %dma_wait3A_686 = tpu.memref_squeeze %dma_wait3A_685 : memref<1x80xi32, #tpu.memory_space<vmem>> -> memref<80xi32, #tpu.memory_space<vmem>>
          %dma_wait3A_687 = arith.constant 0 : i32
          %dma_wait3A_688 = tpu.memref_slice %arg24[%dma_wait3A_687] : memref<10000xf32, #tpu.memory_space<vmem_shared>> -> memref<10000xf32, #tpu.memory_space<vmem_shared>>
          tpu.wait_indirect_dma semaphore(%run_scoped3A : memref<!tpu.dma_semaphore, #tpu.memory_space<semaphore_mem>>) src(%arg22 : memref<80xf32, #tpu.memory_space<vmem>>) dst(%dma_wait3A_688 : memref<10000xf32, #tpu.memory_space<vmem_shared>>)
          tpu.yield
        }) : () -> ()
      } else {
      }
      %dma_wait3A_586 = arith.constant 2 : i32
      %dma_wait3A_587 = arith.constant 0 : i32
      %dma_wait3A_588 = arith.constant 0 : i32
      %dma_wait3A_589 = tpu.memref_slice %arg12[%dma_wait3A_586, %dma_wait3A_587, %dma_wait3A_588] : memref<4x80x64xf32, #tpu.memory_space<vmem>> -> memref<1x80x64xf32, #tpu.memory_space<vmem>>
      %dma_wait3A_590 = tpu.memref_squeeze %dma_wait3A_589 : memref<1x80x64xf32, #tpu.memory_space<vmem>> -> memref<80x64xf32, #tpu.memory_space<vmem>>
      %dma_wait3A_591 = arith.constant 0 : i32
      %dma_wait3A_592 = arith.constant 0 : i32
      %dma_wait3A_593 = tpu.memref_slice %arg21[%dma_wait3A_591, %dma_wait3A_592] : memref<10000x64xf32, #tpu.memory_space<vmem_shared>> -> memref<80x64xf32, #tpu.memory_space<vmem_shared>>
      %dma_wait3A_594 = arith.constant 0 : i32
      %dma_wait3A_595 = arith.constant 0 : i32
      %dma_wait3A_596 = tpu.memref_slice %arg21[%dma_wait3A_594, %dma_wait3A_595] : memref<10000x64xf32, #tpu.memory_space<vmem_shared>> -> memref<80x64xf32, #tpu.memory_space<vmem_shared>>
      %dma_wait3A_597 = arith.constant 0 : i32
      %dma_wait3A_598 = arith.constant 0 : i32
      %dma_wait3A_599 = tpu.memref_slice %arg12[%dma_wait3A_586, %dma_wait3A_597, %dma_wait3A_598] : memref<4x80x64xf32, #tpu.memory_space<vmem>> -> memref<1x80x64xf32, #tpu.memory_space<vmem>>
      %dma_wait3A_600 = tpu.memref_squeeze %dma_wait3A_599 : memref<1x80x64xf32, #tpu.memory_space<vmem>> -> memref<80x64xf32, #tpu.memory_space<vmem>>
      tpu.wait_dma2 semaphore(%arg19 : memref<!tpu.dma_semaphore, #tpu.memory_space<semaphore_mem>>) src(%dma_wait3A_600 : memref<80x64xf32, #tpu.memory_space<vmem>>) dst(%dma_wait3A_596 : memref<80x64xf32, #tpu.memory_space<vmem_shared>>)
      %add3A_601 = arith.constant 2 : i32
      %add3A_602 = arith.addi %add3A_426, %add3A_601 : i32
      %add3A_603 = arith.constant 2 : i32
      %add3A_604 = arith.addi %add3A_602, %add3A_603 : i32
      %dma_start3A_605 = arith.constant 2 : i32
      %dma_start3A_606 = arith.constant 0 : i32
      %dma_start3A_607 = arith.constant 0 : i32
      %dma_start3A_608 = tpu.memref_slice %arg12[%dma_start3A_605, %dma_start3A_606, %dma_start3A_607] : memref<4x80x64xf32, #tpu.memory_space<vmem>> -> memref<1x80x64xf32, #tpu.memory_space<vmem>>
      %dma_start3A_609 = tpu.memref_squeeze %dma_start3A_608 : memref<1x80x64xf32, #tpu.memory_space<vmem>> -> memref<80x64xf32, #tpu.memory_space<vmem>>
      %dma_start3A_610 = arith.constant 0 : i32
      %dma_start3A_611 = tpu.memref_slice %arg10[%add3A_604, %dma_start3A_610] : memref<250x80xi32, #tpu.memory_space<vmem>> -> memref<1x80xi32, #tpu.memory_space<vmem>>
      %dma_start3A_612 = tpu.memref_squeeze %dma_start3A_611 : memref<1x80xi32, #tpu.memory_space<vmem>> -> memref<80xi32, #tpu.memory_space<vmem>>
      %dma_start3A_613 = arith.constant 0 : i32
      %dma_start3A_614 = arith.constant 0 : i32
      %dma_start3A_615 = tpu.memref_slice %arg2[%dma_start3A_613, %dma_start3A_614] : memref<20000x64xf32, #tpu.memory_space<hbm>> -> memref<20000x64xf32, #tpu.memory_space<hbm>>
      tpu.enqueue_indirect_dma source(%dma_start3A_615 : memref<20000x64xf32, #tpu.memory_space<hbm>>) target(%dma_start3A_609 : memref<80x64xf32, #tpu.memory_space<vmem>>) offsets(%dma_start3A_612 : memref<80xi32, #tpu.memory_space<vmem>>) semaphore(%arg15 : memref<!tpu.dma_semaphore, #tpu.memory_space<semaphore_mem>>)
      %dma_wait3A_616 = arith.constant 1 : i32
      %dma_wait3A_617 = arith.constant 0 : i32
      %dma_wait3A_618 = arith.constant 0 : i32
      %dma_wait3A_619 = tpu.memref_slice %arg12[%dma_wait3A_616, %dma_wait3A_617, %dma_wait3A_618] : memref<4x80x64xf32, #tpu.memory_space<vmem>> -> memref<1x80x64xf32, #tpu.memory_space<vmem>>
      %dma_wait3A_620 = tpu.memref_squeeze %dma_wait3A_619 : memref<1x80x64xf32, #tpu.memory_space<vmem>> -> memref<80x64xf32, #tpu.memory_space<vmem>>
      %dma_wait3A_621 = arith.constant 0 : i32
      %dma_wait3A_622 = arith.constant 0 : i32
      %dma_wait3A_623 = tpu.memref_slice %arg2[%dma_wait3A_621, %dma_wait3A_622] : memref<20000x64xf32, #tpu.memory_space<hbm>> -> memref<80x64xf32, #tpu.memory_space<hbm>>
      %dma_wait3A_624 = arith.constant 0 : i32
      %dma_wait3A_625 = arith.constant 0 : i32
      %dma_wait3A_626 = tpu.memref_slice %arg12[%dma_wait3A_616, %dma_wait3A_624, %dma_wait3A_625] : memref<4x80x64xf32, #tpu.memory_space<vmem>> -> memref<1x80x64xf32, #tpu.memory_space<vmem>>
      %dma_wait3A_627 = tpu.memref_squeeze %dma_wait3A_626 : memref<1x80x64xf32, #tpu.memory_space<vmem>> -> memref<80x64xf32, #tpu.memory_space<vmem>>
      %dma_wait3A_628 = arith.constant 0 : i32
      %dma_wait3A_629 = arith.constant 0 : i32
      %dma_wait3A_630 = tpu.memref_slice %arg2[%dma_wait3A_628, %dma_wait3A_629] : memref<20000x64xf32, #tpu.memory_space<hbm>> -> memref<80x64xf32, #tpu.memory_space<hbm>>
      tpu.wait_dma2 semaphore(%arg14 : memref<!tpu.dma_semaphore, #tpu.memory_space<semaphore_mem>>) src(%dma_wait3A_630 : memref<80x64xf32, #tpu.memory_space<hbm>>) dst(%dma_wait3A_627 : memref<80x64xf32, #tpu.memory_space<vmem>>)
      %add3A_631 = arith.constant 3 : i32
      %add3A_632 = arith.addi %add3A_426, %add3A_631 : i32
      %dma_start3A_633 = arith.constant 1 : i32
      %dma_start3A_634 = arith.constant 0 : i32
      %dma_start3A_635 = arith.constant 0 : i32
      %dma_start3A_636 = tpu.memref_slice %arg12[%dma_start3A_633, %dma_start3A_634, %dma_start3A_635] : memref<4x80x64xf32, #tpu.memory_space<vmem>> -> memref<1x80x64xf32, #tpu.memory_space<vmem>>
      %dma_start3A_637 = tpu.memref_squeeze %dma_start3A_636 : memref<1x80x64xf32, #tpu.memory_space<vmem>> -> memref<80x64xf32, #tpu.memory_space<vmem>>
      %dma_start3A_638 = arith.constant 0 : i32
      %dma_start3A_639 = tpu.memref_slice %arg11[%add3A_632, %dma_start3A_638] : memref<250x80xi32, #tpu.memory_space<vmem>> -> memref<1x80xi32, #tpu.memory_space<vmem>>
      %dma_start3A_640 = tpu.memref_squeeze %dma_start3A_639 : memref<1x80xi32, #tpu.memory_space<vmem>> -> memref<80xi32, #tpu.memory_space<vmem>>
      %dma_start3A_641 = arith.constant 0 : i32
      %dma_start3A_642 = arith.constant 0 : i32
      %dma_start3A_643 = tpu.memref_slice %arg21[%dma_start3A_641, %dma_start3A_642] : memref<10000x64xf32, #tpu.memory_space<vmem_shared>> -> memref<10000x64xf32, #tpu.memory_space<vmem_shared>>
      tpu.enqueue_indirect_dma source(%dma_start3A_637 : memref<80x64xf32, #tpu.memory_space<vmem>>) target(%dma_start3A_643 : memref<10000x64xf32, #tpu.memory_space<vmem_shared>>) offsets(%dma_start3A_640 : memref<80xi32, #tpu.memory_space<vmem>>) semaphore(%arg18 : memref<!tpu.dma_semaphore, #tpu.memory_space<semaphore_mem>>) {add = true}
      %eq3A_644 = arith.constant 1 : i32
      %eq3A_645 = arith.cmpi eq, %arg0, %eq3A_644 : i32
      %convert_element_type3A_646 = arith.extui %eq3A_645 : i1 to i32
      %cond3A_647 = arith.constant 0 : i32
      %cond3A_648 = arith.cmpi ne, %convert_element_type3A_646, %cond3A_647 : i32
      scf.if %cond3A_648 {
        "tpu.region"() ({
          %run_scoped3A = tpu.sem_alloc : memref<!tpu.dma_semaphore, #tpu.memory_space<semaphore_mem>>
          %dma_start3A_679 = arith.constant 0 : i32
          %dma_start3A_680 = tpu.memref_slice %arg11[%add3A_632, %dma_start3A_679] : memref<250x80xi32, #tpu.memory_space<vmem>> -> memref<1x80xi32, #tpu.memory_space<vmem>>
          %dma_start3A_681 = tpu.memref_squeeze %dma_start3A_680 : memref<1x80xi32, #tpu.memory_space<vmem>> -> memref<80xi32, #tpu.memory_space<vmem>>
          %dma_start3A_682 = arith.constant 0 : i32
          %dma_start3A_683 = tpu.memref_slice %arg24[%dma_start3A_682] : memref<10000xf32, #tpu.memory_space<vmem_shared>> -> memref<10000xf32, #tpu.memory_space<vmem_shared>>
          tpu.enqueue_indirect_dma source(%arg22 : memref<80xf32, #tpu.memory_space<vmem>>) target(%dma_start3A_683 : memref<10000xf32, #tpu.memory_space<vmem_shared>>) offsets(%dma_start3A_681 : memref<80xi32, #tpu.memory_space<vmem>>) semaphore(%run_scoped3A : memref<!tpu.dma_semaphore, #tpu.memory_space<semaphore_mem>>) {add = true}
          %dma_wait3A_684 = arith.constant 0 : i32
          %dma_wait3A_685 = tpu.memref_slice %arg11[%add3A_632, %dma_wait3A_684] : memref<250x80xi32, #tpu.memory_space<vmem>> -> memref<1x80xi32, #tpu.memory_space<vmem>>
          %dma_wait3A_686 = tpu.memref_squeeze %dma_wait3A_685 : memref<1x80xi32, #tpu.memory_space<vmem>> -> memref<80xi32, #tpu.memory_space<vmem>>
          %dma_wait3A_687 = arith.constant 0 : i32
          %dma_wait3A_688 = tpu.memref_slice %arg24[%dma_wait3A_687] : memref<10000xf32, #tpu.memory_space<vmem_shared>> -> memref<10000xf32, #tpu.memory_space<vmem_shared>>
          tpu.wait_indirect_dma semaphore(%run_scoped3A : memref<!tpu.dma_semaphore, #tpu.memory_space<semaphore_mem>>) src(%arg22 : memref<80xf32, #tpu.memory_space<vmem>>) dst(%dma_wait3A_688 : memref<10000xf32, #tpu.memory_space<vmem_shared>>)
          tpu.yield
        }) : () -> ()
      } else {
      }
      %dma_wait3A_649 = arith.constant 3 : i32
      %dma_wait3A_650 = arith.constant 0 : i32
      %dma_wait3A_651 = arith.constant 0 : i32
      %dma_wait3A_652 = tpu.memref_slice %arg12[%dma_wait3A_649, %dma_wait3A_650, %dma_wait3A_651] : memref<4x80x64xf32, #tpu.memory_space<vmem>> -> memref<1x80x64xf32, #tpu.memory_space<vmem>>
      %dma_wait3A_653 = tpu.memref_squeeze %dma_wait3A_652 : memref<1x80x64xf32, #tpu.memory_space<vmem>> -> memref<80x64xf32, #tpu.memory_space<vmem>>
      %dma_wait3A_654 = arith.constant 0 : i32
      %dma_wait3A_655 = arith.constant 0 : i32
      %dma_wait3A_656 = tpu.memref_slice %arg21[%dma_wait3A_654, %dma_wait3A_655] : memref<10000x64xf32, #tpu.memory_space<vmem_shared>> -> memref<80x64xf32, #tpu.memory_space<vmem_shared>>
      %dma_wait3A_657 = arith.constant 0 : i32
      %dma_wait3A_658 = arith.constant 0 : i32
      %dma_wait3A_659 = tpu.memref_slice %arg21[%dma_wait3A_657, %dma_wait3A_658] : memref<10000x64xf32, #tpu.memory_space<vmem_shared>> -> memref<80x64xf32, #tpu.memory_space<vmem_shared>>
      %dma_wait3A_660 = arith.constant 0 : i32
      %dma_wait3A_661 = arith.constant 0 : i32
      %dma_wait3A_662 = tpu.memref_slice %arg12[%dma_wait3A_649, %dma_wait3A_660, %dma_wait3A_661] : memref<4x80x64xf32, #tpu.memory_space<vmem>> -> memref<1x80x64xf32, #tpu.memory_space<vmem>>
      %dma_wait3A_663 = tpu.memref_squeeze %dma_wait3A_662 : memref<1x80x64xf32, #tpu.memory_space<vmem>> -> memref<80x64xf32, #tpu.memory_space<vmem>>
      tpu.wait_dma2 semaphore(%arg20 : memref<!tpu.dma_semaphore, #tpu.memory_space<semaphore_mem>>) src(%dma_wait3A_663 : memref<80x64xf32, #tpu.memory_space<vmem>>) dst(%dma_wait3A_659 : memref<80x64xf32, #tpu.memory_space<vmem_shared>>)
      %add3A_664 = arith.constant 3 : i32
      %add3A_665 = arith.addi %add3A_426, %add3A_664 : i32
      %add3A_666 = arith.constant 2 : i32
      %add3A_667 = arith.addi %add3A_665, %add3A_666 : i32
      %dma_start3A_668 = arith.constant 3 : i32
      %dma_start3A_669 = arith.constant 0 : i32
      %dma_start3A_670 = arith.constant 0 : i32
      %dma_start3A_671 = tpu.memref_slice %arg12[%dma_start3A_668, %dma_start3A_669, %dma_start3A_670] : memref<4x80x64xf32, #tpu.memory_space<vmem>> -> memref<1x80x64xf32, #tpu.memory_space<vmem>>
      %dma_start3A_672 = tpu.memref_squeeze %dma_start3A_671 : memref<1x80x64xf32, #tpu.memory_space<vmem>> -> memref<80x64xf32, #tpu.memory_space<vmem>>
      %dma_start3A_673 = arith.constant 0 : i32
      %dma_start3A_674 = tpu.memref_slice %arg10[%add3A_667, %dma_start3A_673] : memref<250x80xi32, #tpu.memory_space<vmem>> -> memref<1x80xi32, #tpu.memory_space<vmem>>
      %dma_start3A_675 = tpu.memref_squeeze %dma_start3A_674 : memref<1x80xi32, #tpu.memory_space<vmem>> -> memref<80xi32, #tpu.memory_space<vmem>>
      %dma_start3A_676 = arith.constant 0 : i32
      %dma_start3A_677 = arith.constant 0 : i32
      %dma_start3A_678 = tpu.memref_slice %arg2[%dma_start3A_676, %dma_start3A_677] : memref<20000x64xf32, #tpu.memory_space<hbm>> -> memref<20000x64xf32, #tpu.memory_space<hbm>>
      tpu.enqueue_indirect_dma source(%dma_start3A_678 : memref<20000x64xf32, #tpu.memory_space<hbm>>) target(%dma_start3A_672 : memref<80x64xf32, #tpu.memory_space<vmem>>) offsets(%dma_start3A_675 : memref<80xi32, #tpu.memory_space<vmem>>) semaphore(%arg16 : memref<!tpu.dma_semaphore, #tpu.memory_space<semaphore_mem>>)
    }
    %scan3A_164 = arith.constant 61 : i32
    %dma_wait3A_165 = arith.constant 2 : i32
    %dma_wait3A_166 = arith.constant 0 : i32
    %dma_wait3A_167 = arith.constant 0 : i32
    %dma_wait3A_168 = tpu.memref_slice %arg12[%dma_wait3A_165, %dma_wait3A_166, %dma_wait3A_167] : memref<4x80x64xf32, #tpu.memory_space<vmem>> -> memref<1x80x64xf32, #tpu.memory_space<vmem>>
    %dma_wait3A_169 = tpu.memref_squeeze %dma_wait3A_168 : memref<1x80x64xf32, #tpu.memory_space<vmem>> -> memref<80x64xf32, #tpu.memory_space<vmem>>
    %dma_wait3A_170 = arith.constant 0 : i32
    %dma_wait3A_171 = arith.constant 0 : i32
    %dma_wait3A_172 = tpu.memref_slice %arg2[%dma_wait3A_170, %dma_wait3A_171] : memref<20000x64xf32, #tpu.memory_space<hbm>> -> memref<80x64xf32, #tpu.memory_space<hbm>>
    %dma_wait3A_173 = arith.constant 0 : i32
    %dma_wait3A_174 = arith.constant 0 : i32
    %dma_wait3A_175 = tpu.memref_slice %arg12[%dma_wait3A_165, %dma_wait3A_173, %dma_wait3A_174] : memref<4x80x64xf32, #tpu.memory_space<vmem>> -> memref<1x80x64xf32, #tpu.memory_space<vmem>>
    %dma_wait3A_176 = tpu.memref_squeeze %dma_wait3A_175 : memref<1x80x64xf32, #tpu.memory_space<vmem>> -> memref<80x64xf32, #tpu.memory_space<vmem>>
    %dma_wait3A_177 = arith.constant 0 : i32
    %dma_wait3A_178 = arith.constant 0 : i32
    %dma_wait3A_179 = tpu.memref_slice %arg2[%dma_wait3A_177, %dma_wait3A_178] : memref<20000x64xf32, #tpu.memory_space<hbm>> -> memref<80x64xf32, #tpu.memory_space<hbm>>
    tpu.wait_dma2 semaphore(%arg15 : memref<!tpu.dma_semaphore, #tpu.memory_space<semaphore_mem>>) src(%dma_wait3A_179 : memref<80x64xf32, #tpu.memory_space<hbm>>) dst(%dma_wait3A_176 : memref<80x64xf32, #tpu.memory_space<vmem>>)
    %dma_start3A_180 = arith.constant 2 : i32
    %dma_start3A_181 = arith.constant 246 : i32
    %dma_start3A_182 = arith.constant 0 : i32
    %dma_start3A_183 = arith.constant 0 : i32
    %dma_start3A_184 = tpu.memref_slice %arg12[%dma_start3A_180, %dma_start3A_182, %dma_start3A_183] : memref<4x80x64xf32, #tpu.memory_space<vmem>> -> memref<1x80x64xf32, #tpu.memory_space<vmem>>
    %dma_start3A_185 = tpu.memref_squeeze %dma_start3A_184 : memref<1x80x64xf32, #tpu.memory_space<vmem>> -> memref<80x64xf32, #tpu.memory_space<vmem>>
    %dma_start3A_186 = arith.constant 0 : i32
    %dma_start3A_187 = tpu.memref_slice %arg11[%dma_start3A_181, %dma_start3A_186] : memref<250x80xi32, #tpu.memory_space<vmem>> -> memref<1x80xi32, #tpu.memory_space<vmem>>
    %dma_start3A_188 = tpu.memref_squeeze %dma_start3A_187 : memref<1x80xi32, #tpu.memory_space<vmem>> -> memref<80xi32, #tpu.memory_space<vmem>>
    %dma_start3A_189 = arith.constant 0 : i32
    %dma_start3A_190 = arith.constant 0 : i32
    %dma_start3A_191 = tpu.memref_slice %arg21[%dma_start3A_189, %dma_start3A_190] : memref<10000x64xf32, #tpu.memory_space<vmem_shared>> -> memref<10000x64xf32, #tpu.memory_space<vmem_shared>>
    tpu.enqueue_indirect_dma source(%dma_start3A_185 : memref<80x64xf32, #tpu.memory_space<vmem>>) target(%dma_start3A_191 : memref<10000x64xf32, #tpu.memory_space<vmem_shared>>) offsets(%dma_start3A_188 : memref<80xi32, #tpu.memory_space<vmem>>) semaphore(%arg19 : memref<!tpu.dma_semaphore, #tpu.memory_space<semaphore_mem>>) {add = true}
    %eq3A_192 = arith.constant 0 : i32
    %eq3A_193 = arith.cmpi eq, %arg0, %eq3A_192 : i32
    %convert_element_type3A_194 = arith.extui %eq3A_193 : i1 to i32
    %cond3A_195 = arith.constant 0 : i32
    %cond3A_196 = arith.cmpi ne, %convert_element_type3A_194, %cond3A_195 : i32
    scf.if %cond3A_196 {
      %run_scoped3A = arith.constant 246 : i32
      "tpu.region"() ({
        %run_scoped3A_423 = tpu.sem_alloc : memref<!tpu.dma_semaphore, #tpu.memory_space<semaphore_mem>>
        %dma_start3A_424 = arith.constant 0 : i32
        %dma_start3A_425 = tpu.memref_slice %arg11[%run_scoped3A, %dma_start3A_424] : memref<250x80xi32, #tpu.memory_space<vmem>> -> memref<1x80xi32, #tpu.memory_space<vmem>>
        %dma_start3A_426 = tpu.memref_squeeze %dma_start3A_425 : memref<1x80xi32, #tpu.memory_space<vmem>> -> memref<80xi32, #tpu.memory_space<vmem>>
        %dma_start3A_427 = arith.constant 0 : i32
        %dma_start3A_428 = tpu.memref_slice %arg24[%dma_start3A_427] : memref<10000xf32, #tpu.memory_space<vmem_shared>> -> memref<10000xf32, #tpu.memory_space<vmem_shared>>
        tpu.enqueue_indirect_dma source(%arg22 : memref<80xf32, #tpu.memory_space<vmem>>) target(%dma_start3A_428 : memref<10000xf32, #tpu.memory_space<vmem_shared>>) offsets(%dma_start3A_426 : memref<80xi32, #tpu.memory_space<vmem>>) semaphore(%run_scoped3A_423 : memref<!tpu.dma_semaphore, #tpu.memory_space<semaphore_mem>>) {add = true}
        %dma_wait3A_429 = arith.constant 0 : i32
        %dma_wait3A_430 = tpu.memref_slice %arg11[%run_scoped3A, %dma_wait3A_429] : memref<250x80xi32, #tpu.memory_space<vmem>> -> memref<1x80xi32, #tpu.memory_space<vmem>>
        %dma_wait3A_431 = tpu.memref_squeeze %dma_wait3A_430 : memref<1x80xi32, #tpu.memory_space<vmem>> -> memref<80xi32, #tpu.memory_space<vmem>>
        %dma_wait3A_432 = arith.constant 0 : i32
        %dma_wait3A_433 = tpu.memref_slice %arg24[%dma_wait3A_432] : memref<10000xf32, #tpu.memory_space<vmem_shared>> -> memref<10000xf32, #tpu.memory_space<vmem_shared>>
        tpu.wait_indirect_dma semaphore(%run_scoped3A_423 : memref<!tpu.dma_semaphore, #tpu.memory_space<semaphore_mem>>) src(%arg22 : memref<80xf32, #tpu.memory_space<vmem>>) dst(%dma_wait3A_433 : memref<10000xf32, #tpu.memory_space<vmem_shared>>)
        tpu.yield
      }) : () -> ()
    } else {
    }
    %dma_wait3A_197 = arith.constant 0 : i32
    %dma_wait3A_198 = arith.constant 0 : i32
    %dma_wait3A_199 = arith.constant 0 : i32
    %dma_wait3A_200 = tpu.memref_slice %arg12[%dma_wait3A_197, %dma_wait3A_198, %dma_wait3A_199] : memref<4x80x64xf32, #tpu.memory_space<vmem>> -> memref<1x80x64xf32, #tpu.memory_space<vmem>>
    %dma_wait3A_201 = tpu.memref_squeeze %dma_wait3A_200 : memref<1x80x64xf32, #tpu.memory_space<vmem>> -> memref<80x64xf32, #tpu.memory_space<vmem>>
    %dma_wait3A_202 = arith.constant 0 : i32
    %dma_wait3A_203 = arith.constant 0 : i32
    %dma_wait3A_204 = tpu.memref_slice %arg21[%dma_wait3A_202, %dma_wait3A_203] : memref<10000x64xf32, #tpu.memory_space<vmem_shared>> -> memref<80x64xf32, #tpu.memory_space<vmem_shared>>
    %dma_wait3A_205 = arith.constant 0 : i32
    %dma_wait3A_206 = arith.constant 0 : i32
    %dma_wait3A_207 = tpu.memref_slice %arg21[%dma_wait3A_205, %dma_wait3A_206] : memref<10000x64xf32, #tpu.memory_space<vmem_shared>> -> memref<80x64xf32, #tpu.memory_space<vmem_shared>>
    %dma_wait3A_208 = arith.constant 0 : i32
    %dma_wait3A_209 = arith.constant 0 : i32
    %dma_wait3A_210 = tpu.memref_slice %arg12[%dma_wait3A_197, %dma_wait3A_208, %dma_wait3A_209] : memref<4x80x64xf32, #tpu.memory_space<vmem>> -> memref<1x80x64xf32, #tpu.memory_space<vmem>>
    %dma_wait3A_211 = tpu.memref_squeeze %dma_wait3A_210 : memref<1x80x64xf32, #tpu.memory_space<vmem>> -> memref<80x64xf32, #tpu.memory_space<vmem>>
    tpu.wait_dma2 semaphore(%arg17 : memref<!tpu.dma_semaphore, #tpu.memory_space<semaphore_mem>>) src(%dma_wait3A_211 : memref<80x64xf32, #tpu.memory_space<vmem>>) dst(%dma_wait3A_207 : memref<80x64xf32, #tpu.memory_space<vmem_shared>>)
    %dma_start3A_212 = arith.constant 248 : i32
    %dma_start3A_213 = arith.constant 0 : i32
    %dma_start3A_214 = arith.constant 0 : i32
    %dma_start3A_215 = arith.constant 0 : i32
    %dma_start3A_216 = tpu.memref_slice %arg12[%dma_start3A_213, %dma_start3A_214, %dma_start3A_215] : memref<4x80x64xf32, #tpu.memory_space<vmem>> -> memref<1x80x64xf32, #tpu.memory_space<vmem>>
    %dma_start3A_217 = tpu.memref_squeeze %dma_start3A_216 : memref<1x80x64xf32, #tpu.memory_space<vmem>> -> memref<80x64xf32, #tpu.memory_space<vmem>>
    %dma_start3A_218 = arith.constant 0 : i32
    %dma_start3A_219 = tpu.memref_slice %arg10[%dma_start3A_212, %dma_start3A_218] : memref<250x80xi32, #tpu.memory_space<vmem>> -> memref<1x80xi32, #tpu.memory_space<vmem>>
    %dma_start3A_220 = tpu.memref_squeeze %dma_start3A_219 : memref<1x80xi32, #tpu.memory_space<vmem>> -> memref<80xi32, #tpu.memory_space<vmem>>
    %dma_start3A_221 = arith.constant 0 : i32
    %dma_start3A_222 = arith.constant 0 : i32
    %dma_start3A_223 = tpu.memref_slice %arg2[%dma_start3A_221, %dma_start3A_222] : memref<20000x64xf32, #tpu.memory_space<hbm>> -> memref<20000x64xf32, #tpu.memory_space<hbm>>
    tpu.enqueue_indirect_dma source(%dma_start3A_223 : memref<20000x64xf32, #tpu.memory_space<hbm>>) target(%dma_start3A_217 : memref<80x64xf32, #tpu.memory_space<vmem>>) offsets(%dma_start3A_220 : memref<80xi32, #tpu.memory_space<vmem>>) semaphore(%arg13 : memref<!tpu.dma_semaphore, #tpu.memory_space<semaphore_mem>>)
    %dma_wait3A_224 = arith.constant 3 : i32
    %dma_wait3A_225 = arith.constant 0 : i32
    %dma_wait3A_226 = arith.constant 0 : i32
    %dma_wait3A_227 = tpu.memref_slice %arg12[%dma_wait3A_224, %dma_wait3A_225, %dma_wait3A_226] : memref<4x80x64xf32, #tpu.memory_space<vmem>> -> memref<1x80x64xf32, #tpu.memory_space<vmem>>
    %dma_wait3A_228 = tpu.memref_squeeze %dma_wait3A_227 : memref<1x80x64xf32, #tpu.memory_space<vmem>> -> memref<80x64xf32, #tpu.memory_space<vmem>>
    %dma_wait3A_229 = arith.constant 0 : i32
    %dma_wait3A_230 = arith.constant 0 : i32
    %dma_wait3A_231 = tpu.memref_slice %arg2[%dma_wait3A_229, %dma_wait3A_230] : memref<20000x64xf32, #tpu.memory_space<hbm>> -> memref<80x64xf32, #tpu.memory_space<hbm>>
    %dma_wait3A_232 = arith.constant 0 : i32
    %dma_wait3A_233 = arith.constant 0 : i32
    %dma_wait3A_234 = tpu.memref_slice %arg12[%dma_wait3A_224, %dma_wait3A_232, %dma_wait3A_233] : memref<4x80x64xf32, #tpu.memory_space<vmem>> -> memref<1x80x64xf32, #tpu.memory_space<vmem>>
    %dma_wait3A_235 = tpu.memref_squeeze %dma_wait3A_234 : memref<1x80x64xf32, #tpu.memory_space<vmem>> -> memref<80x64xf32, #tpu.memory_space<vmem>>
    %dma_wait3A_236 = arith.constant 0 : i32
    %dma_wait3A_237 = arith.constant 0 : i32
    %dma_wait3A_238 = tpu.memref_slice %arg2[%dma_wait3A_236, %dma_wait3A_237] : memref<20000x64xf32, #tpu.memory_space<hbm>> -> memref<80x64xf32, #tpu.memory_space<hbm>>
    tpu.wait_dma2 semaphore(%arg16 : memref<!tpu.dma_semaphore, #tpu.memory_space<semaphore_mem>>) src(%dma_wait3A_238 : memref<80x64xf32, #tpu.memory_space<hbm>>) dst(%dma_wait3A_235 : memref<80x64xf32, #tpu.memory_space<vmem>>)
    %dma_start3A_239 = arith.constant 3 : i32
    %dma_start3A_240 = arith.constant 247 : i32
    %dma_start3A_241 = arith.constant 0 : i32
    %dma_start3A_242 = arith.constant 0 : i32
    %dma_start3A_243 = tpu.memref_slice %arg12[%dma_start3A_239, %dma_start3A_241, %dma_start3A_242] : memref<4x80x64xf32, #tpu.memory_space<vmem>> -> memref<1x80x64xf32, #tpu.memory_space<vmem>>
    %dma_start3A_244 = tpu.memref_squeeze %dma_start3A_243 : memref<1x80x64xf32, #tpu.memory_space<vmem>> -> memref<80x64xf32, #tpu.memory_space<vmem>>
    %dma_start3A_245 = arith.constant 0 : i32
    %dma_start3A_246 = tpu.memref_slice %arg11[%dma_start3A_240, %dma_start3A_245] : memref<250x80xi32, #tpu.memory_space<vmem>> -> memref<1x80xi32, #tpu.memory_space<vmem>>
    %dma_start3A_247 = tpu.memref_squeeze %dma_start3A_246 : memref<1x80xi32, #tpu.memory_space<vmem>> -> memref<80xi32, #tpu.memory_space<vmem>>
    %dma_start3A_248 = arith.constant 0 : i32
    %dma_start3A_249 = arith.constant 0 : i32
    %dma_start3A_250 = tpu.memref_slice %arg21[%dma_start3A_248, %dma_start3A_249] : memref<10000x64xf32, #tpu.memory_space<vmem_shared>> -> memref<10000x64xf32, #tpu.memory_space<vmem_shared>>
    tpu.enqueue_indirect_dma source(%dma_start3A_244 : memref<80x64xf32, #tpu.memory_space<vmem>>) target(%dma_start3A_250 : memref<10000x64xf32, #tpu.memory_space<vmem_shared>>) offsets(%dma_start3A_247 : memref<80xi32, #tpu.memory_space<vmem>>) semaphore(%arg20 : memref<!tpu.dma_semaphore, #tpu.memory_space<semaphore_mem>>) {add = true}
    %eq3A_251 = arith.constant 1 : i32
    %eq3A_252 = arith.cmpi eq, %arg0, %eq3A_251 : i32
    %convert_element_type3A_253 = arith.extui %eq3A_252 : i1 to i32
    %cond3A_254 = arith.constant 0 : i32
    %cond3A_255 = arith.cmpi ne, %convert_element_type3A_253, %cond3A_254 : i32
    scf.if %cond3A_255 {
      %run_scoped3A = arith.constant 247 : i32
      "tpu.region"() ({
        %run_scoped3A_423 = tpu.sem_alloc : memref<!tpu.dma_semaphore, #tpu.memory_space<semaphore_mem>>
        %dma_start3A_424 = arith.constant 0 : i32
        %dma_start3A_425 = tpu.memref_slice %arg11[%run_scoped3A, %dma_start3A_424] : memref<250x80xi32, #tpu.memory_space<vmem>> -> memref<1x80xi32, #tpu.memory_space<vmem>>
        %dma_start3A_426 = tpu.memref_squeeze %dma_start3A_425 : memref<1x80xi32, #tpu.memory_space<vmem>> -> memref<80xi32, #tpu.memory_space<vmem>>
        %dma_start3A_427 = arith.constant 0 : i32
        %dma_start3A_428 = tpu.memref_slice %arg24[%dma_start3A_427] : memref<10000xf32, #tpu.memory_space<vmem_shared>> -> memref<10000xf32, #tpu.memory_space<vmem_shared>>
        tpu.enqueue_indirect_dma source(%arg22 : memref<80xf32, #tpu.memory_space<vmem>>) target(%dma_start3A_428 : memref<10000xf32, #tpu.memory_space<vmem_shared>>) offsets(%dma_start3A_426 : memref<80xi32, #tpu.memory_space<vmem>>) semaphore(%run_scoped3A_423 : memref<!tpu.dma_semaphore, #tpu.memory_space<semaphore_mem>>) {add = true}
        %dma_wait3A_429 = arith.constant 0 : i32
        %dma_wait3A_430 = tpu.memref_slice %arg11[%run_scoped3A, %dma_wait3A_429] : memref<250x80xi32, #tpu.memory_space<vmem>> -> memref<1x80xi32, #tpu.memory_space<vmem>>
        %dma_wait3A_431 = tpu.memref_squeeze %dma_wait3A_430 : memref<1x80xi32, #tpu.memory_space<vmem>> -> memref<80xi32, #tpu.memory_space<vmem>>
        %dma_wait3A_432 = arith.constant 0 : i32
        %dma_wait3A_433 = tpu.memref_slice %arg24[%dma_wait3A_432] : memref<10000xf32, #tpu.memory_space<vmem_shared>> -> memref<10000xf32, #tpu.memory_space<vmem_shared>>
        tpu.wait_indirect_dma semaphore(%run_scoped3A_423 : memref<!tpu.dma_semaphore, #tpu.memory_space<semaphore_mem>>) src(%arg22 : memref<80xf32, #tpu.memory_space<vmem>>) dst(%dma_wait3A_433 : memref<10000xf32, #tpu.memory_space<vmem_shared>>)
        tpu.yield
      }) : () -> ()
    } else {
    }
    %dma_wait3A_256 = arith.constant 1 : i32
    %dma_wait3A_257 = arith.constant 0 : i32
    %dma_wait3A_258 = arith.constant 0 : i32
    %dma_wait3A_259 = tpu.memref_slice %arg12[%dma_wait3A_256, %dma_wait3A_257, %dma_wait3A_258] : memref<4x80x64xf32, #tpu.memory_space<vmem>> -> memref<1x80x64xf32, #tpu.memory_space<vmem>>
    %dma_wait3A_260 = tpu.memref_squeeze %dma_wait3A_259 : memref<1x80x64xf32, #tpu.memory_space<vmem>> -> memref<80x64xf32, #tpu.memory_space<vmem>>
    %dma_wait3A_261 = arith.constant 0 : i32
    %dma_wait3A_262 = arith.constant 0 : i32
    %dma_wait3A_263 = tpu.memref_slice %arg21[%dma_wait3A_261, %dma_wait3A_262] : memref<10000x64xf32, #tpu.memory_space<vmem_shared>> -> memref<80x64xf32, #tpu.memory_space<vmem_shared>>
    %dma_wait3A_264 = arith.constant 0 : i32
    %dma_wait3A_265 = arith.constant 0 : i32
    %dma_wait3A_266 = tpu.memref_slice %arg21[%dma_wait3A_264, %dma_wait3A_265] : memref<10000x64xf32, #tpu.memory_space<vmem_shared>> -> memref<80x64xf32, #tpu.memory_space<vmem_shared>>
    %dma_wait3A_267 = arith.constant 0 : i32
    %dma_wait3A_268 = arith.constant 0 : i32
    %dma_wait3A_269 = tpu.memref_slice %arg12[%dma_wait3A_256, %dma_wait3A_267, %dma_wait3A_268] : memref<4x80x64xf32, #tpu.memory_space<vmem>> -> memref<1x80x64xf32, #tpu.memory_space<vmem>>
    %dma_wait3A_270 = tpu.memref_squeeze %dma_wait3A_269 : memref<1x80x64xf32, #tpu.memory_space<vmem>> -> memref<80x64xf32, #tpu.memory_space<vmem>>
    tpu.wait_dma2 semaphore(%arg18 : memref<!tpu.dma_semaphore, #tpu.memory_space<semaphore_mem>>) src(%dma_wait3A_270 : memref<80x64xf32, #tpu.memory_space<vmem>>) dst(%dma_wait3A_266 : memref<80x64xf32, #tpu.memory_space<vmem_shared>>)
    %dma_start3A_271 = arith.constant 249 : i32
    %dma_start3A_272 = arith.constant 1 : i32
    %dma_start3A_273 = arith.constant 0 : i32
    %dma_start3A_274 = arith.constant 0 : i32
    %dma_start3A_275 = tpu.memref_slice %arg12[%dma_start3A_272, %dma_start3A_273, %dma_start3A_274] : memref<4x80x64xf32, #tpu.memory_space<vmem>> -> memref<1x80x64xf32, #tpu.memory_space<vmem>>
    %dma_start3A_276 = tpu.memref_squeeze %dma_start3A_275 : memref<1x80x64xf32, #tpu.memory_space<vmem>> -> memref<80x64xf32, #tpu.memory_space<vmem>>
    %dma_start3A_277 = arith.constant 0 : i32
    %dma_start3A_278 = tpu.memref_slice %arg10[%dma_start3A_271, %dma_start3A_277] : memref<250x80xi32, #tpu.memory_space<vmem>> -> memref<1x80xi32, #tpu.memory_space<vmem>>
    %dma_start3A_279 = tpu.memref_squeeze %dma_start3A_278 : memref<1x80xi32, #tpu.memory_space<vmem>> -> memref<80xi32, #tpu.memory_space<vmem>>
    %dma_start3A_280 = arith.constant 0 : i32
    %dma_start3A_281 = arith.constant 0 : i32
    %dma_start3A_282 = tpu.memref_slice %arg2[%dma_start3A_280, %dma_start3A_281] : memref<20000x64xf32, #tpu.memory_space<hbm>> -> memref<20000x64xf32, #tpu.memory_space<hbm>>
    tpu.enqueue_indirect_dma source(%dma_start3A_282 : memref<20000x64xf32, #tpu.memory_space<hbm>>) target(%dma_start3A_276 : memref<80x64xf32, #tpu.memory_space<vmem>>) offsets(%dma_start3A_279 : memref<80xi32, #tpu.memory_space<vmem>>) semaphore(%arg14 : memref<!tpu.dma_semaphore, #tpu.memory_space<semaphore_mem>>)
    %dma_wait3A_283 = arith.constant 0 : i32
    %dma_wait3A_284 = arith.constant 0 : i32
    %dma_wait3A_285 = arith.constant 0 : i32
    %dma_wait3A_286 = tpu.memref_slice %arg12[%dma_wait3A_283, %dma_wait3A_284, %dma_wait3A_285] : memref<4x80x64xf32, #tpu.memory_space<vmem>> -> memref<1x80x64xf32, #tpu.memory_space<vmem>>
    %dma_wait3A_287 = tpu.memref_squeeze %dma_wait3A_286 : memref<1x80x64xf32, #tpu.memory_space<vmem>> -> memref<80x64xf32, #tpu.memory_space<vmem>>
    %dma_wait3A_288 = arith.constant 0 : i32
    %dma_wait3A_289 = arith.constant 0 : i32
    %dma_wait3A_290 = tpu.memref_slice %arg2[%dma_wait3A_288, %dma_wait3A_289] : memref<20000x64xf32, #tpu.memory_space<hbm>> -> memref<80x64xf32, #tpu.memory_space<hbm>>
    %dma_wait3A_291 = arith.constant 0 : i32
    %dma_wait3A_292 = arith.constant 0 : i32
    %dma_wait3A_293 = tpu.memref_slice %arg12[%dma_wait3A_283, %dma_wait3A_291, %dma_wait3A_292] : memref<4x80x64xf32, #tpu.memory_space<vmem>> -> memref<1x80x64xf32, #tpu.memory_space<vmem>>
    %dma_wait3A_294 = tpu.memref_squeeze %dma_wait3A_293 : memref<1x80x64xf32, #tpu.memory_space<vmem>> -> memref<80x64xf32, #tpu.memory_space<vmem>>
    %dma_wait3A_295 = arith.constant 0 : i32
    %dma_wait3A_296 = arith.constant 0 : i32
    %dma_wait3A_297 = tpu.memref_slice %arg2[%dma_wait3A_295, %dma_wait3A_296] : memref<20000x64xf32, #tpu.memory_space<hbm>> -> memref<80x64xf32, #tpu.memory_space<hbm>>
    tpu.wait_dma2 semaphore(%arg13 : memref<!tpu.dma_semaphore, #tpu.memory_space<semaphore_mem>>) src(%dma_wait3A_297 : memref<80x64xf32, #tpu.memory_space<hbm>>) dst(%dma_wait3A_294 : memref<80x64xf32, #tpu.memory_space<vmem>>)
    %dma_start3A_298 = arith.constant 0 : i32
    %dma_start3A_299 = arith.constant 248 : i32
    %dma_start3A_300 = arith.constant 0 : i32
    %dma_start3A_301 = arith.constant 0 : i32
    %dma_start3A_302 = tpu.memref_slice %arg12[%dma_start3A_298, %dma_start3A_300, %dma_start3A_301] : memref<4x80x64xf32, #tpu.memory_space<vmem>> -> memref<1x80x64xf32, #tpu.memory_space<vmem>>
    %dma_start3A_303 = tpu.memref_squeeze %dma_start3A_302 : memref<1x80x64xf32, #tpu.memory_space<vmem>> -> memref<80x64xf32, #tpu.memory_space<vmem>>
    %dma_start3A_304 = arith.constant 0 : i32
    %dma_start3A_305 = tpu.memref_slice %arg11[%dma_start3A_299, %dma_start3A_304] : memref<250x80xi32, #tpu.memory_space<vmem>> -> memref<1x80xi32, #tpu.memory_space<vmem>>
    %dma_start3A_306 = tpu.memref_squeeze %dma_start3A_305 : memref<1x80xi32, #tpu.memory_space<vmem>> -> memref<80xi32, #tpu.memory_space<vmem>>
    %dma_start3A_307 = arith.constant 0 : i32
    %dma_start3A_308 = arith.constant 0 : i32
    %dma_start3A_309 = tpu.memref_slice %arg21[%dma_start3A_307, %dma_start3A_308] : memref<10000x64xf32, #tpu.memory_space<vmem_shared>> -> memref<10000x64xf32, #tpu.memory_space<vmem_shared>>
    tpu.enqueue_indirect_dma source(%dma_start3A_303 : memref<80x64xf32, #tpu.memory_space<vmem>>) target(%dma_start3A_309 : memref<10000x64xf32, #tpu.memory_space<vmem_shared>>) offsets(%dma_start3A_306 : memref<80xi32, #tpu.memory_space<vmem>>) semaphore(%arg17 : memref<!tpu.dma_semaphore, #tpu.memory_space<semaphore_mem>>) {add = true}
    %eq3A_310 = arith.constant 0 : i32
    %eq3A_311 = arith.cmpi eq, %arg0, %eq3A_310 : i32
    %convert_element_type3A_312 = arith.extui %eq3A_311 : i1 to i32
    %cond3A_313 = arith.constant 0 : i32
    %cond3A_314 = arith.cmpi ne, %convert_element_type3A_312, %cond3A_313 : i32
    scf.if %cond3A_314 {
      %run_scoped3A = arith.constant 248 : i32
      "tpu.region"() ({
        %run_scoped3A_423 = tpu.sem_alloc : memref<!tpu.dma_semaphore, #tpu.memory_space<semaphore_mem>>
        %dma_start3A_424 = arith.constant 0 : i32
        %dma_start3A_425 = tpu.memref_slice %arg11[%run_scoped3A, %dma_start3A_424] : memref<250x80xi32, #tpu.memory_space<vmem>> -> memref<1x80xi32, #tpu.memory_space<vmem>>
        %dma_start3A_426 = tpu.memref_squeeze %dma_start3A_425 : memref<1x80xi32, #tpu.memory_space<vmem>> -> memref<80xi32, #tpu.memory_space<vmem>>
        %dma_start3A_427 = arith.constant 0 : i32
        %dma_start3A_428 = tpu.memref_slice %arg24[%dma_start3A_427] : memref<10000xf32, #tpu.memory_space<vmem_shared>> -> memref<10000xf32, #tpu.memory_space<vmem_shared>>
        tpu.enqueue_indirect_dma source(%arg22 : memref<80xf32, #tpu.memory_space<vmem>>) target(%dma_start3A_428 : memref<10000xf32, #tpu.memory_space<vmem_shared>>) offsets(%dma_start3A_426 : memref<80xi32, #tpu.memory_space<vmem>>) semaphore(%run_scoped3A_423 : memref<!tpu.dma_semaphore, #tpu.memory_space<semaphore_mem>>) {add = true}
        %dma_wait3A_429 = arith.constant 0 : i32
        %dma_wait3A_430 = tpu.memref_slice %arg11[%run_scoped3A, %dma_wait3A_429] : memref<250x80xi32, #tpu.memory_space<vmem>> -> memref<1x80xi32, #tpu.memory_space<vmem>>
        %dma_wait3A_431 = tpu.memref_squeeze %dma_wait3A_430 : memref<1x80xi32, #tpu.memory_space<vmem>> -> memref<80xi32, #tpu.memory_space<vmem>>
        %dma_wait3A_432 = arith.constant 0 : i32
        %dma_wait3A_433 = tpu.memref_slice %arg24[%dma_wait3A_432] : memref<10000xf32, #tpu.memory_space<vmem_shared>> -> memref<10000xf32, #tpu.memory_space<vmem_shared>>
        tpu.wait_indirect_dma semaphore(%run_scoped3A_423 : memref<!tpu.dma_semaphore, #tpu.memory_space<semaphore_mem>>) src(%arg22 : memref<80xf32, #tpu.memory_space<vmem>>) dst(%dma_wait3A_433 : memref<10000xf32, #tpu.memory_space<vmem_shared>>)
        tpu.yield
      }) : () -> ()
    } else {
    }
    %dma_wait3A_315 = arith.constant 2 : i32
    %dma_wait3A_316 = arith.constant 0 : i32
    %dma_wait3A_317 = arith.constant 0 : i32
    %dma_wait3A_318 = tpu.memref_slice %arg12[%dma_wait3A_315, %dma_wait3A_316, %dma_wait3A_317] : memref<4x80x64xf32, #tpu.memory_space<vmem>> -> memref<1x80x64xf32, #tpu.memory_space<vmem>>
    %dma_wait3A_319 = tpu.memref_squeeze %dma_wait3A_318 : memref<1x80x64xf32, #tpu.memory_space<vmem>> -> memref<80x64xf32, #tpu.memory_space<vmem>>
    %dma_wait3A_320 = arith.constant 0 : i32
    %dma_wait3A_321 = arith.constant 0 : i32
    %dma_wait3A_322 = tpu.memref_slice %arg21[%dma_wait3A_320, %dma_wait3A_321] : memref<10000x64xf32, #tpu.memory_space<vmem_shared>> -> memref<80x64xf32, #tpu.memory_space<vmem_shared>>
    %dma_wait3A_323 = arith.constant 0 : i32
    %dma_wait3A_324 = arith.constant 0 : i32
    %dma_wait3A_325 = tpu.memref_slice %arg21[%dma_wait3A_323, %dma_wait3A_324] : memref<10000x64xf32, #tpu.memory_space<vmem_shared>> -> memref<80x64xf32, #tpu.memory_space<vmem_shared>>
    %dma_wait3A_326 = arith.constant 0 : i32
    %dma_wait3A_327 = arith.constant 0 : i32
    %dma_wait3A_328 = tpu.memref_slice %arg12[%dma_wait3A_315, %dma_wait3A_326, %dma_wait3A_327] : memref<4x80x64xf32, #tpu.memory_space<vmem>> -> memref<1x80x64xf32, #tpu.memory_space<vmem>>
    %dma_wait3A_329 = tpu.memref_squeeze %dma_wait3A_328 : memref<1x80x64xf32, #tpu.memory_space<vmem>> -> memref<80x64xf32, #tpu.memory_space<vmem>>
    tpu.wait_dma2 semaphore(%arg19 : memref<!tpu.dma_semaphore, #tpu.memory_space<semaphore_mem>>) src(%dma_wait3A_329 : memref<80x64xf32, #tpu.memory_space<vmem>>) dst(%dma_wait3A_325 : memref<80x64xf32, #tpu.memory_space<vmem_shared>>)
    %dma_wait3A_330 = arith.constant 1 : i32
    %dma_wait3A_331 = arith.constant 0 : i32
    %dma_wait3A_332 = arith.constant 0 : i32
    %dma_wait3A_333 = tpu.memref_slice %arg12[%dma_wait3A_330, %dma_wait3A_331, %dma_wait3A_332] : memref<4x80x64xf32, #tpu.memory_space<vmem>> -> memref<1x80x64xf32, #tpu.memory_space<vmem>>
    %dma_wait3A_334 = tpu.memref_squeeze %dma_wait3A_333 : memref<1x80x64xf32, #tpu.memory_space<vmem>> -> memref<80x64xf32, #tpu.memory_space<vmem>>
    %dma_wait3A_335 = arith.constant 0 : i32
    %dma_wait3A_336 = arith.constant 0 : i32
    %dma_wait3A_337 = tpu.memref_slice %arg2[%dma_wait3A_335, %dma_wait3A_336] : memref<20000x64xf32, #tpu.memory_space<hbm>> -> memref<80x64xf32, #tpu.memory_space<hbm>>
    %dma_wait3A_338 = arith.constant 0 : i32
    %dma_wait3A_339 = arith.constant 0 : i32
    %dma_wait3A_340 = tpu.memref_slice %arg12[%dma_wait3A_330, %dma_wait3A_338, %dma_wait3A_339] : memref<4x80x64xf32, #tpu.memory_space<vmem>> -> memref<1x80x64xf32, #tpu.memory_space<vmem>>
    %dma_wait3A_341 = tpu.memref_squeeze %dma_wait3A_340 : memref<1x80x64xf32, #tpu.memory_space<vmem>> -> memref<80x64xf32, #tpu.memory_space<vmem>>
    %dma_wait3A_342 = arith.constant 0 : i32
    %dma_wait3A_343 = arith.constant 0 : i32
    %dma_wait3A_344 = tpu.memref_slice %arg2[%dma_wait3A_342, %dma_wait3A_343] : memref<20000x64xf32, #tpu.memory_space<hbm>> -> memref<80x64xf32, #tpu.memory_space<hbm>>
    tpu.wait_dma2 semaphore(%arg14 : memref<!tpu.dma_semaphore, #tpu.memory_space<semaphore_mem>>) src(%dma_wait3A_344 : memref<80x64xf32, #tpu.memory_space<hbm>>) dst(%dma_wait3A_341 : memref<80x64xf32, #tpu.memory_space<vmem>>)
    %dma_start3A_345 = arith.constant 1 : i32
    %dma_start3A_346 = arith.constant 249 : i32
    %dma_start3A_347 = arith.constant 0 : i32
    %dma_start3A_348 = arith.constant 0 : i32
    %dma_start3A_349 = tpu.memref_slice %arg12[%dma_start3A_345, %dma_start3A_347, %dma_start3A_348] : memref<4x80x64xf32, #tpu.memory_space<vmem>> -> memref<1x80x64xf32, #tpu.memory_space<vmem>>
    %dma_start3A_350 = tpu.memref_squeeze %dma_start3A_349 : memref<1x80x64xf32, #tpu.memory_space<vmem>> -> memref<80x64xf32, #tpu.memory_space<vmem>>
    %dma_start3A_351 = arith.constant 0 : i32
    %dma_start3A_352 = tpu.memref_slice %arg11[%dma_start3A_346, %dma_start3A_351] : memref<250x80xi32, #tpu.memory_space<vmem>> -> memref<1x80xi32, #tpu.memory_space<vmem>>
    %dma_start3A_353 = tpu.memref_squeeze %dma_start3A_352 : memref<1x80xi32, #tpu.memory_space<vmem>> -> memref<80xi32, #tpu.memory_space<vmem>>
    %dma_start3A_354 = arith.constant 0 : i32
    %dma_start3A_355 = arith.constant 0 : i32
    %dma_start3A_356 = tpu.memref_slice %arg21[%dma_start3A_354, %dma_start3A_355] : memref<10000x64xf32, #tpu.memory_space<vmem_shared>> -> memref<10000x64xf32, #tpu.memory_space<vmem_shared>>
    tpu.enqueue_indirect_dma source(%dma_start3A_350 : memref<80x64xf32, #tpu.memory_space<vmem>>) target(%dma_start3A_356 : memref<10000x64xf32, #tpu.memory_space<vmem_shared>>) offsets(%dma_start3A_353 : memref<80xi32, #tpu.memory_space<vmem>>) semaphore(%arg18 : memref<!tpu.dma_semaphore, #tpu.memory_space<semaphore_mem>>) {add = true}
    %eq3A_357 = arith.constant 1 : i32
    %eq3A_358 = arith.cmpi eq, %arg0, %eq3A_357 : i32
    %convert_element_type3A_359 = arith.extui %eq3A_358 : i1 to i32
    %cond3A_360 = arith.constant 0 : i32
    %cond3A_361 = arith.cmpi ne, %convert_element_type3A_359, %cond3A_360 : i32
    scf.if %cond3A_361 {
      %run_scoped3A = arith.constant 249 : i32
      "tpu.region"() ({
        %run_scoped3A_423 = tpu.sem_alloc : memref<!tpu.dma_semaphore, #tpu.memory_space<semaphore_mem>>
        %dma_start3A_424 = arith.constant 0 : i32
        %dma_start3A_425 = tpu.memref_slice %arg11[%run_scoped3A, %dma_start3A_424] : memref<250x80xi32, #tpu.memory_space<vmem>> -> memref<1x80xi32, #tpu.memory_space<vmem>>
        %dma_start3A_426 = tpu.memref_squeeze %dma_start3A_425 : memref<1x80xi32, #tpu.memory_space<vmem>> -> memref<80xi32, #tpu.memory_space<vmem>>
        %dma_start3A_427 = arith.constant 0 : i32
        %dma_start3A_428 = tpu.memref_slice %arg24[%dma_start3A_427] : memref<10000xf32, #tpu.memory_space<vmem_shared>> -> memref<10000xf32, #tpu.memory_space<vmem_shared>>
        tpu.enqueue_indirect_dma source(%arg22 : memref<80xf32, #tpu.memory_space<vmem>>) target(%dma_start3A_428 : memref<10000xf32, #tpu.memory_space<vmem_shared>>) offsets(%dma_start3A_426 : memref<80xi32, #tpu.memory_space<vmem>>) semaphore(%run_scoped3A_423 : memref<!tpu.dma_semaphore, #tpu.memory_space<semaphore_mem>>) {add = true}
        %dma_wait3A_429 = arith.constant 0 : i32
        %dma_wait3A_430 = tpu.memref_slice %arg11[%run_scoped3A, %dma_wait3A_429] : memref<250x80xi32, #tpu.memory_space<vmem>> -> memref<1x80xi32, #tpu.memory_space<vmem>>
        %dma_wait3A_431 = tpu.memref_squeeze %dma_wait3A_430 : memref<1x80xi32, #tpu.memory_space<vmem>> -> memref<80xi32, #tpu.memory_space<vmem>>
        %dma_wait3A_432 = arith.constant 0 : i32
        %dma_wait3A_433 = tpu.memref_slice %arg24[%dma_wait3A_432] : memref<10000xf32, #tpu.memory_space<vmem_shared>> -> memref<10000xf32, #tpu.memory_space<vmem_shared>>
        tpu.wait_indirect_dma semaphore(%run_scoped3A_423 : memref<!tpu.dma_semaphore, #tpu.memory_space<semaphore_mem>>) src(%arg22 : memref<80xf32, #tpu.memory_space<vmem>>) dst(%dma_wait3A_433 : memref<10000xf32, #tpu.memory_space<vmem_shared>>)
        tpu.yield
      }) : () -> ()
    } else {
    }
    %dma_wait3A_362 = arith.constant 3 : i32
    %dma_wait3A_363 = arith.constant 0 : i32
    %dma_wait3A_364 = arith.constant 0 : i32
    %dma_wait3A_365 = tpu.memref_slice %arg12[%dma_wait3A_362, %dma_wait3A_363, %dma_wait3A_364] : memref<4x80x64xf32, #tpu.memory_space<vmem>> -> memref<1x80x64xf32, #tpu.memory_space<vmem>>
    %dma_wait3A_366 = tpu.memref_squeeze %dma_wait3A_365 : memref<1x80x64xf32, #tpu.memory_space<vmem>> -> memref<80x64xf32, #tpu.memory_space<vmem>>
    %dma_wait3A_367 = arith.constant 0 : i32
    %dma_wait3A_368 = arith.constant 0 : i32
    %dma_wait3A_369 = tpu.memref_slice %arg21[%dma_wait3A_367, %dma_wait3A_368] : memref<10000x64xf32, #tpu.memory_space<vmem_shared>> -> memref<80x64xf32, #tpu.memory_space<vmem_shared>>
    %dma_wait3A_370 = arith.constant 0 : i32
    %dma_wait3A_371 = arith.constant 0 : i32
    %dma_wait3A_372 = tpu.memref_slice %arg21[%dma_wait3A_370, %dma_wait3A_371] : memref<10000x64xf32, #tpu.memory_space<vmem_shared>> -> memref<80x64xf32, #tpu.memory_space<vmem_shared>>
    %dma_wait3A_373 = arith.constant 0 : i32
    %dma_wait3A_374 = arith.constant 0 : i32
    %dma_wait3A_375 = tpu.memref_slice %arg12[%dma_wait3A_362, %dma_wait3A_373, %dma_wait3A_374] : memref<4x80x64xf32, #tpu.memory_space<vmem>> -> memref<1x80x64xf32, #tpu.memory_space<vmem>>
    %dma_wait3A_376 = tpu.memref_squeeze %dma_wait3A_375 : memref<1x80x64xf32, #tpu.memory_space<vmem>> -> memref<80x64xf32, #tpu.memory_space<vmem>>
    tpu.wait_dma2 semaphore(%arg20 : memref<!tpu.dma_semaphore, #tpu.memory_space<semaphore_mem>>) src(%dma_wait3A_376 : memref<80x64xf32, #tpu.memory_space<vmem>>) dst(%dma_wait3A_372 : memref<80x64xf32, #tpu.memory_space<vmem_shared>>)
    %dma_wait3A_377 = arith.constant 0 : i32
    %dma_wait3A_378 = arith.constant 0 : i32
    %dma_wait3A_379 = arith.constant 0 : i32
    %dma_wait3A_380 = tpu.memref_slice %arg12[%dma_wait3A_377, %dma_wait3A_378, %dma_wait3A_379] : memref<4x80x64xf32, #tpu.memory_space<vmem>> -> memref<1x80x64xf32, #tpu.memory_space<vmem>>
    %dma_wait3A_381 = tpu.memref_squeeze %dma_wait3A_380 : memref<1x80x64xf32, #tpu.memory_space<vmem>> -> memref<80x64xf32, #tpu.memory_space<vmem>>
    %dma_wait3A_382 = arith.constant 0 : i32
    %dma_wait3A_383 = arith.constant 0 : i32
    %dma_wait3A_384 = tpu.memref_slice %arg21[%dma_wait3A_382, %dma_wait3A_383] : memref<10000x64xf32, #tpu.memory_space<vmem_shared>> -> memref<80x64xf32, #tpu.memory_space<vmem_shared>>
    %dma_wait3A_385 = arith.constant 0 : i32
    %dma_wait3A_386 = arith.constant 0 : i32
    %dma_wait3A_387 = tpu.memref_slice %arg21[%dma_wait3A_385, %dma_wait3A_386] : memref<10000x64xf32, #tpu.memory_space<vmem_shared>> -> memref<80x64xf32, #tpu.memory_space<vmem_shared>>
    %dma_wait3A_388 = arith.constant 0 : i32
    %dma_wait3A_389 = arith.constant 0 : i32
    %dma_wait3A_390 = tpu.memref_slice %arg12[%dma_wait3A_377, %dma_wait3A_388, %dma_wait3A_389] : memref<4x80x64xf32, #tpu.memory_space<vmem>> -> memref<1x80x64xf32, #tpu.memory_space<vmem>>
    %dma_wait3A_391 = tpu.memref_squeeze %dma_wait3A_390 : memref<1x80x64xf32, #tpu.memory_space<vmem>> -> memref<80x64xf32, #tpu.memory_space<vmem>>
    tpu.wait_dma2 semaphore(%arg17 : memref<!tpu.dma_semaphore, #tpu.memory_space<semaphore_mem>>) src(%dma_wait3A_391 : memref<80x64xf32, #tpu.memory_space<vmem>>) dst(%dma_wait3A_387 : memref<80x64xf32, #tpu.memory_space<vmem_shared>>)
    %dma_wait3A_392 = arith.constant 1 : i32
    %dma_wait3A_393 = arith.constant 0 : i32
    %dma_wait3A_394 = arith.constant 0 : i32
    %dma_wait3A_395 = tpu.memref_slice %arg12[%dma_wait3A_392, %dma_wait3A_393, %dma_wait3A_394] : memref<4x80x64xf32, #tpu.memory_space<vmem>> -> memref<1x80x64xf32, #tpu.memory_space<vmem>>
    %dma_wait3A_396 = tpu.memref_squeeze %dma_wait3A_395 : memref<1x80x64xf32, #tpu.memory_space<vmem>> -> memref<80x64xf32, #tpu.memory_space<vmem>>
    %dma_wait3A_397 = arith.constant 0 : i32
    %dma_wait3A_398 = arith.constant 0 : i32
    %dma_wait3A_399 = tpu.memref_slice %arg21[%dma_wait3A_397, %dma_wait3A_398] : memref<10000x64xf32, #tpu.memory_space<vmem_shared>> -> memref<80x64xf32, #tpu.memory_space<vmem_shared>>
    %dma_wait3A_400 = arith.constant 0 : i32
    %dma_wait3A_401 = arith.constant 0 : i32
    %dma_wait3A_402 = tpu.memref_slice %arg21[%dma_wait3A_400, %dma_wait3A_401] : memref<10000x64xf32, #tpu.memory_space<vmem_shared>> -> memref<80x64xf32, #tpu.memory_space<vmem_shared>>
    %dma_wait3A_403 = arith.constant 0 : i32
    %dma_wait3A_404 = arith.constant 0 : i32
    %dma_wait3A_405 = tpu.memref_slice %arg12[%dma_wait3A_392, %dma_wait3A_403, %dma_wait3A_404] : memref<4x80x64xf32, #tpu.memory_space<vmem>> -> memref<1x80x64xf32, #tpu.memory_space<vmem>>
    %dma_wait3A_406 = tpu.memref_squeeze %dma_wait3A_405 : memref<1x80x64xf32, #tpu.memory_space<vmem>> -> memref<80x64xf32, #tpu.memory_space<vmem>>
    tpu.wait_dma2 semaphore(%arg18 : memref<!tpu.dma_semaphore, #tpu.memory_space<semaphore_mem>>) src(%dma_wait3A_406 : memref<80x64xf32, #tpu.memory_space<vmem>>) dst(%dma_wait3A_402 : memref<80x64xf32, #tpu.memory_space<vmem_shared>>)
    %barrier3A_407 = arith.constant 0 : index
    tpu.barrier barrier_id(%barrier3A_407)
    %lt3A_408 = arith.constant 15 : i32
    %lt3A_409 = arith.cmpi slt, %arg1, %lt3A_408 : i32
    %convert_element_type3A_410 = arith.extui %lt3A_409 : i1 to i32
    %cond3A_411 = arith.constant 0 : i32
    %cond3A_412 = arith.cmpi ne, %convert_element_type3A_410, %cond3A_411 : i32
    scf.if %cond3A_412 {
      "tpu.region"() ({
        %run_scoped3A = tpu.sem_alloc : memref<!tpu.dma_semaphore, #tpu.memory_space<semaphore_mem>>
        %dma_start3A_423 = arith.constant 0 : i32
        %dma_start3A_424 = tpu.memref_slice %arg8[%multiple_of3A, %arg0, %dma_start3A_423] : memref<10000x2x64xf32, #tpu.memory_space<hbm>> -> memref<624x1x64xf32, #tpu.memory_space<hbm>>
        %dma_start3A_425 = tpu.memref_squeeze %dma_start3A_424 : memref<624x1x64xf32, #tpu.memory_space<hbm>> -> memref<624x64xf32, #tpu.memory_space<hbm>>
        %dma_start3A_426 = arith.constant 0 : i32
        %dma_start3A_427 = tpu.memref_slice %arg21[%multiple_of3A, %dma_start3A_426] : memref<10000x64xf32, #tpu.memory_space<vmem_shared>> -> memref<624x64xf32, #tpu.memory_space<vmem_shared>>
        tpu.enqueue_dma source(%dma_start3A_427 : memref<624x64xf32, #tpu.memory_space<vmem_shared>>) target(%dma_start3A_425 : memref<624x64xf32, #tpu.memory_space<hbm>>) target_semaphore(%run_scoped3A : memref<!tpu.dma_semaphore, #tpu.memory_space<semaphore_mem>>)
        %dma_wait3A_428 = arith.constant 0 : i32
        %dma_wait3A_429 = tpu.memref_slice %arg8[%multiple_of3A, %arg0, %dma_wait3A_428] : memref<10000x2x64xf32, #tpu.memory_space<hbm>> -> memref<624x1x64xf32, #tpu.memory_space<hbm>>
        %dma_wait3A_430 = tpu.memref_squeeze %dma_wait3A_429 : memref<624x1x64xf32, #tpu.memory_space<hbm>> -> memref<624x64xf32, #tpu.memory_space<hbm>>
        %dma_wait3A_431 = arith.constant 0 : i32
        %dma_wait3A_432 = tpu.memref_slice %arg21[%multiple_of3A, %dma_wait3A_431] : memref<10000x64xf32, #tpu.memory_space<vmem_shared>> -> memref<624x64xf32, #tpu.memory_space<vmem_shared>>
        tpu.wait_dma2 semaphore(%run_scoped3A : memref<!tpu.dma_semaphore, #tpu.memory_space<semaphore_mem>>) src(%dma_wait3A_432 : memref<624x64xf32, #tpu.memory_space<vmem_shared>>) dst(%dma_wait3A_430 : memref<624x64xf32, #tpu.memory_space<hbm>>)
        tpu.yield
      }) : () -> ()
    } else {
    }
    %eq3A_413 = arith.constant 15 : i32
    %eq3A_414 = arith.cmpi eq, %arg1, %eq3A_413 : i32
    %convert_element_type3A_415 = arith.extui %eq3A_414 : i1 to i32
    %cond3A_416 = arith.constant 0 : i32
    %cond3A_417 = arith.cmpi ne, %convert_element_type3A_415, %cond3A_416 : i32
    scf.if %cond3A_417 {
      "tpu.region"() ({
        %run_scoped3A = tpu.sem_alloc : memref<!tpu.dma_semaphore, #tpu.memory_space<semaphore_mem>>
        %dma_start3A_423 = arith.constant 9360 : i32
        %dma_start3A_424 = arith.constant 0 : i32
        %dma_start3A_425 = tpu.memref_slice %arg8[%dma_start3A_423, %arg0, %dma_start3A_424] : memref<10000x2x64xf32, #tpu.memory_space<hbm>> -> memref<640x1x64xf32, #tpu.memory_space<hbm>>
        %dma_start3A_426 = tpu.memref_squeeze %dma_start3A_425 : memref<640x1x64xf32, #tpu.memory_space<hbm>> -> memref<640x64xf32, #tpu.memory_space<hbm>>
        %dma_start3A_427 = arith.constant 9360 : i32
        %dma_start3A_428 = arith.constant 0 : i32
        %dma_start3A_429 = tpu.memref_slice %arg21[%dma_start3A_427, %dma_start3A_428] : memref<10000x64xf32, #tpu.memory_space<vmem_shared>> -> memref<640x64xf32, #tpu.memory_space<vmem_shared>>
        tpu.enqueue_dma source(%dma_start3A_429 : memref<640x64xf32, #tpu.memory_space<vmem_shared>>) target(%dma_start3A_426 : memref<640x64xf32, #tpu.memory_space<hbm>>) target_semaphore(%run_scoped3A : memref<!tpu.dma_semaphore, #tpu.memory_space<semaphore_mem>>)
        %dma_wait3A_430 = arith.constant 9360 : i32
        %dma_wait3A_431 = arith.constant 0 : i32
        %dma_wait3A_432 = tpu.memref_slice %arg8[%dma_wait3A_430, %arg0, %dma_wait3A_431] : memref<10000x2x64xf32, #tpu.memory_space<hbm>> -> memref<640x1x64xf32, #tpu.memory_space<hbm>>
        %dma_wait3A_433 = tpu.memref_squeeze %dma_wait3A_432 : memref<640x1x64xf32, #tpu.memory_space<hbm>> -> memref<640x64xf32, #tpu.memory_space<hbm>>
        %dma_wait3A_434 = arith.constant 9360 : i32
        %dma_wait3A_435 = arith.constant 0 : i32
        %dma_wait3A_436 = tpu.memref_slice %arg21[%dma_wait3A_434, %dma_wait3A_435] : memref<10000x64xf32, #tpu.memory_space<vmem_shared>> -> memref<640x64xf32, #tpu.memory_space<vmem_shared>>
        tpu.wait_dma2 semaphore(%run_scoped3A : memref<!tpu.dma_semaphore, #tpu.memory_space<semaphore_mem>>) src(%dma_wait3A_436 : memref<640x64xf32, #tpu.memory_space<vmem_shared>>) dst(%dma_wait3A_433 : memref<640x64xf32, #tpu.memory_space<hbm>>)
        tpu.yield
      }) : () -> ()
    } else {
    }
    %eq3A_418 = arith.constant 0 : i32
    %eq3A_419 = arith.cmpi eq, %arg1, %eq3A_418 : i32
    %convert_element_type3A_420 = arith.extui %eq3A_419 : i1 to i32
    %cond3A_421 = arith.constant 0 : i32
    %cond3A_422 = arith.cmpi ne, %convert_element_type3A_420, %cond3A_421 : i32
    scf.if %cond3A_422 {
      "tpu.region"() ({
        %run_scoped3A = tpu.sem_alloc : memref<!tpu.dma_semaphore, #tpu.memory_space<semaphore_mem>>
        tpu.enqueue_dma source(%arg24 : memref<10000xf32, #tpu.memory_space<vmem_shared>>) target(%arg23 : memref<10000xf32, #tpu.memory_space<vmem>>) target_semaphore(%run_scoped3A : memref<!tpu.dma_semaphore, #tpu.memory_space<semaphore_mem>>)
        tpu.wait_dma2 semaphore(%run_scoped3A : memref<!tpu.dma_semaphore, #tpu.memory_space<semaphore_mem>>) src(%arg24 : memref<10000xf32, #tpu.memory_space<vmem_shared>>) dst(%arg23 : memref<10000xf32, #tpu.memory_space<vmem>>)
        tpu.yield
      }) : () -> ()
      %mul3A_423 = arith.constant 2000 : i32
      %mul3A_424 = arith.muli %arg0, %mul3A_423 : i32
      %add3A = arith.constant 0 : i32
      %add3A_425 = arith.addi %add3A, %mul3A_424 : i32
      %multiple_of3A_426 = tpu.assume_multiple %add3A_425, 8 : i32
      "tpu.region"() ({
        %run_scoped3A = tpu.sem_alloc : memref<!tpu.dma_semaphore, #tpu.memory_space<semaphore_mem>>
        %dma_start3A_447 = arith.constant 0 : i32
        %dma_start3A_448 = tpu.memref_slice %arg23[%dma_start3A_447] : memref<10000xf32, #tpu.memory_space<vmem>> -> memref<2000xf32, #tpu.memory_space<vmem>>
        %dma_start3A_449 = tpu.memref_slice %arg9[%multiple_of3A_426] : memref<20000xf32, #tpu.memory_space<hbm>> -> memref<2000xf32, #tpu.memory_space<hbm>>
        %dma_start3A_450 = tpu.memref_slice %arg9[%multiple_of3A_426] : memref<20000xf32, #tpu.memory_space<hbm>> -> memref<2000xf32, #tpu.memory_space<hbm>>
        %dma_start3A_451 = arith.constant 0 : i32
        %dma_start3A_452 = tpu.memref_slice %arg23[%dma_start3A_451] : memref<10000xf32, #tpu.memory_space<vmem>> -> memref<2000xf32, #tpu.memory_space<vmem>>
        tpu.enqueue_dma source(%dma_start3A_452 : memref<2000xf32, #tpu.memory_space<vmem>>) target(%dma_start3A_450 : memref<2000xf32, #tpu.memory_space<hbm>>) target_semaphore(%run_scoped3A : memref<!tpu.dma_semaphore, #tpu.memory_space<semaphore_mem>>)
        %dma_wait3A_453 = arith.constant 0 : i32
        %dma_wait3A_454 = tpu.memref_slice %arg23[%dma_wait3A_453] : memref<10000xf32, #tpu.memory_space<vmem>> -> memref<2000xf32, #tpu.memory_space<vmem>>
        %dma_wait3A_455 = tpu.memref_slice %arg9[%multiple_of3A_426] : memref<20000xf32, #tpu.memory_space<hbm>> -> memref<2000xf32, #tpu.memory_space<hbm>>
        %dma_wait3A_456 = tpu.memref_slice %arg9[%multiple_of3A_426] : memref<20000xf32, #tpu.memory_space<hbm>> -> memref<2000xf32, #tpu.memory_space<hbm>>
        %dma_wait3A_457 = arith.constant 0 : i32
        %dma_wait3A_458 = tpu.memref_slice %arg23[%dma_wait3A_457] : memref<10000xf32, #tpu.memory_space<vmem>> -> memref<2000xf32, #tpu.memory_space<vmem>>
        tpu.wait_dma2 semaphore(%run_scoped3A : memref<!tpu.dma_semaphore, #tpu.memory_space<semaphore_mem>>) src(%dma_wait3A_458 : memref<2000xf32, #tpu.memory_space<vmem>>) dst(%dma_wait3A_456 : memref<2000xf32, #tpu.memory_space<hbm>>)
        tpu.yield
      }) : () -> ()
      %mul3A_427 = arith.constant 2000 : i32
      %mul3A_428 = arith.muli %arg0, %mul3A_427 : i32
      %add3A_429 = arith.constant 4000 : i32
      %add3A_430 = arith.addi %add3A_429, %mul3A_428 : i32
      %multiple_of3A_431 = tpu.assume_multiple %add3A_430, 8 : i32
      "tpu.region"() ({
        %run_scoped3A = tpu.sem_alloc : memref<!tpu.dma_semaphore, #tpu.memory_space<semaphore_mem>>
        %dma_start3A_447 = arith.constant 2000 : i32
        %dma_start3A_448 = tpu.memref_slice %arg23[%dma_start3A_447] : memref<10000xf32, #tpu.memory_space<vmem>> -> memref<2000xf32, #tpu.memory_space<vmem>>
        %dma_start3A_449 = tpu.memref_slice %arg9[%multiple_of3A_431] : memref<20000xf32, #tpu.memory_space<hbm>> -> memref<2000xf32, #tpu.memory_space<hbm>>
        %dma_start3A_450 = tpu.memref_slice %arg9[%multiple_of3A_431] : memref<20000xf32, #tpu.memory_space<hbm>> -> memref<2000xf32, #tpu.memory_space<hbm>>
        %dma_start3A_451 = arith.constant 2000 : i32
        %dma_start3A_452 = tpu.memref_slice %arg23[%dma_start3A_451] : memref<10000xf32, #tpu.memory_space<vmem>> -> memref<2000xf32, #tpu.memory_space<vmem>>
        tpu.enqueue_dma source(%dma_start3A_452 : memref<2000xf32, #tpu.memory_space<vmem>>) target(%dma_start3A_450 : memref<2000xf32, #tpu.memory_space<hbm>>) target_semaphore(%run_scoped3A : memref<!tpu.dma_semaphore, #tpu.memory_space<semaphore_mem>>)
        %dma_wait3A_453 = arith.constant 2000 : i32
        %dma_wait3A_454 = tpu.memref_slice %arg23[%dma_wait3A_453] : memref<10000xf32, #tpu.memory_space<vmem>> -> memref<2000xf32, #tpu.memory_space<vmem>>
        %dma_wait3A_455 = tpu.memref_slice %arg9[%multiple_of3A_431] : memref<20000xf32, #tpu.memory_space<hbm>> -> memref<2000xf32, #tpu.memory_space<hbm>>
        %dma_wait3A_456 = tpu.memref_slice %arg9[%multiple_of3A_431] : memref<20000xf32, #tpu.memory_space<hbm>> -> memref<2000xf32, #tpu.memory_space<hbm>>
        %dma_wait3A_457 = arith.constant 2000 : i32
        %dma_wait3A_458 = tpu.memref_slice %arg23[%dma_wait3A_457] : memref<10000xf32, #tpu.memory_space<vmem>> -> memref<2000xf32, #tpu.memory_space<vmem>>
        tpu.wait_dma2 semaphore(%run_scoped3A : memref<!tpu.dma_semaphore, #tpu.memory_space<semaphore_mem>>) src(%dma_wait3A_458 : memref<2000xf32, #tpu.memory_space<vmem>>) dst(%dma_wait3A_456 : memref<2000xf32, #tpu.memory_space<hbm>>)
        tpu.yield
      }) : () -> ()
      %mul3A_432 = arith.constant 2000 : i32
      %mul3A_433 = arith.muli %arg0, %mul3A_432 : i32
      %add3A_434 = arith.constant 8000 : i32
      %add3A_435 = arith.addi %add3A_434, %mul3A_433 : i32
      %multiple_of3A_436 = tpu.assume_multiple %add3A_435, 8 : i32
      "tpu.region"() ({
        %run_scoped3A = tpu.sem_alloc : memref<!tpu.dma_semaphore, #tpu.memory_space<semaphore_mem>>
        %dma_start3A_447 = arith.constant 4000 : i32
        %dma_start3A_448 = tpu.memref_slice %arg23[%dma_start3A_447] : memref<10000xf32, #tpu.memory_space<vmem>> -> memref<2000xf32, #tpu.memory_space<vmem>>
        %dma_start3A_449 = tpu.memref_slice %arg9[%multiple_of3A_436] : memref<20000xf32, #tpu.memory_space<hbm>> -> memref<2000xf32, #tpu.memory_space<hbm>>
        %dma_start3A_450 = tpu.memref_slice %arg9[%multiple_of3A_436] : memref<20000xf32, #tpu.memory_space<hbm>> -> memref<2000xf32, #tpu.memory_space<hbm>>
        %dma_start3A_451 = arith.constant 4000 : i32
        %dma_start3A_452 = tpu.memref_slice %arg23[%dma_start3A_451] : memref<10000xf32, #tpu.memory_space<vmem>> -> memref<2000xf32, #tpu.memory_space<vmem>>
        tpu.enqueue_dma source(%dma_start3A_452 : memref<2000xf32, #tpu.memory_space<vmem>>) target(%dma_start3A_450 : memref<2000xf32, #tpu.memory_space<hbm>>) target_semaphore(%run_scoped3A : memref<!tpu.dma_semaphore, #tpu.memory_space<semaphore_mem>>)
        %dma_wait3A_453 = arith.constant 4000 : i32
        %dma_wait3A_454 = tpu.memref_slice %arg23[%dma_wait3A_453] : memref<10000xf32, #tpu.memory_space<vmem>> -> memref<2000xf32, #tpu.memory_space<vmem>>
        %dma_wait3A_455 = tpu.memref_slice %arg9[%multiple_of3A_436] : memref<20000xf32, #tpu.memory_space<hbm>> -> memref<2000xf32, #tpu.memory_space<hbm>>
        %dma_wait3A_456 = tpu.memref_slice %arg9[%multiple_of3A_436] : memref<20000xf32, #tpu.memory_space<hbm>> -> memref<2000xf32, #tpu.memory_space<hbm>>
        %dma_wait3A_457 = arith.constant 4000 : i32
        %dma_wait3A_458 = tpu.memref_slice %arg23[%dma_wait3A_457] : memref<10000xf32, #tpu.memory_space<vmem>> -> memref<2000xf32, #tpu.memory_space<vmem>>
        tpu.wait_dma2 semaphore(%run_scoped3A : memref<!tpu.dma_semaphore, #tpu.memory_space<semaphore_mem>>) src(%dma_wait3A_458 : memref<2000xf32, #tpu.memory_space<vmem>>) dst(%dma_wait3A_456 : memref<2000xf32, #tpu.memory_space<hbm>>)
        tpu.yield
      }) : () -> ()
      %mul3A_437 = arith.constant 2000 : i32
      %mul3A_438 = arith.muli %arg0, %mul3A_437 : i32
      %add3A_439 = arith.constant 12000 : i32
      %add3A_440 = arith.addi %add3A_439, %mul3A_438 : i32
      %multiple_of3A_441 = tpu.assume_multiple %add3A_440, 8 : i32
      "tpu.region"() ({
        %run_scoped3A = tpu.sem_alloc : memref<!tpu.dma_semaphore, #tpu.memory_space<semaphore_mem>>
        %dma_start3A_447 = arith.constant 6000 : i32
        %dma_start3A_448 = tpu.memref_slice %arg23[%dma_start3A_447] : memref<10000xf32, #tpu.memory_space<vmem>> -> memref<2000xf32, #tpu.memory_space<vmem>>
        %dma_start3A_449 = tpu.memref_slice %arg9[%multiple_of3A_441] : memref<20000xf32, #tpu.memory_space<hbm>> -> memref<2000xf32, #tpu.memory_space<hbm>>
        %dma_start3A_450 = tpu.memref_slice %arg9[%multiple_of3A_441] : memref<20000xf32, #tpu.memory_space<hbm>> -> memref<2000xf32, #tpu.memory_space<hbm>>
        %dma_start3A_451 = arith.constant 6000 : i32
        %dma_start3A_452 = tpu.memref_slice %arg23[%dma_start3A_451] : memref<10000xf32, #tpu.memory_space<vmem>> -> memref<2000xf32, #tpu.memory_space<vmem>>
        tpu.enqueue_dma source(%dma_start3A_452 : memref<2000xf32, #tpu.memory_space<vmem>>) target(%dma_start3A_450 : memref<2000xf32, #tpu.memory_space<hbm>>) target_semaphore(%run_scoped3A : memref<!tpu.dma_semaphore, #tpu.memory_space<semaphore_mem>>)
        %dma_wait3A_453 = arith.constant 6000 : i32
        %dma_wait3A_454 = tpu.memref_slice %arg23[%dma_wait3A_453] : memref<10000xf32, #tpu.memory_space<vmem>> -> memref<2000xf32, #tpu.memory_space<vmem>>
        %dma_wait3A_455 = tpu.memref_slice %arg9[%multiple_of3A_441] : memref<20000xf32, #tpu.memory_space<hbm>> -> memref<2000xf32, #tpu.memory_space<hbm>>
        %dma_wait3A_456 = tpu.memref_slice %arg9[%multiple_of3A_441] : memref<20000xf32, #tpu.memory_space<hbm>> -> memref<2000xf32, #tpu.memory_space<hbm>>
        %dma_wait3A_457 = arith.constant 6000 : i32
        %dma_wait3A_458 = tpu.memref_slice %arg23[%dma_wait3A_457] : memref<10000xf32, #tpu.memory_space<vmem>> -> memref<2000xf32, #tpu.memory_space<vmem>>
        tpu.wait_dma2 semaphore(%run_scoped3A : memref<!tpu.dma_semaphore, #tpu.memory_space<semaphore_mem>>) src(%dma_wait3A_458 : memref<2000xf32, #tpu.memory_space<vmem>>) dst(%dma_wait3A_456 : memref<2000xf32, #tpu.memory_space<hbm>>)
        tpu.yield
      }) : () -> ()
      %mul3A_442 = arith.constant 2000 : i32
      %mul3A_443 = arith.muli %arg0, %mul3A_442 : i32
      %add3A_444 = arith.constant 16000 : i32
      %add3A_445 = arith.addi %add3A_444, %mul3A_443 : i32
      %multiple_of3A_446 = tpu.assume_multiple %add3A_445, 8 : i32
      "tpu.region"() ({
        %run_scoped3A = tpu.sem_alloc : memref<!tpu.dma_semaphore, #tpu.memory_space<semaphore_mem>>
        %dma_start3A_447 = arith.constant 8000 : i32
        %dma_start3A_448 = tpu.memref_slice %arg23[%dma_start3A_447] : memref<10000xf32, #tpu.memory_space<vmem>> -> memref<2000xf32, #tpu.memory_space<vmem>>
        %dma_start3A_449 = tpu.memref_slice %arg9[%multiple_of3A_446] : memref<20000xf32, #tpu.memory_space<hbm>> -> memref<2000xf32, #tpu.memory_space<hbm>>
        %dma_start3A_450 = tpu.memref_slice %arg9[%multiple_of3A_446] : memref<20000xf32, #tpu.memory_space<hbm>> -> memref<2000xf32, #tpu.memory_space<hbm>>
        %dma_start3A_451 = arith.constant 8000 : i32
        %dma_start3A_452 = tpu.memref_slice %arg23[%dma_start3A_451] : memref<10000xf32, #tpu.memory_space<vmem>> -> memref<2000xf32, #tpu.memory_space<vmem>>
        tpu.enqueue_dma source(%dma_start3A_452 : memref<2000xf32, #tpu.memory_space<vmem>>) target(%dma_start3A_450 : memref<2000xf32, #tpu.memory_space<hbm>>) target_semaphore(%run_scoped3A : memref<!tpu.dma_semaphore, #tpu.memory_space<semaphore_mem>>)
        %dma_wait3A_453 = arith.constant 8000 : i32
        %dma_wait3A_454 = tpu.memref_slice %arg23[%dma_wait3A_453] : memref<10000xf32, #tpu.memory_space<vmem>> -> memref<2000xf32, #tpu.memory_space<vmem>>
        %dma_wait3A_455 = tpu.memref_slice %arg9[%multiple_of3A_446] : memref<20000xf32, #tpu.memory_space<hbm>> -> memref<2000xf32, #tpu.memory_space<hbm>>
        %dma_wait3A_456 = tpu.memref_slice %arg9[%multiple_of3A_446] : memref<20000xf32, #tpu.memory_space<hbm>> -> memref<2000xf32, #tpu.memory_space<hbm>>
        %dma_wait3A_457 = arith.constant 8000 : i32
        %dma_wait3A_458 = tpu.memref_slice %arg23[%dma_wait3A_457] : memref<10000xf32, #tpu.memory_space<vmem>> -> memref<2000xf32, #tpu.memory_space<vmem>>
        tpu.wait_dma2 semaphore(%run_scoped3A : memref<!tpu.dma_semaphore, #tpu.memory_space<semaphore_mem>>) src(%dma_wait3A_458 : memref<2000xf32, #tpu.memory_space<vmem>>) dst(%dma_wait3A_456 : memref<2000xf32, #tpu.memory_space<hbm>>)
        tpu.yield
      }) : () -> ()
    } else {
    }
    return
  }
}

module attributes {stable_mosaic.version = 14 : i64} {
  func.func @_tc_stage_a_body(%arg0: i32, %arg1: memref<2000x128xf32, #tpu.memory_space<vmem>>, %arg2: memref<128x256xf32, #tpu.memory_space<vmem>>, %arg3: memref<2000x128xf32, #tpu.memory_space<vmem>>, %arg4: memref<2000x128xf32, #tpu.memory_space<vmem>>) attributes {dimension_semantics = [#tpu.dimension_semantics<arbitrary>], iteration_bounds = array<i64: 5>, scalar_prefetch = 0 : i64, scratch_operands = 0 : i64, tpu.core_type = #tpu.core_type<tc>, window_params = [{transform_indices = @transform_0, window_bounds = array<i64: 2000, 128>}, {pipeline_mode = #tpu.pipeline_mode<synchronous>, transform_indices = @transform_1, window_bounds = array<i64: 128, 256>}, {transform_indices = @transform_2, window_bounds = array<i64: 2000, 128>}, {transform_indices = @transform_3, window_bounds = array<i64: 2000, 128>}]} {
    %get3A = arith.constant 0 : index
    %get3A_0 = arith.constant 0 : index
    %get3A_1 = vector.load %arg1[%get3A, %get3A_0] : memref<2000x128xf32, #tpu.memory_space<vmem>>, vector<2000x128xf32>
    %get3A_2 = arith.constant 0 : index
    %get3A_3 = arith.constant 0 : index
    %get3A_4 = vector.load %arg2[%get3A_2, %get3A_3] : memref<128x256xf32, #tpu.memory_space<vmem>>, vector<128x256xf32>
    %dot_general3A = arith.constant dense<0.000000e+00> : vector<2000x256xf32>
    %dot_general3A_5 = tpu.matmul %get3A_1, %get3A_4, %dot_general3A {dimension_numbers = #tpu.dot_dimension_numbers<[1], [0], [0], [1], [0, 0, 1, 1], [], []>, transpose_lhs_hint = false} : vector<2000x128xf32>, vector<128x256xf32>, vector<2000x256xf32> -> vector<2000x256xf32>
    %slice3A = vector.extract_strided_slice %dot_general3A_5 {offsets = [0, 0], sizes = [2000, 128], strides = [1, 1]} : vector<2000x256xf32> to vector<2000x128xf32>
    %swap3A = arith.constant 0 : index
    %swap3A_6 = arith.constant 0 : index
    %swap3A_7 = vector.load %arg3[%swap3A, %swap3A_6] : memref<2000x128xf32, #tpu.memory_space<vmem>>, vector<2000x128xf32>
    tpu.vector_store %arg3[%swap3A, %swap3A_6], %slice3A {strides = array<i32>} : memref<2000x128xf32, #tpu.memory_space<vmem>>, vector<2000x128xf32>,
    %slice3A_8 = vector.extract_strided_slice %dot_general3A_5 {offsets = [0, 128], sizes = [2000, 128], strides = [1, 1]} : vector<2000x256xf32> to vector<2000x128xf32>
    %swap3A_9 = arith.constant 0 : index
    %swap3A_10 = arith.constant 0 : index
    %swap3A_11 = vector.load %arg4[%swap3A_9, %swap3A_10] : memref<2000x128xf32, #tpu.memory_space<vmem>>, vector<2000x128xf32>
    tpu.vector_store %arg4[%swap3A_9, %swap3A_10], %slice3A_8 {strides = array<i32>} : memref<2000x128xf32, #tpu.memory_space<vmem>>, vector<2000x128xf32>,
    return
  }
  func.func @transform_0(%arg0: i32) -> (i32, i32) {
    %c0_i32 = arith.constant 0 : i32
    %c0_i32_0 = arith.constant 0 : i32
    return %arg0, %c0_i32 : i32, i32
  }
  func.func @transform_1(%arg0: i32) -> (i32, i32) {
    %c0_i32 = arith.constant 0 : i32
    %c0_i32_0 = arith.constant 0 : i32
    %c0_i32_1 = arith.constant 0 : i32
    return %c0_i32, %c0_i32_0 : i32, i32
  }
  func.func @transform_2(%arg0: i32) -> (i32, i32) {
    %c0_i32 = arith.constant 0 : i32
    %c0_i32_0 = arith.constant 0 : i32
    return %arg0, %c0_i32 : i32, i32
  }
  func.func @transform_3(%arg0: i32) -> (i32, i32) {
    %c0_i32 = arith.constant 0 : i32
    %c0_i32_0 = arith.constant 0 : i32
    return %arg0, %c0_i32 : i32, i32
  }
}

module attributes {stable_mosaic.version = 14 : i64} {
  func.func @_tc_edges_body(%arg0: memref<2x320000xi32, #tpu.memory_space<vmem>>, %arg1: memref<320000xi32, #tpu.memory_space<vmem>>, %arg2: memref<320000xi32, #tpu.memory_space<vmem>>, %arg3: memref<320000xi32, #tpu.memory_space<vmem>>) attributes {dimension_semantics = [], scalar_prefetch = 0 : i64, scratch_operands = 0 : i64, tpu.core_type = #tpu.core_type<tc>} {
    %get3A = arith.constant 0 : index
    %get3A_0 = arith.constant 0 : index
    %get3A_1 = vector.load %arg0[%get3A, %get3A_0] : memref<2x320000xi32, #tpu.memory_space<vmem>>, vector<1x320000xi32>
    %get3A_2 = vector.shape_cast %get3A_1 : vector<1x320000xi32> to vector<320000xi32>
    %mul3A = arith.constant 2 : i32
    %mul3A_3 = vector.broadcast %mul3A : i32 to vector<320000xi32>
    %mul3A_4 = arith.muli %get3A_2, %mul3A_3 : vector<320000xi32>
    %swap3A = arith.constant 0 : index
    %swap3A_5 = vector.load %arg1[%swap3A] : memref<320000xi32, #tpu.memory_space<vmem>>, vector<320000xi32>
    tpu.vector_store %arg1[%swap3A], %mul3A_4 {strides = array<i32>} : memref<320000xi32, #tpu.memory_space<vmem>>, vector<320000xi32>,
    %get3A_6 = arith.constant 0 : index
    %get3A_7 = arith.constant 0 : index
    %get3A_8 = vector.load %arg0[%get3A_6, %get3A_7] : memref<2x320000xi32, #tpu.memory_space<vmem>>, vector<1x320000xi32>
    %get3A_9 = vector.shape_cast %get3A_8 : vector<1x320000xi32> to vector<320000xi32>
    %mul3A_10 = arith.constant 2 : i32
    %mul3A_11 = vector.broadcast %mul3A_10 : i32 to vector<320000xi32>
    %mul3A_12 = arith.muli %get3A_9, %mul3A_11 : vector<320000xi32>
    %add3A = arith.constant 1 : i32
    %add3A_13 = vector.broadcast %add3A : i32 to vector<320000xi32>
    %add3A_14 = arith.addi %mul3A_12, %add3A_13 : vector<320000xi32>
    %swap3A_15 = arith.constant 0 : index
    %swap3A_16 = vector.load %arg2[%swap3A_15] : memref<320000xi32, #tpu.memory_space<vmem>>, vector<320000xi32>
    tpu.vector_store %arg2[%swap3A_15], %add3A_14 {strides = array<i32>} : memref<320000xi32, #tpu.memory_space<vmem>>, vector<320000xi32>,
    %get3A_17 = arith.constant 1 : index
    %get3A_18 = arith.constant 0 : index
    %get3A_19 = vector.load %arg0[%get3A_17, %get3A_18] : memref<2x320000xi32, #tpu.memory_space<vmem>>, vector<1x320000xi32>
    %get3A_20 = vector.shape_cast %get3A_19 : vector<1x320000xi32> to vector<320000xi32>
    %swap3A_21 = arith.constant 0 : index
    %swap3A_22 = vector.load %arg3[%swap3A_21] : memref<320000xi32, #tpu.memory_space<vmem>>, vector<320000xi32>
    tpu.vector_store %arg3[%swap3A_21], %get3A_20 {strides = array<i32>} : memref<320000xi32, #tpu.memory_space<vmem>>, vector<320000xi32>,
    return
  }
}

module attributes {stable_mosaic.version = 14 : i64} {
  func.func @_tc_stage_b_body(%arg0: i32, %arg1: memref<2000x128xf32, #tpu.memory_space<vmem>>, %arg2: memref<1x2x2000xf32, #tpu.memory_space<vmem>>, %arg3: memref<2000x128xf32, #tpu.memory_space<vmem>>, %arg4: memref<1x128xf32, #tpu.memory_space<vmem>>, %arg5: memref<128x256xf32, #tpu.memory_space<vmem>>, %arg6: memref<2000x128xf32, #tpu.memory_space<vmem>>, %arg7: memref<2000x128xf32, #tpu.memory_space<vmem>>) attributes {dimension_semantics = [#tpu.dimension_semantics<arbitrary>], iteration_bounds = array<i64: 5>, scalar_prefetch = 0 : i64, scratch_operands = 0 : i64, tpu.core_type = #tpu.core_type<tc>, window_params = [{transform_indices = @transform_0, window_bounds = array<i64: 2000, 128>}, {transform_indices = @transform_1, window_bounds = array<i64: 1, 2, 2000>}, {transform_indices = @transform_2, window_bounds = array<i64: 2000, 128>}, {pipeline_mode = #tpu.pipeline_mode<synchronous>, transform_indices = @transform_3, window_bounds = array<i64: 1, 128>}, {pipeline_mode = #tpu.pipeline_mode<synchronous>, transform_indices = @transform_4, window_bounds = array<i64: 128, 256>}, {transform_indices = @transform_5, window_bounds = array<i64: 2000, 128>}, {transform_indices = @transform_6, window_bounds = array<i64: 2000, 128>}]} {
    %get3A = arith.constant 0 : index
    %get3A_0 = arith.constant 0 : index
    %get3A_1 = vector.load %arg1[%get3A, %get3A_0] : memref<2000x128xf32, #tpu.memory_space<vmem>>, vector<2000x128xf32>
    %get3A_2 = arith.constant 0 : index
    %get3A_3 = arith.constant 0 : index
    %get3A_4 = arith.constant 0 : index
    %get3A_5 = vector.load %arg2[%get3A_2, %get3A_3, %get3A_4] : memref<1x2x2000xf32, #tpu.memory_space<vmem>>, vector<1x1x2000xf32>
    %get3A_6 = vector.shape_cast %get3A_5 : vector<1x1x2000xf32> to vector<2000xf32>
    %get3A_7 = arith.constant 0 : index
    %get3A_8 = arith.constant 1 : index
    %get3A_9 = arith.constant 0 : index
    %get3A_10 = vector.load %arg2[%get3A_7, %get3A_8, %get3A_9] : memref<1x2x2000xf32, #tpu.memory_space<vmem>>, vector<1x1x2000xf32>
    %get3A_11 = vector.shape_cast %get3A_10 : vector<1x1x2000xf32> to vector<2000xf32>
    %add3A = arith.addf %get3A_6, %get3A_11 : vector<2000xf32>
    %max3A = arith.constant 1.000000e+00 : f32
    %max3A_12 = vector.broadcast %max3A : f32 to vector<2000xf32>
    %max3A_13 = arith.maximumf %add3A, %max3A_12 : vector<2000xf32>
    %broadcast_in_dim3A = vector.shape_cast %max3A_13 : vector<2000xf32> to vector<2000x1xf32>
    %div3A = vector.broadcast %broadcast_in_dim3A : vector<2000x1xf32> to vector<2000x128xf32>
    %div3A_14 = arith.divf %get3A_1, %div3A : vector<2000x128xf32>
    %get3A_15 = arith.constant 0 : index
    %get3A_16 = arith.constant 0 : index
    %get3A_17 = vector.load %arg3[%get3A_15, %get3A_16] : memref<2000x128xf32, #tpu.memory_space<vmem>>, vector<2000x128xf32>
    %add3A_18 = arith.addf %div3A_14, %get3A_17 : vector<2000x128xf32>
    %get3A_19 = arith.constant 0 : index
    %get3A_20 = arith.constant 0 : index
    %get3A_21 = vector.load %arg4[%get3A_19, %get3A_20] : memref<1x128xf32, #tpu.memory_space<vmem>>, vector<1x128xf32>
    %add3A_22 = vector.broadcast %get3A_21 : vector<1x128xf32> to vector<2000x128xf32>
    %add3A_23 = arith.addf %add3A_18, %add3A_22 : vector<2000x128xf32>
    %max3A_24 = arith.constant 0.000000e+00 : f32
    %max3A_25 = vector.broadcast %max3A_24 : f32 to vector<2000x128xf32>
    %max3A_26 = arith.maximumf %add3A_23, %max3A_25 : vector<2000x128xf32>
    %get3A_27 = arith.constant 0 : index
    %get3A_28 = arith.constant 0 : index
    %get3A_29 = vector.load %arg5[%get3A_27, %get3A_28] : memref<128x256xf32, #tpu.memory_space<vmem>>, vector<128x256xf32>
    %dot_general3A = arith.constant dense<0.000000e+00> : vector<2000x256xf32>
    %dot_general3A_30 = tpu.matmul %max3A_26, %get3A_29, %dot_general3A {dimension_numbers = #tpu.dot_dimension_numbers<[1], [0], [0], [1], [0, 0, 1, 1], [], []>, transpose_lhs_hint = false} : vector<2000x128xf32>, vector<128x256xf32>, vector<2000x256xf32> -> vector<2000x256xf32>
    %slice3A = vector.extract_strided_slice %dot_general3A_30 {offsets = [0, 0], sizes = [2000, 128], strides = [1, 1]} : vector<2000x256xf32> to vector<2000x128xf32>
    %swap3A = arith.constant 0 : index
    %swap3A_31 = arith.constant 0 : index
    %swap3A_32 = vector.load %arg6[%swap3A, %swap3A_31] : memref<2000x128xf32, #tpu.memory_space<vmem>>, vector<2000x128xf32>
    tpu.vector_store %arg6[%swap3A, %swap3A_31], %slice3A {strides = array<i32>} : memref<2000x128xf32, #tpu.memory_space<vmem>>, vector<2000x128xf32>,
    %slice3A_33 = vector.extract_strided_slice %dot_general3A_30 {offsets = [0, 128], sizes = [2000, 128], strides = [1, 1]} : vector<2000x256xf32> to vector<2000x128xf32>
    %swap3A_34 = arith.constant 0 : index
    %swap3A_35 = arith.constant 0 : index
    %swap3A_36 = vector.load %arg7[%swap3A_34, %swap3A_35] : memref<2000x128xf32, #tpu.memory_space<vmem>>, vector<2000x128xf32>
    tpu.vector_store %arg7[%swap3A_34, %swap3A_35], %slice3A_33 {strides = array<i32>} : memref<2000x128xf32, #tpu.memory_space<vmem>>, vector<2000x128xf32>,
    return
  }
  func.func @transform_0(%arg0: i32) -> (i32, i32) {
    %c0_i32 = arith.constant 0 : i32
    %c0_i32_0 = arith.constant 0 : i32
    return %arg0, %c0_i32 : i32, i32
  }
  func.func @transform_1(%arg0: i32) -> (i32, i32, i32) {
    %c0_i32 = arith.constant 0 : i32
    %c0_i32_0 = arith.constant 0 : i32
    %c0_i32_1 = arith.constant 0 : i32
    return %arg0, %c0_i32, %c0_i32_0 : i32, i32, i32
  }
  func.func @transform_2(%arg0: i32) -> (i32, i32) {
    %c0_i32 = arith.constant 0 : i32
    %c0_i32_0 = arith.constant 0 : i32
    return %arg0, %c0_i32 : i32, i32
  }
  func.func @transform_3(%arg0: i32) -> (i32, i32) {
    %c0_i32 = arith.constant 0 : i32
    %c0_i32_0 = arith.constant 0 : i32
    %c0_i32_1 = arith.constant 0 : i32
    return %c0_i32, %c0_i32_0 : i32, i32
  }
  func.func @transform_4(%arg0: i32) -> (i32, i32) {
    %c0_i32 = arith.constant 0 : i32
    %c0_i32_0 = arith.constant 0 : i32
    %c0_i32_1 = arith.constant 0 : i32
    return %c0_i32, %c0_i32_0 : i32, i32
  }
  func.func @transform_5(%arg0: i32) -> (i32, i32) {
    %c0_i32 = arith.constant 0 : i32
    %c0_i32_0 = arith.constant 0 : i32
    return %arg0, %c0_i32 : i32, i32
  }
  func.func @transform_6(%arg0: i32) -> (i32, i32) {
    %c0_i32 = arith.constant 0 : i32
    %c0_i32_0 = arith.constant 0 : i32
    return %arg0, %c0_i32 : i32, i32
  }
}

module attributes {stable_mosaic.version = 14 : i64} {
  func.func @_tc_stage_c_body(%arg0: i32, %arg1: memref<2000x128xf32, #tpu.memory_space<vmem>>, %arg2: memref<1x2x2000xf32, #tpu.memory_space<vmem>>, %arg3: memref<2000x128xf32, #tpu.memory_space<vmem>>, %arg4: memref<1x128xf32, #tpu.memory_space<vmem>>, %arg5: memref<128x128xf32, #tpu.memory_space<vmem>>, %arg6: memref<1x128xf32, #tpu.memory_space<vmem>>, %arg7: memref<2000x128xf32, #tpu.memory_space<vmem>>, %arg8: memref<2000x128xf32, #tpu.memory_space<vmem>>) attributes {dimension_semantics = [#tpu.dimension_semantics<arbitrary>], iteration_bounds = array<i64: 5>, scalar_prefetch = 0 : i64, scratch_operands = 0 : i64, tpu.core_type = #tpu.core_type<tc>, window_params = [{transform_indices = @transform_0, window_bounds = array<i64: 2000, 128>}, {transform_indices = @transform_1, window_bounds = array<i64: 1, 2, 2000>}, {transform_indices = @transform_2, window_bounds = array<i64: 2000, 128>}, {pipeline_mode = #tpu.pipeline_mode<synchronous>, transform_indices = @transform_3, window_bounds = array<i64: 1, 128>}, {pipeline_mode = #tpu.pipeline_mode<synchronous>, transform_indices = @transform_4, window_bounds = array<i64: 128, 128>}, {pipeline_mode = #tpu.pipeline_mode<synchronous>, transform_indices = @transform_5, window_bounds = array<i64: 1, 128>}, {transform_indices = @transform_6, window_bounds = array<i64: 2000, 128>}, {transform_indices = @transform_7, window_bounds = array<i64: 2000, 128>}]} {
    %get3A = arith.constant 0 : index
    %get3A_0 = arith.constant 0 : index
    %get3A_1 = vector.load %arg1[%get3A, %get3A_0] : memref<2000x128xf32, #tpu.memory_space<vmem>>, vector<2000x128xf32>
    %get3A_2 = arith.constant 0 : index
    %get3A_3 = arith.constant 0 : index
    %get3A_4 = arith.constant 0 : index
    %get3A_5 = vector.load %arg2[%get3A_2, %get3A_3, %get3A_4] : memref<1x2x2000xf32, #tpu.memory_space<vmem>>, vector<1x1x2000xf32>
    %get3A_6 = vector.shape_cast %get3A_5 : vector<1x1x2000xf32> to vector<2000xf32>
    %get3A_7 = arith.constant 0 : index
    %get3A_8 = arith.constant 1 : index
    %get3A_9 = arith.constant 0 : index
    %get3A_10 = vector.load %arg2[%get3A_7, %get3A_8, %get3A_9] : memref<1x2x2000xf32, #tpu.memory_space<vmem>>, vector<1x1x2000xf32>
    %get3A_11 = vector.shape_cast %get3A_10 : vector<1x1x2000xf32> to vector<2000xf32>
    %add3A = arith.addf %get3A_6, %get3A_11 : vector<2000xf32>
    %max3A = arith.constant 1.000000e+00 : f32
    %max3A_12 = vector.broadcast %max3A : f32 to vector<2000xf32>
    %max3A_13 = arith.maximumf %add3A, %max3A_12 : vector<2000xf32>
    %broadcast_in_dim3A = vector.shape_cast %max3A_13 : vector<2000xf32> to vector<2000x1xf32>
    %div3A = vector.broadcast %broadcast_in_dim3A : vector<2000x1xf32> to vector<2000x128xf32>
    %div3A_14 = arith.divf %get3A_1, %div3A : vector<2000x128xf32>
    %get3A_15 = arith.constant 0 : index
    %get3A_16 = arith.constant 0 : index
    %get3A_17 = vector.load %arg3[%get3A_15, %get3A_16] : memref<2000x128xf32, #tpu.memory_space<vmem>>, vector<2000x128xf32>
    %add3A_18 = arith.addf %div3A_14, %get3A_17 : vector<2000x128xf32>
    %get3A_19 = arith.constant 0 : index
    %get3A_20 = arith.constant 0 : index
    %get3A_21 = vector.load %arg4[%get3A_19, %get3A_20] : memref<1x128xf32, #tpu.memory_space<vmem>>, vector<1x128xf32>
    %add3A_22 = vector.broadcast %get3A_21 : vector<1x128xf32> to vector<2000x128xf32>
    %add3A_23 = arith.addf %add3A_18, %add3A_22 : vector<2000x128xf32>
    %swap3A = arith.constant 0 : index
    %swap3A_24 = arith.constant 0 : index
    %swap3A_25 = vector.load %arg7[%swap3A, %swap3A_24] : memref<2000x128xf32, #tpu.memory_space<vmem>>, vector<2000x128xf32>
    tpu.vector_store %arg7[%swap3A, %swap3A_24], %add3A_23 {strides = array<i32>} : memref<2000x128xf32, #tpu.memory_space<vmem>>, vector<2000x128xf32>,
    %get3A_26 = arith.constant 0 : index
    %get3A_27 = arith.constant 0 : index
    %get3A_28 = vector.load %arg5[%get3A_26, %get3A_27] : memref<128x128xf32, #tpu.memory_space<vmem>>, vector<128x128xf32>
    %dot_general3A = arith.constant dense<0.000000e+00> : vector<2000x128xf32>
    %dot_general3A_29 = tpu.matmul %add3A_23, %get3A_28, %dot_general3A {dimension_numbers = #tpu.dot_dimension_numbers<[1], [0], [0], [1], [0, 0, 1, 1], [], []>, transpose_lhs_hint = false} : vector<2000x128xf32>, vector<128x128xf32>, vector<2000x128xf32> -> vector<2000x128xf32>
    %get3A_30 = arith.constant 0 : index
    %get3A_31 = arith.constant 0 : index
    %get3A_32 = vector.load %arg6[%get3A_30, %get3A_31] : memref<1x128xf32, #tpu.memory_space<vmem>>, vector<1x128xf32>
    %add3A_33 = vector.broadcast %get3A_32 : vector<1x128xf32> to vector<2000x128xf32>
    %add3A_34 = arith.addf %dot_general3A_29, %add3A_33 : vector<2000x128xf32>
    %swap3A_35 = arith.constant 0 : index
    %swap3A_36 = arith.constant 0 : index
    %swap3A_37 = vector.load %arg8[%swap3A_35, %swap3A_36] : memref<2000x128xf32, #tpu.memory_space<vmem>>, vector<2000x128xf32>
    tpu.vector_store %arg8[%swap3A_35, %swap3A_36], %add3A_34 {strides = array<i32>} : memref<2000x128xf32, #tpu.memory_space<vmem>>, vector<2000x128xf32>,
    return
  }
  func.func @transform_0(%arg0: i32) -> (i32, i32) {
    %c0_i32 = arith.constant 0 : i32
    %c0_i32_0 = arith.constant 0 : i32
    return %arg0, %c0_i32 : i32, i32
  }
  func.func @transform_1(%arg0: i32) -> (i32, i32, i32) {
    %c0_i32 = arith.constant 0 : i32
    %c0_i32_0 = arith.constant 0 : i32
    %c0_i32_1 = arith.constant 0 : i32
    return %arg0, %c0_i32, %c0_i32_0 : i32, i32, i32
  }
  func.func @transform_2(%arg0: i32) -> (i32, i32) {
    %c0_i32 = arith.constant 0 : i32
    %c0_i32_0 = arith.constant 0 : i32
    return %arg0, %c0_i32 : i32, i32
  }
  func.func @transform_3(%arg0: i32) -> (i32, i32) {
    %c0_i32 = arith.constant 0 : i32
    %c0_i32_0 = arith.constant 0 : i32
    %c0_i32_1 = arith.constant 0 : i32
    return %c0_i32, %c0_i32_0 : i32, i32
  }
  func.func @transform_4(%arg0: i32) -> (i32, i32) {
    %c0_i32 = arith.constant 0 : i32
    %c0_i32_0 = arith.constant 0 : i32
    %c0_i32_1 = arith.constant 0 : i32
    return %c0_i32, %c0_i32_0 : i32, i32
  }
  func.func @transform_5(%arg0: i32) -> (i32, i32) {
    %c0_i32 = arith.constant 0 : i32
    %c0_i32_0 = arith.constant 0 : i32
    %c0_i32_1 = arith.constant 0 : i32
    return %c0_i32, %c0_i32_0 : i32, i32
  }
  func.func @transform_6(%arg0: i32) -> (i32, i32) {
    %c0_i32 = arith.constant 0 : i32
    %c0_i32_0 = arith.constant 0 : i32
    return %arg0, %c0_i32 : i32, i32
  }
  func.func @transform_7(%arg0: i32) -> (i32, i32) {
    %c0_i32 = arith.constant 0 : i32
    %c0_i32_0 = arith.constant 0 : i32
    return %arg0, %c0_i32 : i32, i32
  }
}

</mosaic_0001>

<sc_bundles>
// kernel: kernel.11.cloned.1.call-start
scs
__scs_entry_jumppad:
0x0: {  	(pc) =	sbr.rel $0x88, $3  }
0x1: {  	(tag) =	ssettag $0x0;
	lr =	simm.s32 $0x1  }
0x2: {  	[smem:$0x3F97] =	sst lr;
	_ =	strace $0xD0000000  }
0x3: {  	_ = 	snop  }
0x4: {  	_ = 	snop  }
0x5: {  	_ = 	snop  }
0x6: {  	_ = 	snop  }
0x7: {  	_ = 	snop  }
__scs_overlays_trampoline_lowered:
0x8: {  	[smem:$0x3FA6] =	sst s0  }
0x9: {  	[smem:$0x3FA7] =	sst s1  }
0xa: {  	[smem:$0x3FA8] =	sst s2  }
0xb: {  	[smem:$0x3FA9] =	sst s3  }
0xc: {  	[smem:$0x3FAA] =	sst s4  }
0xd: {  	[smem:$0x3FAB] =	sst s5  }
0xe: {  	[smem:$0x3FAC] =	sst s6  }
0xf: {  	[smem:$0x3FAD] =	sst s7  }
0x10: {  	[smem:$0x3FAE] =	sst s8  }
0x11: {  	[smem:$0x3FAF] =	sst s9;
	s0 =	simm.s32 @!p0 $0x0  }
0x12: {  	s1 =	sld [smem:$0x3F95];
	s0 =	simm.s32 @p0 $0x1  }
0x13: {  	[smem:$0x3FB0] =	sst s0;
	s0 =	simm.s32 @!p1 $0x0  }
0x14: {  	s2 =	sld [smem:$0x3F94];
	s0 =	simm.s32 @p1 $0x1  }
0x15: {  	[smem:$0x3FB1] =	sst s0;
	s0 =	simm.s32 @!p2 $0x0  }
0x16: {  	s3 =	sld [smem:$0x3FDB];
	s0 =	simm.s32 @p2 $0x1  }
0x17: {  	s4 =	simm.s32 $0x1BF5;
	[smem:$0x3FB3] =	sst s0  }
0x18: {  	s0 =	sld [smem:$0x3F96];
	_ =	swait.ge [sflag:s4], $0x0  }
0x19: {  	s7 =	sld [smem:$0x3F97]  }
0x1a: {  	s8 =	sadd.s32 $0xFFFFE003, lr  }
0x1b: {  	s9 =	sadd.s32 $0xFFFFFEF7, lr;
	s5 =	simm.s32 $0xFFFFFFFF;
	p2 =	slt.u32 s8, $0xFFFFF086  }
0x1c: {  	p1 =	slt.u32 s9, $0xF7A;
	s5 =	simm.s32 @!p2 $0x0  }
0x1d: {  	s5 =	simm.s32 @p1 $0x1;
	p0 =	seq.s32 s7, s2  }
0x1e: {  	s7 =	smul.u32 @!p0 $0xF7A, s2;
	p2 =	seq.s32 @!p0 s5, $0x0  }
0x1f: {  	s9 =	smul.u32 $0xF7A, s1;
	s8 =	simm.s32 @!p0 $0x1BF5;
	p2 =	por !p2, p0  }
0x20: {  	[sflag:s8] =	ssyncset.s32 @!p0 $0xFFFFF086;
	s6 =	sadd.s32 @!p0 s3, s7;
	s7 =	simm.s32 @!p0 $0x108  }
0x21: {  	s3 =	sadd.s32 s3, s9;
	s6 =	sadd.s32 @!p0 $0x88, s6;
	s7 =	simm.s32 @p2 $0x1082  }
0x22: {  	[simem:s7], [sflag:s8] =	dma.local @!p0 [hbm:s6], $0xF7A  }
0x23: {  	s9 =	sor.u32 $0xD0000000, s2;
	s6 =	simm.s32 $0x108;
	_ =	swait.ge @!p0 [sflag:s8], $0x0  }
0x24: {  	s3 =	sadd.s32 $0x88, s3;
	s6 =	simm.s32 @!p1 $0x1082;
	[sflag:s4] =	ssyncset.s32 $0xFFFFF086  }
0x25: {  	[simem:s6], [sflag:s4] =	dma.local [hbm:s3], $0xF7A  }
0x26: {  	[smem:$0x3F97] =	sst s1;
	(tag) =	ssettag s2;
	_ =	strace s9  }
0x27: {  	s1 =	sld [smem:$0x3FA7]  }
0x28: {  	s2 =	sld [smem:$0x3FA8]  }
0x29: {  	s4 =	sld [smem:$0x3FAA]  }
0x2a: {  	p0 =	seq.s32 s5, $0x0;
	s5 =	sld [smem:$0x3FAB]  }
0x2b: {  	s6 =	sld [smem:$0x3FAC]  }
0x2c: {  	s7 =	sld [smem:$0x3FAD]  }
0x2d: {  	s3 =	simm.s32 $0x108;
	s8 =	sld [smem:$0x3FAE]  }
0x2e: {  	s3 =	simm.s32 @!p0 $0x1082;
	s9 =	sld [smem:$0x3FAF]  }
0x2f: {  	lr =	sadd.s32 s0, s3;
	s0 =	sld [smem:$0x3FA6]  }
0x30: {  	s3 =	sld [smem:$0x3FA9]  }
0x31: {  	[smem:$0x3FB2] =	sst s10  }
0x32: {  	s10 =	sld [smem:$0x3FB0];
	_ =	sdelay $0x3  }
0x33: {  	p0 =	seq.s32 s10, $0x1;
	s10 =	sld [smem:$0x3FB2];
	_ =	sdelay $0x3  }
0x34: {  	[smem:$0x3FB2] =	sst s10  }
0x35: {  	s10 =	sld [smem:$0x3FB1];
	_ =	sdelay $0x3  }
0x36: {  	p1 =	seq.s32 s10, $0x1;
	s10 =	sld [smem:$0x3FB2];
	_ =	sdelay $0x3  }
0x37: {  	[smem:$0x3FB2] =	sst s10  }
0x38: {  	s10 =	sld [smem:$0x3FB3]  }
0x39: {  	_ = 	snop;
	(pc) =	sbr.ind lr, $3  }
0x3a: {  	_ = 	snop  }
0x3b: {  	_ = 	snop  }
0x3c: {  	p2 =	seq.s32 s10, $0x1;
	s10 =	sld [smem:$0x3FB2]  }
0x3d: {  	_ =	shalt  }
0x3e: {  	_ =	shalt  }
0x3f: {  	_ =	shalt  }
0x40: {  	_ =	shalt  }
0x41: {  	_ =	shalt  }
0x42: {  	_ =	shalt  }
0x43: {  	_ =	shalt  }
0x44: {  	_ =	shalt  }
0x45: {  	_ =	shalt  }
0x46: {  	_ =	shalt  }
0x47: {  	_ =	shalt  }
0x48: {  	_ =	shalt  }
0x49: {  	_ =	shalt  }
0x4a: {  	_ =	shalt  }
0x4b: {  	_ =	shalt  }
0x4c: {  	_ =	shalt  }
0x4d: {  	_ =	shalt  }
0x4e: {  	_ =	shalt  }
0x4f: {  	_ =	shalt  }
0x50: {  	_ =	shalt  }
0x51: {  	_ =	shalt  }
0x52: {  	_ =	shalt  }
0x53: {  	_ =	shalt  }
0x54: {  	_ =	shalt  }
0x55: {  	_ =	shalt  }
0x56: {  	_ =	shalt  }
0x57: {  	_ =	shalt  }
0x58: {  	_ =	shalt  }
0x59: {  	_ =	shalt  }
0x5a: {  	_ =	shalt  }
0x5b: {  	_ =	shalt  }
0x5c: {  	_ =	shalt  }
0x5d: {  	_ =	shalt  }
0x5e: {  	_ =	shalt  }
0x5f: {  	_ =	shalt  }
0x60: {  	_ =	shalt  }
0x61: {  	_ =	shalt  }
0x62: {  	_ =	shalt  }
0x63: {  	_ =	shalt  }
0x64: {  	_ =	shalt  }
0x65: {  	_ =	shalt  }
0x66: {  	_ =	shalt  }
0x67: {  	_ =	shalt  }
0x68: {  	_ =	shalt  }
0x69: {  	_ =	shalt  }
0x6a: {  	_ =	shalt  }
0x6b: {  	_ =	shalt  }
0x6c: {  	_ =	shalt  }
0x6d: {  	_ =	shalt  }
0x6e: {  	_ =	shalt  }
0x6f: {  	_ =	shalt  }
0x70: {  	_ =	shalt  }
0x71: {  	_ =	shalt  }
0x72: {  	_ =	shalt  }
0x73: {  	_ =	shalt  }
0x74: {  	_ =	shalt  }
0x75: {  	_ =	shalt  }
0x76: {  	_ =	shalt  }
0x77: {  	_ =	shalt  }
0x78: {  	_ =	shalt  }
0x79: {  	_ =	shalt  }
0x7a: {  	_ =	shalt  }
0x7b: {  	_ =	shalt  }
0x7c: {  	_ =	shalt  }
0x7d: {  	_ =	shalt  }
0x7e: {  	_ =	shalt  }
0x7f: {  	_ =	shalt  }
0x80: {  	_ =	shalt  }
0x81: {  	_ =	shalt  }
0x82: {  	_ =	shalt  }
0x83: {  	_ =	shalt  }
0x84: {  	_ =	shalt  }
0x85: {  	_ =	shalt  }
0x86: {  	_ =	shalt  }
0x87: {  	_ =	shalt  }
.Lfunc_end0:
.L_simem_size_0:
called_computation.1_lowered:
.L_overlay_start_0:
0x88: {  	s2 =	sld [smem:$0x3FD9]  }
0x89: {  	s3 =	sld [smem:$0x3FFE];
	_ =	sdelay $0x1  }
0x8a: {  	s1 =	srdreg.scid  }
0x8b: {  	s0 =	sand.u32 $0x1, s1  }
0x8c: {  	s14 =	sshll.u32 s0, $0xA;
	s2 =	sadd.s32 s3, s2  }
0x8d: {  	s2 =	sadd.s32 s2, s14  }
0x8e: {  	[smem:$0x3FBE] =	sst s2  }
0x8f: {  	_ = 	snop  }
0x90: {  	s2 =	sld [smem:$0x3FD0];
	_ =	sdelay $0x2  }
0x91: {  	s15 =	simm.s32 $0xA;
	s4 =	simm.s32 $0x10  }
0x92: {  	[smem:s4], [sflag:s15] =	dma.local [hbm:s2], $0x1  }
0x93: {  	_ =	swait.eq [sflag:s15], $0x1  }
0x94: {  	[sflag:s15] =	ssyncset.done $0x0  }
0x95: {  	s16 =	sld [smem:$0x10];
	[sflag:s15] =	ssyncadd.s32 $0xFFFFFFFF  }
0x96: {  	s17 =	sld [smem:$0x11];
	(tm) =	ssettm $0x1  }
0x97: {  	s18 =	sld [smem:$0x3FFB];
	_ =	sdelay $0x3  }
0x98: {  	_ =	strace s18  }
0x99: {  	s4 =	sld [smem:$0x3FFC];
	_ =	sdelay $0x3  }
0x9a: {  	_ =	strace s4  }
0x9b: {  	s4 =	sld [smem:$0x3FFD];
	_ =	sdelay $0x3  }
0x9c: {  	_ =	strace s4  }
0x9d: {  	_ =	strace $0x8FFFFFFF  }
0x9e: {  	s19 =	sld [smem:$0x3FDB];
	_ =	sdelay $0x1  }
0x9f: {  	s5 =	simm.s32 $_scs_section_size  }
0xa0: {  	s6 =	simm.s32 $_size__tile_overlayer_lowered;
	s7 =	simm.s32 $_tile_overlayer_lowered  }
0xa1: {  	s22 =	simm.s32 $0x1BFF;
	s21 =	sshll.u32 s7, $0x1;
	s4 =	sadd.s32 s5, s19  }
0xa2: {  	s8 =	simm.s32 $0x0;
	s20 =	sshll.u32 s6, $0x1;
	s6 =	sadd.s32 s21, s4  }
0xa3: {  	[timem:s8], [sflag:s22] =	dma.local [hbm:s6], s20  }
0xa4: {  	_ =	swait.ge [sflag:s22], s20  }
0xa5: {  	s5 =	ssub.s32 $0x0, s20;
	[sflag:s22] =	ssyncset.done $0x0  }
0xa6: {  	[sflag:s22] =	ssyncadd.s32 s5;
	_ =	sdelay $0x1  }
0xa7: {  	s23 =	simm.s32 $0x1B8B  }
0xa8: {  	_ =	swait.ge [sflag:s23], $0x1  }
0xa9: {  	[sflag:s23] =	ssyncset.done $0x0  }
0xaa: {  	s25 =	simm.s32 $0x1B8E;
	s24 =	sld [smem:$0x3FFE];
	[sflag:s23] =	ssyncadd.s32 $0xFFFFFFFF  }
0xab: {  	s26 =	simm.s32 $execute0_lowered;
	[smem:$0x3FD2] =	sst s25  }
0xac: {  	s6 =	sshll.u32 s26, $0x1;
	_ =	strace $0x80000049;
	[dreg:$0x1] =	wrdreg $0xFFFFFFFF  }
0xad: {  	s28 =	simm.s32 $_size_execute0_lowered;
	s4 =	sadd.s32 s4, s6;
	[dreg:$0x0] =	wrdreg $0x0  }
0xae: {  	s6 =	sshll.u32 s28, $0x1;
	[dreg:$0x2] =	wrdreg s4  }
0xaf: {  	[dreg:$0x3] =	wrdreg s6  }
0xb0: {  	[dreg:$0x4] =	wrdreg $0xC0  }
0xb1: {  	_ =	task [dreg:s8], $0x5FFFF  }
0xb2: {  	[dreg:$0x1] =	wrdreg $0xFFFFFFFF  }
0xb3: {  	[dreg:$0x0] =	wrdreg $0x60  }
0xb4: {  	[dreg:$0x2] =	wrdreg s17  }
0xb5: {  	[dreg:$0x3] =	wrdreg s24  }
0xb6: {  	[dreg:$0x4] =	wrdreg s16  }
0xb7: {  	[dreg:$0x5] =	wrdreg $0xEC400  }
0xb8: {  	[dreg:$0x6] =	wrdreg $0x9  }
0xb9: {  	_ =	task.clear_ibuf [dreg:s8], $0x7FFFF;
	_ =	strace $0x90000049  }
0xba: {  	s29 =	simm.s32 $0x9;
	_ =	strace $0x8000004B  }
0xbb: {  	_ =	swait.ge [sflag:s29], $0x1  }
0xbc: {  	[sflag:s29] =	ssyncadd.s32 $0xFFFFFFFF  }
0xbd: {  	_ =	strace $0x9000004B  }
0xbe: {  	_ =	sfence  }
0xbf: {  	s30 =	sld [smem:$0x0];
	_ =	sdelay $0x2  }
0xc0: {  	s31 =	sshll.u32 s1, $0xD;
	s1 =	sshrl.u32 s1, $0x2  }
0xc1: {  	s3 =	sand.u32 $0x4000, s31;
	s1 =	sadd.s32 s1, s30  }
0xc2: {  	s0 =	sor.u32 s3, s0;
	s1 =	sshll.u32 s1, $0x11  }
0xc3: {  	s0 =	sor.u32 s1, s0  }
0xc4: {  	s0 =	sadd.s32 $0x8F2B, s0  }
0xc5: {  	[sflag:s0] =	ssyncadd.remote.s32 $0x1  }
0xc6: {  	_ =	sfence.sel $0xFFFF  }
0xc7: {  	[dreg:$0x0] =	wrdreg $0xFFFFFFFF;
	(pc) =	sbr.abs _section_cstart, $3  }
0xc8: {  	[dreg:$0x1] =	wrdreg $0xFFFFFFFF  }
0xc9: {  	_ =	task.clear_ibuf [dreg:s8], $0x2FFFF;
	_ =	strace $0x9FFFFFFF  }
0xca: {  	(tm) =	ssettm $0x7FFFFFFF  }
0xcb: {  	_ =	shalt  }
tec
execute0_lowered:
.L_overlay_start_1:
0x0: {  	(tag) =	ssettag $0x1  }
0x1: {  	s1 =	rddreg [dreg:$0x0]  }
0x2: {  	s0 =	rddreg [dreg:$0x1]  }
0x3: {  	s2 =	rddreg [dreg:$0x2]  }
0x4: {  	s3 =	rddreg [dreg:$0x3]  }
0x5: {  	s15 =	stileid.u32;
	s4 =	simm.s32 $0x0;
	s6 =	srdreg.scid  }
0x6: {  	s13 =	simm.s32 $0x4E20;
	s17 =	simm.s32 $0x50;
	s18 =	simm.s32 $0x9C40  }
0x7: {  	s19 =	simm.s32 $0xB040;
	s28 =	simm.s32 $0xD840;
	s5 =	smul.u32 $0x9C4, s15  }
0x8: {  	s29 =	simm.s32 $0x3;
	s30 =	simm.s32 $0x5;
	s7 =	smul.u32 $0x9C00, s15  }
0x9: {  	s31 =	simm.s32 $0x4;
	[smem:$0x7FF] =	sst s4;
	s11 =	smul.u32 $0x13800, s15  }
0xa: {  	s9 =	sand.u32 $0x1, s6;
	s14 =	sadd.s32 $0x92400, s3;
	s24 =	smul.u32 $0x27000, s15  }
0xb: {  	_ =	strace $0x8000004A;
	s6 =	ssub.s32 $0x2, s9;
	p0 =	seq.s32 s9, $0x1  }
0xc: {  	s12 =	sshll.u32 s9, $0x6;
	s25 =	sshll.u32 s9, $0x3;
	s5 =	sadd.s32 s5, s0  }
0xd: {  	s8 =	sshrl.u32 s7, $0x3;
	s10 =	sshrl.u32 s6, $0x1;
	s16 =	sadd.s32 s7, s3  }
0xe: {  	s22 =	sor.u32 s12, s11;
	s26 =	sshrl.u32 s24, $0x2;
	s12 =	simm.s32 $0x9  }
0xf: {  	s24 =	simm.s32 $0x0;
	s8 =	sadd.s32 s8, s0;
	s10 =	ssub.s32 s6, s10  }
0x10: {  	s20 =	sadd.s32 $0x16800, s5;
	s23 =	sshrl.u32 s22, $0x3;
	s0 =	sadd.s32 $0x32A80, s0  }
0x11: {  	s22 =	simm.s32 $0xC440;
	[dreg:$0x5] =	wrdreg s20;
	s21 =	sadd.s32 $0x20600, s8  }
0x12: {  	[dreg:$0x7] =	wrdreg s0;
	s8 =	sadd.s32 s2, s23;
	s0 =	sadd.s32 s25, s2  }
0x13: {  	s2 =	simm.s32 $0xCA00;
	s10 =	smax.u32 s10, $0x1;
	s20 =	simm.s32 $0x1  }
0x14: {  	s23 =	simm.s32 $0x2;
	[dreg:$0x6] =	wrdreg s21;
	s21 =	sadd.s32 s26, s3  }
0x15: {  	s9 =	sadd.s32 $0x24900, s0;
	s2 =	simm.s32 @!p0 $0x2C00;
	p0 =	seq.s32 s15, $0xF  }
0x16: {  	s11 =	sadd.s32 s2, s5;
	s0 =	sshll.u32 @!p0 s15, $0x6;
	s14 =	sshrl.u32 @p0 s14, $0x3  }
0x17: {  	s16 =	sshrl.u32 @!p0 s16, $0x3;
	s25 =	sshrl.u32 @!p0 s21, $0x3;
	s2 =	simm.s32 $0x7  }
0x18: {  	s21 =	simm.s32 $0x8;
	s15 =	sor.u32 @!p0 $0x1C09, s0;
	s0 =	simm.s32 $0x6  }
.LBB2_1:
0x19: {  	[tilespmem:s4], [sflag:$0x9] =	stream.linear.gather [hbm4b:s11+s4], $0x4E20, $0x38;
	[tilespmem:$0x18880] =	vst v63  }
0x1a: {  	_ =	swait.ge [sflag:s12], $0x4E20  }
0x1b: {  	[sflag:s12] =	ssyncset.done $0x0  }
0x1c: {  	s5 =	rddreg [dreg:$0x5];
	[sflag:s12] =	ssyncadd.s32 $0xFFFFB1E0  }
0x1d: {  	[tilespmem:s13], [sflag:$0x9] =	stream.linear.gather [hbm4b:s5+s4], $0x4E20, $0x38;
	[tilespmem:$0x18880] =	vst v63  }
0x1e: {  	_ =	swait.ge [sflag:s12], $0x4E20  }
0x1f: {  	[sflag:s12] =	ssyncset.done $0x0  }
0x20: {  	s5 =	simm.s32 @p0 $0x1FC9;
	s6 =	rddreg [dreg:$0x7];
	[sflag:s12] =	ssyncadd.s32 $0xFFFFB1E0  }
0x21: {  	[spmem:s14], [sflag:s5] =	dma.local @p0 [hbm:s6], $0x1400  }
0x22: {  	s5 =	simm.s32 @p0 $0x9  }
0x23: {  	_ =	swait.ge @p0 [sflag:s5], $0x1400  }
0x24: {  	[sflag:s5] =	ssyncset.done @p0 $0x0  }
0x25: {  	[sflag:s5] =	ssyncadd.s32 @p0 $0xFFFFEC00;
	s5 =	rddreg [dreg:$0x6]  }
0x26: {  	[spmem:s16], [sflag:s15] =	dma.local @!p0 [hbm:s5], $0x1380  }
0x27: {  	s5 =	simm.s32 @!p0 $0x9  }
0x28: {  	_ =	swait.ge @!p0 [sflag:s5], $0x1380  }
0x29: {  	[sflag:s5] =	ssyncset.done @!p0 $0x0  }
0x2a: {  	[sflag:s5] =	ssyncadd.s32 @!p0 $0xFFFFEC80  }
0x2b: {  	[bflag:$0x0] =	sbarrier.arrive $0xFFFF  }
0x2c: {  	[tilespmem:s18], [sflag:$0x1] =	stream.indirect.gather [hbm4b:s1+s17], $0x40, s4, s17, $0xb8;
	[tilespmem:$0x18880] =	vst v63  }
0x2d: {  	_ = 	snop  }
0x2e: {  	[tilespmem:s19], [sflag:$0x2] =	stream.indirect.gather [hbm4b:s1+s17], $0x40, s17, s17, $0xb8;
	[tilespmem:$0x18880] =	vst v63  }
0x2f: {  	_ =	swait.ge [sflag:s20], $0x1400  }
0x30: {  	[sflag:s20] =	ssyncset.done $0x0  }
0x31: {  	[sflag:s20] =	ssyncadd.s32 $0xFFFFEC00  }
0x32: {  	[spmem:s3] =	stream.indirect.scatter.add.f32 [tilespmem:s18], [sflag:$0x5], $0x40, s13, s17, $0xb8;
	[tilespmem:$0x18880] =	vst v63  }
0x33: {  	s26 =	simm.s32 $0xA0  }
0x34: {  	[tilespmem:s22], [sflag:$0x3] =	stream.indirect.gather [hbm4b:s1+s17], $0x40, s26, s17, $0xb8;
	[tilespmem:$0x18880] =	vst v63  }
0x35: {  	_ =	swait.ge [sflag:s23], $0x1400  }
0x36: {  	[sflag:s23] =	ssyncset.done $0x0  }
0x37: {  	s6 =	simm.s32 $0x4E70;
	[sflag:s23] =	ssyncadd.s32 $0xFFFFEC00  }
0x38: {  	[spmem:s3] =	stream.indirect.scatter.add.f32 [tilespmem:s19], [sflag:$0x6], $0x40, s6, s17, $0xb8;
	[tilespmem:$0x18880] =	vst v63  }
0x39: {  	s7 =	simm.s32 $0xF0  }
0x3a: {  	[tilespmem:s28], [sflag:$0x4] =	stream.indirect.gather [hbm4b:s1+s17], $0x40, s7, s17, $0xb8;
	[tilespmem:$0x18880] =	vst v63  }
0x3b: {  	_ =	swait.ge [sflag:s29], $0x1400  }
0x3c: {  	[sflag:s29] =	ssyncset.done $0x0  }
0x3d: {  	s26 =	simm.s32 $0x4EC0;
	[sflag:s29] =	ssyncadd.s32 $0xFFFFEC00  }
0x3e: {  	[spmem:s3] =	stream.indirect.scatter.add.f32 [tilespmem:s22], [sflag:$0x7], $0x40, s26, s17, $0xb8;
	[tilespmem:$0x18880] =	vst v63  }
0x3f: {  	_ =	swait.ge [sflag:s30], $0x1400  }
0x40: {  	[sflag:s30] =	ssyncset.done $0x0  }
0x41: {  	s6 =	simm.s32 $0x140;
	[sflag:s30] =	ssyncadd.s32 $0xFFFFEC00  }
0x42: {  	[tilespmem:s18], [sflag:$0x1] =	stream.indirect.gather [hbm4b:s1+s17], $0x40, s6, s17, $0xb8;
	[tilespmem:$0x18880] =	vst v63  }
0x43: {  	_ =	swait.ge [sflag:s31], $0x1400  }
0x44: {  	[sflag:s31] =	ssyncset.done $0x0  }
0x45: {  	s7 =	simm.s32 $0x4F10;
	[sflag:s31] =	ssyncadd.s32 $0xFFFFEC00  }
0x46: {  	[spmem:s3] =	stream.indirect.scatter.add.f32 [tilespmem:s28], [sflag:$0x8], $0x40, s7, s17, $0xb8;
	[tilespmem:$0x18880] =	vst v63  }
0x47: {  	_ =	swait.ge [sflag:s0], $0x1400  }
0x48: {  	[sflag:s0] =	ssyncset.done $0x0  }
0x49: {  	s26 =	simm.s32 $0x190;
	[sflag:s0] =	ssyncadd.s32 $0xFFFFEC00  }
0x4a: {  	[tilespmem:s19], [sflag:$0x2] =	stream.indirect.gather [hbm4b:s1+s17], $0x40, s26, s17, $0xb8;
	[tilespmem:$0x18880] =	vst v63  }
0x4b: {  	_ =	swait.ge [sflag:s20], $0x1400  }
0x4c: {  	[sflag:s20] =	ssyncset.done $0x0  }
0x4d: {  	s6 =	simm.s32 $0x4F60;
	[sflag:s20] =	ssyncadd.s32 $0xFFFFEC00  }
0x4e: {  	[spmem:s3] =	stream.indirect.scatter.add.f32 [tilespmem:s18], [sflag:$0x5], $0x40, s6, s17, $0xb8;
	[tilespmem:$0x18880] =	vst v63  }
0x4f: {  	_ =	swait.ge [sflag:s2], $0x1400  }
0x50: {  	[sflag:s2] =	ssyncset.done $0x0  }
0x51: {  	s7 =	simm.s32 $0x1E0;
	[sflag:s2] =	ssyncadd.s32 $0xFFFFEC00  }
0x52: {  	[tilespmem:s22], [sflag:$0x3] =	stream.indirect.gather [hbm4b:s1+s17], $0x40, s7, s17, $0xb8;
	[tilespmem:$0x18880] =	vst v63  }
0x53: {  	_ =	swait.ge [sflag:s23], $0x1400  }
0x54: {  	[sflag:s23] =	ssyncset.done $0x0  }
0x55: {  	s26 =	simm.s32 $0x4FB0;
	[sflag:s23] =	ssyncadd.s32 $0xFFFFEC00  }
0x56: {  	[spmem:s3] =	stream.indirect.scatter.add.f32 [tilespmem:s19], [sflag:$0x6], $0x40, s26, s17, $0xb8;
	[tilespmem:$0x18880] =	vst v63  }
0x57: {  	_ =	swait.ge [sflag:s21], $0x1400  }
0x58: {  	[sflag:s21] =	ssyncset.done $0x0  }
0x59: {  	s5 =	simm.s32 $0x230;
	s26 =	simm.s32 $0x500;
	[sflag:s21] =	ssyncadd.s32 $0xFFFFEC00  }
.LBB2_2:
0x5a: {  	[tilespmem:s28], [sflag:$0x4] =	stream.indirect.gather [hbm4b:s1+s17], $0x40, s5, s17, $0xb8;
	[tilespmem:$0x18880] =	vst v63  }
0x5b: {  	s5 =	smov.u32 s26  }
0x5c: {  	p1 =	sne.s32 s26, $0x12C00;
	s26 =	sadd.s32 $0x500, s26;
	_ =	swait.ge [sflag:s29], $0x1400  }
0x5d: {  	s5 =	sshra.s32 s5, $0x2;
	[sflag:s29] =	ssyncset.done $0x0  }
0x5e: {  	s6 =	sadd.s32 $0x4EC0, s5;
	[sflag:s29] =	ssyncadd.s32 $0xFFFFEC00  }
0x5f: {  	[spmem:s3] =	stream.indirect.scatter.add.f32 [tilespmem:s22], [sflag:$0x7], $0x40, s6, s17, $0xb8;
	[tilespmem:$0x18880] =	vst v63  }
0x60: {  	_ =	swait.ge [sflag:s30], $0x1400  }
0x61: {  	[sflag:s30] =	ssyncset.done $0x0  }
0x62: {  	s6 =	sadd.s32 $0x140, s5;
	[sflag:s30] =	ssyncadd.s32 $0xFFFFEC00  }
0x63: {  	[tilespmem:s18], [sflag:$0x1] =	stream.indirect.gather [hbm4b:s1+s17], $0x40, s6, s17, $0xb8;
	[tilespmem:$0x18880] =	vst v63  }
0x64: {  	_ =	swait.ge [sflag:s31], $0x1400  }
0x65: {  	[sflag:s31] =	ssyncset.done $0x0  }
0x66: {  	s6 =	sadd.s32 $0x4F10, s5;
	[sflag:s31] =	ssyncadd.s32 $0xFFFFEC00  }
0x67: {  	[spmem:s3] =	stream.indirect.scatter.add.f32 [tilespmem:s28], [sflag:$0x8], $0x40, s6, s17, $0xb8;
	[tilespmem:$0x18880] =	vst v63  }
0x68: {  	_ =	swait.ge [sflag:s0], $0x1400  }
0x69: {  	[sflag:s0] =	ssyncset.done $0x0  }
0x6a: {  	s6 =	sadd.s32 $0x190, s5;
	[sflag:s0] =	ssyncadd.s32 $0xFFFFEC00  }
0x6b: {  	[tilespmem:s19], [sflag:$0x2] =	stream.indirect.gather [hbm4b:s1+s17], $0x40, s6, s17, $0xb8;
	[tilespmem:$0x18880] =	vst v63  }
0x6c: {  	_ =	swait.ge [sflag:s20], $0x1400  }
0x6d: {  	[sflag:s20] =	ssyncset.done $0x0  }
0x6e: {  	s6 =	sadd.s32 $0x4F60, s5;
	[sflag:s20] =	ssyncadd.s32 $0xFFFFEC00  }
0x6f: {  	[spmem:s3] =	stream.indirect.scatter.add.f32 [tilespmem:s18], [sflag:$0x5], $0x40, s6, s17, $0xb8;
	[tilespmem:$0x18880] =	vst v63  }
0x70: {  	_ =	swait.ge [sflag:s2], $0x1400  }
0x71: {  	[sflag:s2] =	ssyncset.done $0x0  }
0x72: {  	s6 =	sadd.s32 $0x1E0, s5;
	[sflag:s2] =	ssyncadd.s32 $0xFFFFEC00  }
0x73: {  	[tilespmem:s22], [sflag:$0x3] =	stream.indirect.gather [hbm4b:s1+s17], $0x40, s6, s17, $0xb8;
	[tilespmem:$0x18880] =	vst v63  }
0x74: {  	_ =	swait.ge [sflag:s23], $0x1400  }
0x75: {  	[sflag:s23] =	ssyncset.done $0x0  }
.Ltmp0:
0x76: {  	s6 =	sadd.s32 $0x4FB0, s5;
	[sflag:s23] =	ssyncadd.s32 $0xFFFFEC00;
	(pc) =	sbr.rel @p1 .LBB2_2-.Ltmp0, $4  }
0x77: {  	[spmem:s3] =	stream.indirect.scatter.add.f32 [tilespmem:s19], [sflag:$0x6], $0x40, s6, s17, $0xb8;
	[tilespmem:$0x18880] =	vst v63  }
0x78: {  	_ =	swait.ge [sflag:s21], $0x1400  }
0x79: {  	[sflag:s21] =	ssyncset.done $0x0  }
0x7a: {  	s5 =	sadd.s32 $0x230, s5;
	[sflag:s21] =	ssyncadd.s32 $0xFFFFEC00  }
0x7b: {  	[tilespmem:s28], [sflag:$0x4] =	stream.indirect.gather [hbm4b:s1+s17], $0x40, s5, s17, $0xb8;
	[tilespmem:$0x18880] =	vst v63  }
0x7c: {  	_ =	swait.ge [sflag:s29], $0x1400  }
0x7d: {  	[sflag:s29] =	ssyncset.done $0x0  }
0x7e: {  	s6 =	simm.s32 $0x9B00;
	[sflag:s29] =	ssyncadd.s32 $0xFFFFEC00  }
0x7f: {  	[spmem:s3] =	stream.indirect.scatter.add.f32 [tilespmem:s22], [sflag:$0x7], $0x40, s6, s17, $0xb8;
	[tilespmem:$0x18880] =	vst v63  }
0x80: {  	_ =	swait.ge [sflag:s30], $0x1400  }
0x81: {  	[sflag:s30] =	ssyncset.done $0x0  }
0x82: {  	s7 =	simm.s32 $0x4D80;
	[sflag:s30] =	ssyncadd.s32 $0xFFFFEC00  }
0x83: {  	[tilespmem:s18], [sflag:$0x1] =	stream.indirect.gather [hbm4b:s1+s17], $0x40, s7, s17, $0xb8;
	[tilespmem:$0x18880] =	vst v63  }
0x84: {  	_ =	swait.ge [sflag:s31], $0x1400  }
0x85: {  	[sflag:s31] =	ssyncset.done $0x0  }
0x86: {  	s26 =	simm.s32 $0x9B50;
	[sflag:s31] =	ssyncadd.s32 $0xFFFFEC00  }
0x87: {  	[spmem:s3] =	stream.indirect.scatter.add.f32 [tilespmem:s28], [sflag:$0x8], $0x40, s26, s17, $0xb8;
	[tilespmem:$0x18880] =	vst v63  }
0x88: {  	_ =	swait.ge [sflag:s0], $0x1400  }
0x89: {  	[sflag:s0] =	ssyncset.done $0x0  }
0x8a: {  	s6 =	simm.s32 $0x4DD0;
	[sflag:s0] =	ssyncadd.s32 $0xFFFFEC00  }
0x8b: {  	[tilespmem:s19], [sflag:$0x2] =	stream.indirect.gather [hbm4b:s1+s17], $0x40, s6, s17, $0xb8;
	[tilespmem:$0x18880] =	vst v63  }
0x8c: {  	_ =	swait.ge [sflag:s20], $0x1400  }
0x8d: {  	[sflag:s20] =	ssyncset.done $0x0  }
0x8e: {  	s7 =	simm.s32 $0x9BA0;
	[sflag:s20] =	ssyncadd.s32 $0xFFFFEC00  }
0x8f: {  	[spmem:s3] =	stream.indirect.scatter.add.f32 [tilespmem:s18], [sflag:$0x5], $0x40, s7, s17, $0xb8;
	[tilespmem:$0x18880] =	vst v63  }
0x90: {  	_ =	swait.ge [sflag:s2], $0x1400  }
0x91: {  	[sflag:s2] =	ssyncset.done $0x0  }
0x92: {  	[sflag:s2] =	ssyncadd.s32 $0xFFFFEC00  }
0x93: {  	_ =	swait.ge [sflag:s23], $0x1400  }
0x94: {  	[sflag:s23] =	ssyncset.done $0x0  }
0x95: {  	s26 =	simm.s32 $0x9BF0;
	[sflag:s23] =	ssyncadd.s32 $0xFFFFEC00  }
0x96: {  	[spmem:s3] =	stream.indirect.scatter.add.f32 [tilespmem:s19], [sflag:$0x6], $0x40, s26, s17, $0xb8;
	[tilespmem:$0x18880] =	vst v63  }
0x97: {  	_ =	swait.ge [sflag:s21], $0x1400  }
0x98: {  	[sflag:s21] =	ssyncset.done $0x0  }
0x99: {  	[sflag:s21] =	ssyncadd.s32 $0xFFFFEC00  }
0x9a: {  	_ =	swait.ge [sflag:s30], $0x1400  }
0x9b: {  	[sflag:s30] =	ssyncset.done $0x0  }
0x9c: {  	[sflag:s30] =	ssyncadd.s32 $0xFFFFEC00  }
0x9d: {  	_ =	swait.ge [sflag:s0], $0x1400  }
0x9e: {  	[sflag:s0] =	ssyncset.done $0x0  }
0x9f: {  	s5 =	simm.s32 @p0 $0x1;
	s6 =	simm.s32 @p0 $0x10;
	[sflag:s0] =	ssyncadd.s32 $0xFFFFEC00  }
0xa0: {  	s7 =	simm.s32 @p0 $0x1FC9;
	s26 =	simm.s32 @p0 $0x8;
	[bflag:$0x0] =	sbarrier.arrive $0xFFFF  }
0xa1: {  	[hbm:s9@s6], [sflag:s7] =	dma.strided @p0 [spmem:s14@s26], $0x1400, s5, $0x8   }
0xa2: {  	s5 =	simm.s32 @p0 $0x9  }
0xa3: {  	s24 =	sadd.s32 $0x1, s24;
	_ =	swait.ge @p0 [sflag:s5], $0x1400  }
0xa4: {  	p1 =	sne.s32 s24, s10;
	s6 =	simm.s32 @!p0 $0x10;
	[sflag:s5] =	ssyncset.done @p0 $0x0  }
0xa5: {  	s7 =	simm.s32 @!p0 $0x8;
	[sflag:s5] =	ssyncadd.s32 @p0 $0xFFFFEC00;
	s5 =	simm.s32 @!p0 $0x1  }
0xa6: {  	[hbm:s8@s6], [sflag:s15] =	dma.strided @!p0 [spmem:s25@s7], $0x1380, s5, $0x8   }
.Ltmp1:
0xa7: {  	_ = 	snop;
	(pc) =	sbr.rel @p1 .LBB2_1-.Ltmp1, $4  }
0xa8: {  	s5 =	simm.s32 @!p0 $0x9  }
0xa9: {  	_ =	swait.ge @!p0 [sflag:s5], $0x1380  }
0xaa: {  	[sflag:s5] =	ssyncset.done @!p0 $0x0  }
0xab: {  	[sflag:s5] =	ssyncadd.s32 @!p0 $0xFFFFEC80  }
0xac: {  	_ =	sfence.sel $0x180000  }
0xad: {  	[bflag:$0x0] =	sbarrier.arrive $0xFFFF  }
0xae: {  	_ =	strace $0x9000004A  }
0xaf: {  	s0 =	stileid.u32;
	[bflag:$0x2] =	sbarrier.arrive $0xFFFF  }
0xb0: {  	p0 =	sne.s32 s0, $0x0;
	s0 =	rddreg [dreg:$0x4]  }
0xb1: {  	s0 =	sadd.s32 @!p0 $0x100000, s0  }
0xb2: {  	[sflag:s0] =	ssyncadd.tile.s32 @!p0 $0x1;
	_ =	shalt  }
.Lfunc_end2:
_tile_overlayer_lowered:
.L_overlay_start_2:
0xb3: {  	(tag) =	ssettag $0x2  }
0xb4: {  	s0 =	rddreg [dreg:$0x0];
	s2 =	stileid.u32  }
0xb5: {  	s1 =	rddreg [dreg:$0x1];
	p0 =	sne.s32 s2, $0x0  }
0xb6: {  	s3 =	rddreg [dreg:$0x2];
	[bflag:$0x3] =	sbarrier.arrive $0xFFFF;
	s2 =	simm.s32 @!p0 $0x1C09  }
0xb7: {  	[timem:s3], [sflag:s2] =	dma.local @!p0 [hbm:s0], s1  }
0xb8: {  	s0 =	simm.s32 @!p0 $0x9  }
0xb9: {  	_ =	swait.ge @!p0 [sflag:s0], s1  }
0xba: {  	s1 =	ssub.s32 @!p0 $0x0, s1;
	[sflag:s0] =	ssyncset.done @!p0 $0x0  }
0xbb: {  	[sflag:s0] =	ssyncadd.s32 @!p0 s1  }
0xbc: {  	[bflag:$0x3] =	sbarrier.arrive $0xFFFF  }
0xbd: {  	_ =	shalt  }

// kernel: kernel.8.cloned.1.call-start
scs
__scs_entry_jumppad:
0x0: {  	(pc) =	sbr.rel $0x88, $3  }
0x1: {  	(tag) =	ssettag $0x0;
	lr =	simm.s32 $0x1  }
0x2: {  	[smem:$0x3F97] =	sst lr;
	_ =	strace $0xD0000000  }
0x3: {  	_ = 	snop  }
0x4: {  	_ = 	snop  }
0x5: {  	_ = 	snop  }
0x6: {  	_ = 	snop  }
0x7: {  	_ = 	snop  }
__scs_overlays_trampoline_lowered:
0x8: {  	[smem:$0x3FA6] =	sst s0  }
0x9: {  	[smem:$0x3FA7] =	sst s1  }
0xa: {  	[smem:$0x3FA8] =	sst s2  }
0xb: {  	[smem:$0x3FA9] =	sst s3  }
0xc: {  	[smem:$0x3FAA] =	sst s4  }
0xd: {  	[smem:$0x3FAB] =	sst s5  }
0xe: {  	[smem:$0x3FAC] =	sst s6  }
0xf: {  	[smem:$0x3FAD] =	sst s7  }
0x10: {  	[smem:$0x3FAE] =	sst s8  }
0x11: {  	[smem:$0x3FAF] =	sst s9;
	s0 =	simm.s32 @!p0 $0x0  }
0x12: {  	s1 =	sld [smem:$0x3F95];
	s0 =	simm.s32 @p0 $0x1  }
0x13: {  	[smem:$0x3FB0] =	sst s0;
	s0 =	simm.s32 @!p1 $0x0  }
0x14: {  	s2 =	sld [smem:$0x3F94];
	s0 =	simm.s32 @p1 $0x1  }
0x15: {  	[smem:$0x3FB1] =	sst s0;
	s0 =	simm.s32 @!p2 $0x0  }
0x16: {  	s3 =	sld [smem:$0x3FDB];
	s0 =	simm.s32 @p2 $0x1  }
0x17: {  	s4 =	simm.s32 $0x1BF5;
	[smem:$0x3FB3] =	sst s0  }
0x18: {  	s0 =	sld [smem:$0x3F96];
	_ =	swait.ge [sflag:s4], $0x0  }
0x19: {  	s7 =	sld [smem:$0x3F97]  }
0x1a: {  	s8 =	sadd.s32 $0xFFFFE003, lr  }
0x1b: {  	s9 =	sadd.s32 $0xFFFFFEF7, lr;
	s5 =	simm.s32 $0xFFFFFFFF;
	p2 =	slt.u32 s8, $0xFFFFF086  }
0x1c: {  	p1 =	slt.u32 s9, $0xF7A;
	s5 =	simm.s32 @!p2 $0x0  }
0x1d: {  	s5 =	simm.s32 @p1 $0x1;
	p0 =	seq.s32 s7, s2  }
0x1e: {  	s7 =	smul.u32 @!p0 $0xF7A, s2;
	p2 =	seq.s32 @!p0 s5, $0x0  }
0x1f: {  	s9 =	smul.u32 $0xF7A, s1;
	s8 =	simm.s32 @!p0 $0x1BF5;
	p2 =	por !p2, p0  }
0x20: {  	[sflag:s8] =	ssyncset.s32 @!p0 $0xFFFFF086;
	s6 =	sadd.s32 @!p0 s3, s7;
	s7 =	simm.s32 @!p0 $0x108  }
0x21: {  	s3 =	sadd.s32 s3, s9;
	s6 =	sadd.s32 @!p0 $0x88, s6;
	s7 =	simm.s32 @p2 $0x1082  }
0x22: {  	[simem:s7], [sflag:s8] =	dma.local @!p0 [hbm:s6], $0xF7A  }
0x23: {  	s9 =	sor.u32 $0xD0000000, s2;
	s6 =	simm.s32 $0x108;
	_ =	swait.ge @!p0 [sflag:s8], $0x0  }
0x24: {  	s3 =	sadd.s32 $0x88, s3;
	s6 =	simm.s32 @!p1 $0x1082;
	[sflag:s4] =	ssyncset.s32 $0xFFFFF086  }
0x25: {  	[simem:s6], [sflag:s4] =	dma.local [hbm:s3], $0xF7A  }
0x26: {  	[smem:$0x3F97] =	sst s1;
	(tag) =	ssettag s2;
	_ =	strace s9  }
0x27: {  	s1 =	sld [smem:$0x3FA7]  }
0x28: {  	s2 =	sld [smem:$0x3FA8]  }
0x29: {  	s4 =	sld [smem:$0x3FAA]  }
0x2a: {  	p0 =	seq.s32 s5, $0x0;
	s5 =	sld [smem:$0x3FAB]  }
0x2b: {  	s6 =	sld [smem:$0x3FAC]  }
0x2c: {  	s7 =	sld [smem:$0x3FAD]  }
0x2d: {  	s3 =	simm.s32 $0x108;
	s8 =	sld [smem:$0x3FAE]  }
0x2e: {  	s3 =	simm.s32 @!p0 $0x1082;
	s9 =	sld [smem:$0x3FAF]  }
0x2f: {  	lr =	sadd.s32 s0, s3;
	s0 =	sld [smem:$0x3FA6]  }
0x30: {  	s3 =	sld [smem:$0x3FA9]  }
0x31: {  	[smem:$0x3FB2] =	sst s10  }
0x32: {  	s10 =	sld [smem:$0x3FB0];
	_ =	sdelay $0x3  }
0x33: {  	p0 =	seq.s32 s10, $0x1;
	s10 =	sld [smem:$0x3FB2];
	_ =	sdelay $0x3  }
0x34: {  	[smem:$0x3FB2] =	sst s10  }
0x35: {  	s10 =	sld [smem:$0x3FB1];
	_ =	sdelay $0x3  }
0x36: {  	p1 =	seq.s32 s10, $0x1;
	s10 =	sld [smem:$0x3FB2];
	_ =	sdelay $0x3  }
0x37: {  	[smem:$0x3FB2] =	sst s10  }
0x38: {  	s10 =	sld [smem:$0x3FB3]  }
0x39: {  	_ = 	snop;
	(pc) =	sbr.ind lr, $3  }
0x3a: {  	_ = 	snop  }
0x3b: {  	_ = 	snop  }
0x3c: {  	p2 =	seq.s32 s10, $0x1;
	s10 =	sld [smem:$0x3FB2]  }
0x3d: {  	_ =	shalt  }
0x3e: {  	_ =	shalt  }
0x3f: {  	_ =	shalt  }
0x40: {  	_ =	shalt  }
0x41: {  	_ =	shalt  }
0x42: {  	_ =	shalt  }
0x43: {  	_ =	shalt  }
0x44: {  	_ =	shalt  }
0x45: {  	_ =	shalt  }
0x46: {  	_ =	shalt  }
0x47: {  	_ =	shalt  }
0x48: {  	_ =	shalt  }
0x49: {  	_ =	shalt  }
0x4a: {  	_ =	shalt  }
0x4b: {  	_ =	shalt  }
0x4c: {  	_ =	shalt  }
0x4d: {  	_ =	shalt  }
0x4e: {  	_ =	shalt  }
0x4f: {  	_ =	shalt  }
0x50: {  	_ =	shalt  }
0x51: {  	_ =	shalt  }
0x52: {  	_ =	shalt  }
0x53: {  	_ =	shalt  }
0x54: {  	_ =	shalt  }
0x55: {  	_ =	shalt  }
0x56: {  	_ =	shalt  }
0x57: {  	_ =	shalt  }
0x58: {  	_ =	shalt  }
0x59: {  	_ =	shalt  }
0x5a: {  	_ =	shalt  }
0x5b: {  	_ =	shalt  }
0x5c: {  	_ =	shalt  }
0x5d: {  	_ =	shalt  }
0x5e: {  	_ =	shalt  }
0x5f: {  	_ =	shalt  }
0x60: {  	_ =	shalt  }
0x61: {  	_ =	shalt  }
0x62: {  	_ =	shalt  }
0x63: {  	_ =	shalt  }
0x64: {  	_ =	shalt  }
0x65: {  	_ =	shalt  }
0x66: {  	_ =	shalt  }
0x67: {  	_ =	shalt  }
0x68: {  	_ =	shalt  }
0x69: {  	_ =	shalt  }
0x6a: {  	_ =	shalt  }
0x6b: {  	_ =	shalt  }
0x6c: {  	_ =	shalt  }
0x6d: {  	_ =	shalt  }
0x6e: {  	_ =	shalt  }
0x6f: {  	_ =	shalt  }
0x70: {  	_ =	shalt  }
0x71: {  	_ =	shalt  }
0x72: {  	_ =	shalt  }
0x73: {  	_ =	shalt  }
0x74: {  	_ =	shalt  }
0x75: {  	_ =	shalt  }
0x76: {  	_ =	shalt  }
0x77: {  	_ =	shalt  }
0x78: {  	_ =	shalt  }
0x79: {  	_ =	shalt  }
0x7a: {  	_ =	shalt  }
0x7b: {  	_ =	shalt  }
0x7c: {  	_ =	shalt  }
0x7d: {  	_ =	shalt  }
0x7e: {  	_ =	shalt  }
0x7f: {  	_ =	shalt  }
0x80: {  	_ =	shalt  }
0x81: {  	_ =	shalt  }
0x82: {  	_ =	shalt  }
0x83: {  	_ =	shalt  }
0x84: {  	_ =	shalt  }
0x85: {  	_ =	shalt  }
0x86: {  	_ =	shalt  }
0x87: {  	_ =	shalt  }
.Lfunc_end0:
.L_simem_size_0:
called_computation_lowered:
.L_overlay_start_0:
0x88: {  	s2 =	sld [smem:$0x3FD9]  }
0x89: {  	s3 =	sld [smem:$0x3FFE];
	_ =	sdelay $0x1  }
0x8a: {  	s1 =	srdreg.scid  }
0x8b: {  	s0 =	sand.u32 $0x1, s1  }
0x8c: {  	s14 =	sshll.u32 s0, $0xA;
	s2 =	sadd.s32 s3, s2  }
0x8d: {  	s2 =	sadd.s32 s2, s14  }
0x8e: {  	[smem:$0x3FBE] =	sst s2  }
0x8f: {  	_ = 	snop  }
0x90: {  	s2 =	sld [smem:$0x3FD0];
	_ =	sdelay $0x2  }
0x91: {  	s15 =	simm.s32 $0xA;
	s4 =	simm.s32 $0x10  }
0x92: {  	[smem:s4], [sflag:s15] =	dma.local [hbm:s2], $0x1  }
0x93: {  	_ =	swait.eq [sflag:s15], $0x1  }
0x94: {  	[sflag:s15] =	ssyncset.done $0x0  }
0x95: {  	s16 =	sld [smem:$0x10];
	[sflag:s15] =	ssyncadd.s32 $0xFFFFFFFF  }
0x96: {  	s17 =	sld [smem:$0x11];
	(tm) =	ssettm $0x1  }
0x97: {  	s18 =	sld [smem:$0x3FFB];
	_ =	sdelay $0x3  }
0x98: {  	_ =	strace s18  }
0x99: {  	s4 =	sld [smem:$0x3FFC];
	_ =	sdelay $0x3  }
0x9a: {  	_ =	strace s4  }
0x9b: {  	s4 =	sld [smem:$0x3FFD];
	_ =	sdelay $0x3  }
0x9c: {  	_ =	strace s4  }
0x9d: {  	_ =	strace $0x8FFFFFFF  }
0x9e: {  	s19 =	sld [smem:$0x3FDB];
	_ =	sdelay $0x1  }
0x9f: {  	s5 =	simm.s32 $_scs_section_size  }
0xa0: {  	s6 =	simm.s32 $_size__tile_overlayer_lowered;
	s7 =	simm.s32 $_tile_overlayer_lowered  }
0xa1: {  	s22 =	simm.s32 $0x1BFF;
	s21 =	sshll.u32 s7, $0x1;
	s4 =	sadd.s32 s5, s19  }
0xa2: {  	s8 =	simm.s32 $0x0;
	s20 =	sshll.u32 s6, $0x1;
	s6 =	sadd.s32 s21, s4  }
0xa3: {  	[timem:s8], [sflag:s22] =	dma.local [hbm:s6], s20  }
0xa4: {  	_ =	swait.ge [sflag:s22], s20  }
0xa5: {  	s5 =	ssub.s32 $0x0, s20;
	[sflag:s22] =	ssyncset.done $0x0  }
0xa6: {  	[sflag:s22] =	ssyncadd.s32 s5;
	_ =	sdelay $0x1  }
0xa7: {  	s23 =	simm.s32 $0x1B8B  }
0xa8: {  	_ =	swait.ge [sflag:s23], $0x1  }
0xa9: {  	[sflag:s23] =	ssyncset.done $0x0  }
0xaa: {  	s25 =	simm.s32 $0x1B8E;
	s24 =	sld [smem:$0x3FFE];
	[sflag:s23] =	ssyncadd.s32 $0xFFFFFFFF  }
0xab: {  	s26 =	simm.s32 $execute0_lowered;
	[smem:$0x3FD2] =	sst s25  }
0xac: {  	s6 =	sshll.u32 s26, $0x1;
	_ =	strace $0x80000046;
	[dreg:$0x1] =	wrdreg $0xFFFFFFFF  }
0xad: {  	s28 =	simm.s32 $_size_execute0_lowered;
	s4 =	sadd.s32 s4, s6;
	[dreg:$0x0] =	wrdreg $0x0  }
0xae: {  	s6 =	sshll.u32 s28, $0x1;
	[dreg:$0x2] =	wrdreg s4  }
0xaf: {  	[dreg:$0x3] =	wrdreg s6  }
0xb0: {  	[dreg:$0x4] =	wrdreg $0xC0  }
0xb1: {  	_ =	task [dreg:s8], $0x5FFFF  }
0xb2: {  	[dreg:$0x1] =	wrdreg $0xFFFFFFFF  }
0xb3: {  	[dreg:$0x0] =	wrdreg $0x60  }
0xb4: {  	[dreg:$0x2] =	wrdreg s17  }
0xb5: {  	[dreg:$0x3] =	wrdreg s24  }
0xb6: {  	[dreg:$0x4] =	wrdreg s16  }
0xb7: {  	[dreg:$0x5] =	wrdreg $0xEC400  }
0xb8: {  	[dreg:$0x6] =	wrdreg $0x1AFE00  }
0xb9: {  	[dreg:$0x7] =	wrdreg $0x9  }
0xba: {  	_ =	task.clear_ibuf [dreg:s8], $0x8FFFF;
	_ =	strace $0x90000046  }
0xbb: {  	s29 =	simm.s32 $0x9;
	_ =	strace $0x80000048  }
0xbc: {  	_ =	swait.ge [sflag:s29], $0x1  }
0xbd: {  	[sflag:s29] =	ssyncadd.s32 $0xFFFFFFFF  }
0xbe: {  	_ =	strace $0x90000048  }
0xbf: {  	_ =	sfence  }
0xc0: {  	s30 =	sld [smem:$0x0];
	_ =	sdelay $0x2  }
0xc1: {  	s31 =	sshll.u32 s1, $0xD;
	s1 =	sshrl.u32 s1, $0x2  }
0xc2: {  	s3 =	sand.u32 $0x4000, s31;
	s1 =	sadd.s32 s1, s30  }
0xc3: {  	s0 =	sor.u32 s3, s0;
	s1 =	sshll.u32 s1, $0x11  }
0xc4: {  	s0 =	sor.u32 s1, s0  }
0xc5: {  	s0 =	sadd.s32 $0x8F2B, s0  }
0xc6: {  	[sflag:s0] =	ssyncadd.remote.s32 $0x1  }
0xc7: {  	_ =	sfence.sel $0xFFFF  }
0xc8: {  	[dreg:$0x0] =	wrdreg $0xFFFFFFFF;
	(pc) =	sbr.abs _section_cstart, $3  }
0xc9: {  	[dreg:$0x1] =	wrdreg $0xFFFFFFFF  }
0xca: {  	_ =	task.clear_ibuf [dreg:s8], $0x2FFFF;
	_ =	strace $0x9FFFFFFF  }
0xcb: {  	(tm) =	ssettm $0x7FFFFFFF  }
tec
execute0_lowered:
.L_overlay_start_1:
0x0: {  	(tag) =	ssettag $0x1  }
0x1: {  	s1 =	rddreg [dreg:$0x0]  }
0x2: {  	s0 =	rddreg [dreg:$0x1]  }
0x3: {  	s6 =	rddreg [dreg:$0x2]  }
0x4: {  	s3 =	rddreg [dreg:$0x3]  }
0x5: {  	s4 =	rddreg [dreg:$0x4];
	s16 =	stileid.u32;
	s5 =	simm.s32 $0x0  }
0x6: {  	s8 =	srdreg.scid;
	s28 =	simm.s32 $0x1;
	s7 =	smul.u32 $0x9C00, s16  }
0x7: {  	s30 =	simm.s32 $0xD840;
	s31 =	simm.s32 $0x3;
	s9 =	smul.u32 $0x9C4, s16  }
0x8: {  	s29 =	simm.s32 $0x5;
	[smem:$0x7FF] =	sst s5;
	s26 =	smul.u32 $0x13800, s16  }
0x9: {  	s8 =	sand.u32 $0x1, s8;
	s2 =	sadd.s32 $0x34000, s0;
	s15 =	smul.u32 $0x27000, s16  }
0xa: {  	p1 =	sne.s32 s16, $0xF;
	p5 =	seq.s32 s16, $0xF;
	_ =	strace $0x80000047  }
0xb: {  	s11 =	smul.u32 $0x7D0, s8;
	s24 =	ssub.s32 $0x2, s8;
	[dreg:$0x6] =	wrdreg s2  }
0xc: {  	p0 =	seq.s32 s8, $0x0;
	s14 =	sshll.u32 s8, $0x6;
	s18 =	sshll.u32 s8, $0x3  }
0xd: {  	p3 =	sne.s32 @p1 s16, $0x0;
	p4 =	sne.s32 s8, $0x0;
	s8 =	simm.s32 $0x7  }
0xe: {  	s10 =	sshrl.u32 s7, $0x3;
	s12 =	sadd.s32 s9, s0;
	s13 =	sshrl.u32 s24, $0x1  }
0xf: {  	s7 =	sadd.s32 s7, s3;
	s14 =	sor.u32 s14, s26;
	s17 =	sshrl.u32 s15, $0x2  }
0x10: {  	p2 =	por p3, !p1;
	p3 =	por !p3, !p1;
	s23 =	sadd.s32 s10, s0  }
0x11: {  	s11 =	sshrl.u32 s11, $0x3;
	s10 =	ssub.s32 s24, s13;
	s25 =	sadd.s32 $0x16800, s12  }
0x12: {  	s2 =	simm.s32 @!p2 $0x0;
	[dreg:$0x7] =	wrdreg s25;
	s9 =	sadd.s32 $0x20600, s23  }
0x13: {  	s11 =	sadd.s32 s11, s0;
	s0 =	sadd.s32 $0x32A80, s0;
	[dreg:$0x8] =	wrdreg s9  }
0x14: {  	s25 =	smax.u32 s10, $0x1;
	s2 =	simm.s32 @p2 $0x1;
	[dreg:$0x9] =	wrdreg s0  }
0x15: {  	s10 =	simm.s32 $0x2;
	s9 =	sadd.s32 $0x92400, s3;
	[dreg:$0x11] =	wrdreg s25  }
0x16: {  	s0 =	sshrl.u32 s14, $0x3;
	s20 =	sadd.s32 $0x34600, s11;
	[smem:$0x7FC] =	sst s2  }
0x17: {  	s21 =	sadd.s32 $0x347F4, s11;
	s22 =	sadd.s32 $0x349E8, s11;
	[dreg:$0xc] =	wrdreg s20  }
0x18: {  	s23 =	sadd.s32 $0x34BDC, s11;
	s24 =	sadd.s32 $0x34DD0, s11;
	[dreg:$0xd] =	wrdreg s21  }
0x19: {  	s2 =	simm.s32 @!p3 $0x0;
	s11 =	simm.s32 $0x8;
	[dreg:$0xe] =	wrdreg s22  }
0x1a: {  	s0 =	sadd.s32 s6, s0;
	s6 =	sadd.s32 s18, s6;
	[dreg:$0xf] =	wrdreg s23  }
0x1b: {  	[dreg:$0x10] =	wrdreg s24;
	s20 =	simm.s32 $0x9;
	s22 =	sshrl.u32 @p1 s7, $0x3  }
0x1c: {  	s2 =	simm.s32 @p3 $0x1;
	s23 =	simm.s32 $0x50;
	s24 =	simm.s32 $0x9C40  }
0x1d: {  	s7 =	simm.s32 $0x6;
	[dreg:$0xa] =	wrdreg s0;
	s0 =	sadd.s32 s17, s3  }
0x1e: {  	s19 =	sadd.s32 $0x24900, s6;
	s6 =	simm.s32 $0x2C00;
	[smem:$0x7FD] =	sst s2  }
0x1f: {  	[dreg:$0xb] =	wrdreg s19;
	s6 =	simm.s32 @!p0 $0xCA00;
	s25 =	sshrl.u32 @!p5 s0, $0x3  }
0x20: {  	s0 =	simm.s32 $0xC440;
	s26 =	sadd.s32 s6, s12;
	s6 =	simm.s32 $0x4  }
0x21: {  	v0 =	vimm.f32 $1.000000000e+00;
	s12 =	simm.s32 $0x0;
	[dreg:$0x12] =	wrdreg s26;
	s26 =	simm.s32 $0xB040  }
.LBB2_1:
0x22: {  	s2 =	rddreg [dreg:$0x12]  }
0x23: {  	[tilespmem:s5], [sflag:$0x9] =	stream.linear.gather [hbm4b:s2+s5], $0x4E20, $0x38;
	[tilespmem:$0x1B258] =	vst v63  }
0x24: {  	_ =	swait.ge [sflag:s20], $0x4E20  }
0x25: {  	[sflag:s20] =	ssyncset.done $0x0  }
0x26: {  	s15 =	simm.s32 $0x4E20;
	s14 =	rddreg [dreg:$0x7];
	[sflag:s20] =	ssyncadd.s32 $0xFFFFB1E0  }
0x27: {  	[tilespmem:s15], [sflag:$0x9] =	stream.linear.gather [hbm4b:s14+s5], $0x4E20, $0x38;
	[tilespmem:$0x1B258] =	vst v63  }
0x28: {  	_ =	swait.ge [sflag:s20], $0x4E20  }
0x29: {  	[sflag:s20] =	ssyncset.done $0x0  }
0x2a: {  	[sflag:s20] =	ssyncadd.s32 $0xFFFFB1E0  }
0x2b: {  	[tilespmem:$0x18880] =	vst v0  }
0x2c: {  	[tilespmem:$0x18890] =	vst v0  }
0x2d: {  	[tilespmem:$0x188A0] =	vst v0  }
0x2e: {  	s13 =	sshll.u32 @p1 s16, $0x6;
	[tilespmem:$0x188B0] =	vst v0  }
0x2f: {  	s13 =	sor.u32 @p1 $0x1C09, s13;
	s2 =	rddreg [dreg:$0x8];
	[tilespmem:$0x188C0] =	vst v0  }
0x30: {  	[spmem:s22], [sflag:s13] =	dma.local @p1 [hbm:s2], $0x1380  }
0x31: {  	s13 =	simm.s32 @p1 $0x9  }
0x32: {  	_ =	swait.ge @p1 [sflag:s13], $0x1380  }
0x33: {  	s16 =	sld [smem:$0x7FC];
	_ =	sdelay $0x2  }
0x34: {  	[sflag:s13] =	ssyncset.done @p1 $0x0;
	s2 =	rddreg [dreg:$0x6];
	p2 =	seq.s32 s16, $0x1  }
0x35: {  	[sflag:s13] =	ssyncadd.s32 @p1 $0xFFFFEC80;
	s13 =	simm.s32 @!p2 $0x0;
	s14 =	simm.s32 @!p2 $0x188D0  }
0x36: {  	[tilespmem:s14], [sflag:$0x9] =	stream.linear.gather @!p2 [hbm4b:s2+s13], $0x2710, $0x38;
	[tilespmem:$0x1B258] =	vst v63  }
0x37: {  	s13 =	simm.s32 @!p2 $0x9  }
0x38: {  	_ =	swait.ge @!p2 [sflag:s13], $0x2710  }
0x39: {  	[sflag:s13] =	ssyncset.done @!p2 $0x0  }
0x3a: {  	[sflag:s13] =	ssyncadd.s32 @!p2 $0xFFFFD8F0  }
0x3b: {  	[spmem:s4] =	stream.linear.scatter @!p2 [tilespmem:s14], [sflag:$0x9], $0x2710, $0x38;
	[tilespmem:$0x1B258] =	vst v63  }
0x3c: {  	_ =	swait.ge @!p2 [sflag:s13], $0x2710  }
0x3d: {  	s14 =	simm.s32 @!p1 $0x1FC9;
	[sflag:s13] =	ssyncset.done @!p2 $0x0  }
0x3e: {  	s2 =	rddreg [dreg:$0x9];
	[sflag:s13] =	ssyncadd.s32 @!p2 $0xFFFFD8F0;
	s13 =	sshrl.u32 @!p1 s9, $0x3  }
0x3f: {  	[spmem:s13], [sflag:s14] =	dma.local @!p1 [hbm:s2], $0x1400  }
0x40: {  	s13 =	simm.s32 @!p1 $0x9  }
0x41: {  	_ =	swait.ge @!p1 [sflag:s13], $0x1400  }
0x42: {  	[sflag:s13] =	ssyncset.done @!p1 $0x0  }
0x43: {  	[sflag:s13] =	ssyncadd.s32 @!p1 $0xFFFFEC00  }
0x44: {  	[bflag:$0x0] =	sbarrier.arrive $0xFFFF  }
0x45: {  	[tilespmem:s24], [sflag:$0x1] =	stream.indirect.gather [hbm4b:s1+s23], $0x40, s5, s23, $0xb8;
	[tilespmem:$0x1B258] =	vst v63  }
0x46: {  	_ = 	snop  }
0x47: {  	[tilespmem:s26], [sflag:$0x2] =	stream.indirect.gather [hbm4b:s1+s23], $0x40, s23, s23, $0xb8;
	[tilespmem:$0x1B258] =	vst v63  }
0x48: {  	_ =	swait.ge [sflag:s28], $0x1400  }
0x49: {  	[sflag:s28] =	ssyncset.done $0x0  }
0x4a: {  	[sflag:s28] =	ssyncadd.s32 $0xFFFFEC00  }
0x4b: {  	[spmem:s3] =	stream.indirect.scatter.add.f32 [tilespmem:s24], [sflag:$0x5], $0x40, s15, s23, $0xb8;
	[tilespmem:$0x1B258] =	vst v63  }
0x4c: {  	s14 =	simm.s32 @p4 $0xA0;
	s13 =	simm.s32 @p4 $0x50;
	s15 =	simm.s32 @p4 $0xC440  }
0x4d: {  	[tilespmem:s15], [sflag:$0x3] =	stream.indirect.gather @p4 [hbm4b:s1+s13], $0x40, s14, s13, $0xb8;
	[tilespmem:$0x1B258] =	vst v63  }
0x4e: {  	s14 =	simm.s32 @p4 $0x2  }
0x4f: {  	_ =	swait.ge @p4 [sflag:s14], $0x1400  }
0x50: {  	[sflag:s14] =	ssyncset.done @p4 $0x0  }
0x51: {  	s15 =	simm.s32 @p4 $0xB040;
	[sflag:s14] =	ssyncadd.s32 @p4 $0xFFFFEC00;
	s14 =	simm.s32 @p4 $0x4E70  }
0x52: {  	[spmem:s3] =	stream.indirect.scatter.add.f32 @p4 [tilespmem:s15], [sflag:$0x6], $0x40, s14, s13, $0xb8;
	[tilespmem:$0x1B258] =	vst v63  }
0x53: {  	s15 =	simm.s32 @p4 $0x18880  }
0x54: {  	[spmem:s4] =	stream.indirect.scatter.add.f32 @p4 [tilespmem:s15], [sflag:$0x9], $0x1, s14, s13, $0xb8;
	[tilespmem:$0x1B258] =	vst v63  }
0x55: {  	s13 =	simm.s32 @p4 $0x9  }
0x56: {  	_ =	swait.ge @p4 [sflag:s13], $0x50  }
0x57: {  	s15 =	simm.s32 @!p4 $0x4E20;
	[sflag:s13] =	ssyncset.done @p4 $0x0  }
0x58: {  	s14 =	simm.s32 @!p4 $0x18880;
	[sflag:s13] =	ssyncadd.s32 @p4 $0xFFFFFFB0;
	s13 =	simm.s32 @!p4 $0x50  }
0x59: {  	[spmem:s4] =	stream.indirect.scatter.add.f32 @!p4 [tilespmem:s14], [sflag:$0x9], $0x1, s15, s13, $0xb8;
	[tilespmem:$0x1B258] =	vst v63  }
0x5a: {  	s15 =	simm.s32 @!p4 $0x9  }
0x5b: {  	_ =	swait.ge @!p4 [sflag:s15], $0x50  }
0x5c: {  	[sflag:s15] =	ssyncset.done @!p4 $0x0  }
0x5d: {  	s17 =	simm.s32 @!p4 $0xC440;
	s16 =	simm.s32 @!p4 $0xA0;
	[sflag:s15] =	ssyncadd.s32 @!p4 $0xFFFFFFB0  }
0x5e: {  	[tilespmem:s17], [sflag:$0x3] =	stream.indirect.gather @!p4 [hbm4b:s1+s13], $0x40, s16, s13, $0xb8;
	[tilespmem:$0x1B258] =	vst v63  }
0x5f: {  	s16 =	simm.s32 @!p4 $0x2  }
0x60: {  	_ =	swait.ge @!p4 [sflag:s16], $0x1400  }
0x61: {  	[sflag:s16] =	ssyncset.done @!p4 $0x0  }
0x62: {  	s17 =	simm.s32 @!p4 $0xB040;
	[sflag:s16] =	ssyncadd.s32 @!p4 $0xFFFFEC00;
	s16 =	simm.s32 @!p4 $0x4E70  }
0x63: {  	[spmem:s3] =	stream.indirect.scatter.add.f32 @!p4 [tilespmem:s17], [sflag:$0x6], $0x40, s16, s13, $0xb8;
	[tilespmem:$0x1B258] =	vst v63  }
0x64: {  	s17 =	simm.s32 $0xF0  }
0x65: {  	[tilespmem:s30], [sflag:$0x4] =	stream.indirect.gather [hbm4b:s1+s23], $0x40, s17, s23, $0xb8;
	[tilespmem:$0x1B258] =	vst v63  }
0x66: {  	_ =	swait.ge [sflag:s31], $0x1400  }
0x67: {  	[sflag:s31] =	ssyncset.done $0x0  }
0x68: {  	s16 =	simm.s32 $0x4EC0;
	[sflag:s31] =	ssyncadd.s32 $0xFFFFEC00  }
0x69: {  	[spmem:s3] =	stream.indirect.scatter.add.f32 [tilespmem:s0], [sflag:$0x7], $0x40, s16, s23, $0xb8;
	[tilespmem:$0x1B258] =	vst v63  }
0x6a: {  	_ = 	snop  }
0x6b: {  	[spmem:s4] =	stream.indirect.scatter.add.f32 @!p4 [tilespmem:s14], [sflag:$0x9], $0x1, s16, s13, $0xb8;
	[tilespmem:$0x1B258] =	vst v63  }
0x6c: {  	_ =	swait.ge @!p4 [sflag:s15], $0x50  }
0x6d: {  	[sflag:s15] =	ssyncset.done @!p4 $0x0  }
0x6e: {  	[sflag:s15] =	ssyncadd.s32 @!p4 $0xFFFFFFB0  }
0x6f: {  	_ =	swait.ge [sflag:s29], $0x1400  }
0x70: {  	[sflag:s29] =	ssyncset.done $0x0  }
0x71: {  	s18 =	simm.s32 $0x140;
	[sflag:s29] =	ssyncadd.s32 $0xFFFFEC00  }
0x72: {  	[tilespmem:s24], [sflag:$0x1] =	stream.indirect.gather [hbm4b:s1+s23], $0x40, s18, s23, $0xb8;
	[tilespmem:$0x1B258] =	vst v63  }
0x73: {  	_ =	swait.ge [sflag:s6], $0x1400  }
0x74: {  	[sflag:s6] =	ssyncset.done $0x0  }
0x75: {  	s18 =	simm.s32 $0x4F10;
	[sflag:s6] =	ssyncadd.s32 $0xFFFFEC00  }
0x76: {  	[spmem:s3] =	stream.indirect.scatter.add.f32 [tilespmem:s30], [sflag:$0x8], $0x40, s18, s23, $0xb8;
	[tilespmem:$0x1B258] =	vst v63  }
0x77: {  	s21 =	simm.s32 @!p0 $0x18880;
	s17 =	simm.s32 @!p0 $0x9;
	s16 =	simm.s32 @!p0 $0x50  }
0x78: {  	[spmem:s4] =	stream.indirect.scatter.add.f32 @!p0 [tilespmem:s21], [sflag:$0x9], $0x1, s18, s16, $0xb8;
	[tilespmem:$0x1B258] =	vst v63  }
0x79: {  	_ =	swait.ge @!p0 [sflag:s17], $0x50  }
0x7a: {  	[sflag:s17] =	ssyncset.done @!p0 $0x0  }
0x7b: {  	[sflag:s17] =	ssyncadd.s32 @!p0 $0xFFFFFFB0  }
0x7c: {  	_ =	swait.ge [sflag:s7], $0x1400  }
0x7d: {  	[sflag:s7] =	ssyncset.done $0x0  }
0x7e: {  	s19 =	simm.s32 $0x190;
	[sflag:s7] =	ssyncadd.s32 $0xFFFFEC00  }
0x7f: {  	[tilespmem:s26], [sflag:$0x2] =	stream.indirect.gather [hbm4b:s1+s23], $0x40, s19, s23, $0xb8;
	[tilespmem:$0x1B258] =	vst v63  }
0x80: {  	_ =	swait.ge [sflag:s28], $0x1400  }
0x81: {  	[sflag:s28] =	ssyncset.done $0x0  }
0x82: {  	s18 =	simm.s32 $0x4F60;
	[sflag:s28] =	ssyncadd.s32 $0xFFFFEC00  }
0x83: {  	[spmem:s3] =	stream.indirect.scatter.add.f32 [tilespmem:s24], [sflag:$0x5], $0x40, s18, s23, $0xb8;
	[tilespmem:$0x1B258] =	vst v63  }
0x84: {  	_ = 	snop  }
0x85: {  	[spmem:s4] =	stream.indirect.scatter.add.f32 @!p4 [tilespmem:s14], [sflag:$0x9], $0x1, s18, s13, $0xb8;
	[tilespmem:$0x1B258] =	vst v63  }
0x86: {  	_ =	swait.ge @!p4 [sflag:s15], $0x50  }
0x87: {  	[sflag:s15] =	ssyncset.done @!p4 $0x0  }
0x88: {  	[sflag:s15] =	ssyncadd.s32 @!p4 $0xFFFFFFB0  }
0x89: {  	_ =	swait.ge [sflag:s8], $0x1400  }
0x8a: {  	[sflag:s8] =	ssyncset.done $0x0  }
0x8b: {  	s2 =	simm.s32 $0x1E0;
	[sflag:s8] =	ssyncadd.s32 $0xFFFFEC00  }
0x8c: {  	[tilespmem:s0], [sflag:$0x3] =	stream.indirect.gather [hbm4b:s1+s23], $0x40, s2, s23, $0xb8;
	[tilespmem:$0x1B258] =	vst v63  }
0x8d: {  	_ =	swait.ge [sflag:s10], $0x1400  }
0x8e: {  	[sflag:s10] =	ssyncset.done $0x0  }
0x8f: {  	s18 =	simm.s32 $0x4FB0;
	[sflag:s10] =	ssyncadd.s32 $0xFFFFEC00  }
0x90: {  	[spmem:s3] =	stream.indirect.scatter.add.f32 [tilespmem:s26], [sflag:$0x6], $0x40, s18, s23, $0xb8;
	[tilespmem:$0x1B258] =	vst v63  }
0x91: {  	_ = 	snop  }
0x92: {  	[spmem:s4] =	stream.indirect.scatter.add.f32 @!p0 [tilespmem:s21], [sflag:$0x9], $0x1, s18, s16, $0xb8;
	[tilespmem:$0x1B258] =	vst v63  }
0x93: {  	_ =	swait.ge @!p0 [sflag:s17], $0x50  }
0x94: {  	s19 =	sld [smem:$0x7FD]  }
0x95: {  	[sflag:s17] =	ssyncset.done @!p0 $0x0  }
0x96: {  	p3 =	por @p1 $0x0, $0x0;
	p6 =	por @!p2 $0x1, $0x1;
	[sflag:s17] =	ssyncadd.s32 @!p0 $0xFFFFFFB0  }
0x97: {  	s18 =	simm.s32 $0x500;
	_ =	swait.ge [sflag:s11], $0x1400;
	p2 =	seq.s32 s19, $0x1  }
0x98: {  	[sflag:s11] =	ssyncset.done $0x0;
	p6 =	por @!p2 p3, p3;
	p3 =	por @!p1 $0x0, $0x0  }
0x99: {  	s19 =	simm.s32 $0x230;
	[sflag:s11] =	ssyncadd.s32 $0xFFFFEC00;
	p6 =	por @!p1 p3, p3  }
.LBB2_2:
0x9a: {  	[tilespmem:s30], [sflag:$0x4] =	stream.indirect.gather [hbm4b:s1+s23], $0x40, s19, s23, $0xb8;
	[tilespmem:$0x1B258] =	vst v63  }
0x9b: {  	s19 =	smov.u32 s18;
	s18 =	sadd.s32 $0x500, s18;
	_ =	swait.ge [sflag:s31], $0x1400  }
0x9c: {  	s19 =	sshra.s32 s19, $0x2;
	p3 =	sne.s32 s18, $0x13100;
	[sflag:s31] =	ssyncset.done $0x0  }
0x9d: {  	s2 =	sadd.s32 $0x4EC0, s19;
	[sflag:s31] =	ssyncadd.s32 $0xFFFFEC00  }
0x9e: {  	[spmem:s3] =	stream.indirect.scatter.add.f32 [tilespmem:s0], [sflag:$0x7], $0x40, s2, s23, $0xb8;
	[tilespmem:$0x1B258] =	vst v63  }
0x9f: {  	_ = 	snop  }
0xa0: {  	[spmem:s4] =	stream.indirect.scatter.add.f32 @!p4 [tilespmem:s14], [sflag:$0x9], $0x1, s2, s13, $0xb8;
	[tilespmem:$0x1B258] =	vst v63  }
0xa1: {  	_ =	swait.ge @!p4 [sflag:s15], $0x50  }
0xa2: {  	[sflag:s15] =	ssyncset.done @!p4 $0x0  }
0xa3: {  	[sflag:s15] =	ssyncadd.s32 @!p4 $0xFFFFFFB0  }
0xa4: {  	_ =	swait.ge [sflag:s29], $0x1400  }
0xa5: {  	[sflag:s29] =	ssyncset.done $0x0  }
0xa6: {  	s2 =	sadd.s32 $0x140, s19;
	[sflag:s29] =	ssyncadd.s32 $0xFFFFEC00  }
0xa7: {  	[tilespmem:s24], [sflag:$0x1] =	stream.indirect.gather [hbm4b:s1+s23], $0x40, s2, s23, $0xb8;
	[tilespmem:$0x1B258] =	vst v63  }
0xa8: {  	_ =	swait.ge [sflag:s6], $0x1400  }
0xa9: {  	[sflag:s6] =	ssyncset.done $0x0  }
0xaa: {  	s2 =	sadd.s32 $0x4F10, s19;
	[sflag:s6] =	ssyncadd.s32 $0xFFFFEC00  }
0xab: {  	[spmem:s3] =	stream.indirect.scatter.add.f32 [tilespmem:s30], [sflag:$0x8], $0x40, s2, s23, $0xb8;
	[tilespmem:$0x1B258] =	vst v63  }
0xac: {  	_ = 	snop  }
0xad: {  	[spmem:s4] =	stream.indirect.scatter.add.f32 @!p0 [tilespmem:s21], [sflag:$0x9], $0x1, s2, s16, $0xb8;
	[tilespmem:$0x1B258] =	vst v63  }
0xae: {  	_ =	swait.ge @!p0 [sflag:s17], $0x50  }
0xaf: {  	[sflag:s17] =	ssyncset.done @!p0 $0x0  }
0xb0: {  	[sflag:s17] =	ssyncadd.s32 @!p0 $0xFFFFFFB0  }
0xb1: {  	_ =	swait.ge [sflag:s7], $0x1400  }
0xb2: {  	[sflag:s7] =	ssyncset.done $0x0  }
0xb3: {  	s2 =	sadd.s32 $0x190, s19;
	[sflag:s7] =	ssyncadd.s32 $0xFFFFEC00  }
0xb4: {  	[tilespmem:s26], [sflag:$0x2] =	stream.indirect.gather [hbm4b:s1+s23], $0x40, s2, s23, $0xb8;
	[tilespmem:$0x1B258] =	vst v63  }
0xb5: {  	_ =	swait.ge [sflag:s28], $0x1400  }
0xb6: {  	[sflag:s28] =	ssyncset.done $0x0  }
0xb7: {  	s2 =	sadd.s32 $0x4F60, s19;
	[sflag:s28] =	ssyncadd.s32 $0xFFFFEC00  }
0xb8: {  	[spmem:s3] =	stream.indirect.scatter.add.f32 [tilespmem:s24], [sflag:$0x5], $0x40, s2, s23, $0xb8;
	[tilespmem:$0x1B258] =	vst v63  }
0xb9: {  	_ = 	snop  }
0xba: {  	[spmem:s4] =	stream.indirect.scatter.add.f32 @!p4 [tilespmem:s14], [sflag:$0x9], $0x1, s2, s13, $0xb8;
	[tilespmem:$0x1B258] =	vst v63  }
0xbb: {  	_ =	swait.ge @!p4 [sflag:s15], $0x50  }
0xbc: {  	[sflag:s15] =	ssyncset.done @!p4 $0x0  }
0xbd: {  	[sflag:s15] =	ssyncadd.s32 @!p4 $0xFFFFFFB0  }
0xbe: {  	_ =	swait.ge [sflag:s8], $0x1400  }
0xbf: {  	[sflag:s8] =	ssyncset.done $0x0  }
0xc0: {  	s2 =	sadd.s32 $0x1E0, s19;
	[sflag:s8] =	ssyncadd.s32 $0xFFFFEC00  }
0xc1: {  	[tilespmem:s0], [sflag:$0x3] =	stream.indirect.gather [hbm4b:s1+s23], $0x40, s2, s23, $0xb8;
	[tilespmem:$0x1B258] =	vst v63  }
0xc2: {  	_ =	swait.ge [sflag:s10], $0x1400  }
0xc3: {  	[sflag:s10] =	ssyncset.done $0x0  }
0xc4: {  	s2 =	sadd.s32 $0x4FB0, s19;
	[sflag:s10] =	ssyncadd.s32 $0xFFFFEC00  }
0xc5: {  	[spmem:s3] =	stream.indirect.scatter.add.f32 [tilespmem:s26], [sflag:$0x6], $0x40, s2, s23, $0xb8;
	[tilespmem:$0x1B258] =	vst v63  }
0xc6: {  	_ = 	snop  }
0xc7: {  	[spmem:s4] =	stream.indirect.scatter.add.f32 @!p0 [tilespmem:s21], [sflag:$0x9], $0x1, s2, s16, $0xb8;
	[tilespmem:$0x1B258] =	vst v63  }
0xc8: {  	_ =	swait.ge @!p0 [sflag:s17], $0x50  }
.Ltmp0:
0xc9: {  	[sflag:s17] =	ssyncset.done @!p0 $0x0;
	(pc) =	sbr.rel @p3 .LBB2_2-.Ltmp0, $4  }
0xca: {  	[sflag:s17] =	ssyncadd.s32 @!p0 $0xFFFFFFB0  }
0xcb: {  	_ =	swait.ge [sflag:s11], $0x1400  }
0xcc: {  	[sflag:s11] =	ssyncset.done $0x0  }
0xcd: {  	s19 =	sadd.s32 $0x230, s19;
	[sflag:s11] =	ssyncadd.s32 $0xFFFFEC00  }
0xce: {  	[tilespmem:s30], [sflag:$0x4] =	stream.indirect.gather [hbm4b:s1+s23], $0x40, s19, s23, $0xb8;
	[tilespmem:$0x1B258] =	vst v63  }
0xcf: {  	_ =	swait.ge [sflag:s31], $0x1400  }
0xd0: {  	[sflag:s31] =	ssyncset.done $0x0  }
0xd1: {  	s2 =	simm.s32 $0x9B00;
	[sflag:s31] =	ssyncadd.s32 $0xFFFFEC00  }
0xd2: {  	[spmem:s3] =	stream.indirect.scatter.add.f32 [tilespmem:s0], [sflag:$0x7], $0x40, s2, s23, $0xb8;
	[tilespmem:$0x1B258] =	vst v63  }
0xd3: {  	s2 =	simm.s32 @p4 $0x5  }
0xd4: {  	_ =	swait.ge @p4 [sflag:s2], $0x1400  }
0xd5: {  	s13 =	simm.s32 @p4 $0x4D80;
	[sflag:s2] =	ssyncset.done @p4 $0x0  }
0xd6: {  	s14 =	simm.s32 @p4 $0x9C40;
	[sflag:s2] =	ssyncadd.s32 @p4 $0xFFFFEC00;
	s2 =	simm.s32 @p4 $0x50  }
0xd7: {  	[tilespmem:s14], [sflag:$0x1] =	stream.indirect.gather @p4 [hbm4b:s1+s2], $0x40, s13, s2, $0xb8;
	[tilespmem:$0x1B258] =	vst v63  }
0xd8: {  	s13 =	simm.s32 @p4 $0x4  }
0xd9: {  	_ =	swait.ge @p4 [sflag:s13], $0x1400  }
0xda: {  	[sflag:s13] =	ssyncset.done @p4 $0x0  }
0xdb: {  	s15 =	simm.s32 @p4 $0xD840;
	[sflag:s13] =	ssyncadd.s32 @p4 $0xFFFFEC00;
	s13 =	simm.s32 @p4 $0x9B50  }
0xdc: {  	[spmem:s3] =	stream.indirect.scatter.add.f32 @p4 [tilespmem:s15], [sflag:$0x8], $0x40, s13, s2, $0xb8;
	[tilespmem:$0x1B258] =	vst v63  }
0xdd: {  	s15 =	simm.s32 @p4 $0x18880  }
0xde: {  	[spmem:s4] =	stream.indirect.scatter.add.f32 @p4 [tilespmem:s15], [sflag:$0x9], $0x1, s13, s2, $0xb8;
	[tilespmem:$0x1B258] =	vst v63  }
0xdf: {  	s13 =	simm.s32 @p4 $0x9  }
0xe0: {  	_ =	swait.ge @p4 [sflag:s13], $0x50  }
0xe1: {  	[sflag:s13] =	ssyncset.done @p4 $0x0  }
0xe2: {  	s16 =	simm.s32 @p4 $0x6;
	[sflag:s13] =	ssyncadd.s32 @p4 $0xFFFFFFB0  }
0xe3: {  	_ =	swait.ge @p4 [sflag:s16], $0x1400  }
0xe4: {  	[sflag:s16] =	ssyncset.done @p4 $0x0  }
0xe5: {  	s17 =	simm.s32 @p4 $0xB040;
	[sflag:s16] =	ssyncadd.s32 @p4 $0xFFFFEC00;
	s16 =	simm.s32 @p4 $0x4DD0  }
0xe6: {  	[tilespmem:s17], [sflag:$0x2] =	stream.indirect.gather @p4 [hbm4b:s1+s2], $0x40, s16, s2, $0xb8;
	[tilespmem:$0x1B258] =	vst v63  }
0xe7: {  	s16 =	simm.s32 @p4 $0x1  }
0xe8: {  	_ =	swait.ge @p4 [sflag:s16], $0x1400  }
0xe9: {  	[sflag:s16] =	ssyncset.done @p4 $0x0  }
0xea: {  	[sflag:s16] =	ssyncadd.s32 @p4 $0xFFFFEC00;
	s16 =	simm.s32 @p4 $0x9BA0  }
0xeb: {  	[spmem:s3] =	stream.indirect.scatter.add.f32 @p4 [tilespmem:s14], [sflag:$0x5], $0x40, s16, s2, $0xb8;
	[tilespmem:$0x1B258] =	vst v63  }
0xec: {  	s14 =	simm.s32 @p4 $0x7  }
0xed: {  	_ =	swait.ge @p4 [sflag:s14], $0x1400  }
0xee: {  	[sflag:s14] =	ssyncset.done @p4 $0x0  }
0xef: {  	[sflag:s14] =	ssyncadd.s32 @p4 $0xFFFFEC00;
	s14 =	simm.s32 @p4 $0x2  }
0xf0: {  	_ =	swait.ge @p4 [sflag:s14], $0x1400  }
0xf1: {  	[sflag:s14] =	ssyncset.done @p4 $0x0  }
0xf2: {  	[sflag:s14] =	ssyncadd.s32 @p4 $0xFFFFEC00;
	s14 =	simm.s32 @p4 $0x9BF0  }
0xf3: {  	[spmem:s3] =	stream.indirect.scatter.add.f32 @p4 [tilespmem:s17], [sflag:$0x6], $0x40, s14, s2, $0xb8;
	[tilespmem:$0x1B258] =	vst v63  }
0xf4: {  	_ = 	snop  }
0xf5: {  	[spmem:s4] =	stream.indirect.scatter.add.f32 @p4 [tilespmem:s15], [sflag:$0x9], $0x1, s14, s2, $0xb8;
	[tilespmem:$0x1B258] =	vst v63  }
0xf6: {  	_ =	swait.ge @p4 [sflag:s13], $0x50  }
0xf7: {  	s2 =	simm.s32 @!p4 $0x50;
	[sflag:s13] =	ssyncset.done @p4 $0x0  }
0xf8: {  	s14 =	simm.s32 @!p4 $0x18880;
	[sflag:s13] =	ssyncadd.s32 @p4 $0xFFFFFFB0;
	s13 =	simm.s32 @!p4 $0x9B00  }
0xf9: {  	[spmem:s4] =	stream.indirect.scatter.add.f32 @!p4 [tilespmem:s14], [sflag:$0x9], $0x1, s13, s2, $0xb8;
	[tilespmem:$0x1B258] =	vst v63  }
0xfa: {  	s13 =	simm.s32 @!p4 $0x9  }
0xfb: {  	_ =	swait.ge @!p4 [sflag:s13], $0x50  }
0xfc: {  	[sflag:s13] =	ssyncset.done @!p4 $0x0  }
0xfd: {  	s15 =	simm.s32 @!p4 $0x5;
	[sflag:s13] =	ssyncadd.s32 @!p4 $0xFFFFFFB0  }
0xfe: {  	_ =	swait.ge @!p4 [sflag:s15], $0x1400  }
0xff: {  	[sflag:s15] =	ssyncset.done @!p4 $0x0  }
0x100: {  	s16 =	simm.s32 @!p4 $0x9C40;
	[sflag:s15] =	ssyncadd.s32 @!p4 $0xFFFFEC00;
	s15 =	simm.s32 @!p4 $0x4D80  }
0x101: {  	[tilespmem:s16], [sflag:$0x1] =	stream.indirect.gather @!p4 [hbm4b:s1+s2], $0x40, s15, s2, $0xb8;
	[tilespmem:$0x1B258] =	vst v63  }
0x102: {  	s15 =	simm.s32 @!p4 $0x4  }
0x103: {  	_ =	swait.ge @!p4 [sflag:s15], $0x1400  }
0x104: {  	[sflag:s15] =	ssyncset.done @!p4 $0x0  }
0x105: {  	s17 =	simm.s32 @!p4 $0xD840;
	[sflag:s15] =	ssyncadd.s32 @!p4 $0xFFFFEC00;
	s15 =	simm.s32 @!p4 $0x9B50  }
0x106: {  	[spmem:s3] =	stream.indirect.scatter.add.f32 @!p4 [tilespmem:s17], [sflag:$0x8], $0x40, s15, s2, $0xb8;
	[tilespmem:$0x1B258] =	vst v63  }
0x107: {  	s15 =	simm.s32 @!p4 $0x6  }
0x108: {  	_ =	swait.ge @!p4 [sflag:s15], $0x1400  }
0x109: {  	[sflag:s15] =	ssyncset.done @!p4 $0x0  }
0x10a: {  	s17 =	simm.s32 @!p4 $0xB040;
	[sflag:s15] =	ssyncadd.s32 @!p4 $0xFFFFEC00;
	s15 =	simm.s32 @!p4 $0x4DD0  }
0x10b: {  	[tilespmem:s17], [sflag:$0x2] =	stream.indirect.gather @!p4 [hbm4b:s1+s2], $0x40, s15, s2, $0xb8;
	[tilespmem:$0x1B258] =	vst v63  }
0x10c: {  	s15 =	simm.s32 @!p4 $0x1  }
0x10d: {  	_ =	swait.ge @!p4 [sflag:s15], $0x1400  }
0x10e: {  	[sflag:s15] =	ssyncset.done @!p4 $0x0  }
0x10f: {  	[sflag:s15] =	ssyncadd.s32 @!p4 $0xFFFFEC00;
	s15 =	simm.s32 @!p4 $0x9BA0  }
0x110: {  	[spmem:s3] =	stream.indirect.scatter.add.f32 @!p4 [tilespmem:s16], [sflag:$0x5], $0x40, s15, s2, $0xb8;
	[tilespmem:$0x1B258] =	vst v63  }
0x111: {  	_ = 	snop  }
0x112: {  	[spmem:s4] =	stream.indirect.scatter.add.f32 @!p4 [tilespmem:s14], [sflag:$0x9], $0x1, s15, s2, $0xb8;
	[tilespmem:$0x1B258] =	vst v63  }
0x113: {  	_ =	swait.ge @!p4 [sflag:s13], $0x50  }
0x114: {  	[sflag:s13] =	ssyncset.done @!p4 $0x0  }
0x115: {  	[sflag:s13] =	ssyncadd.s32 @!p4 $0xFFFFFFB0;
	s13 =	simm.s32 @!p4 $0x7  }
0x116: {  	_ =	swait.ge @!p4 [sflag:s13], $0x1400  }
0x117: {  	[sflag:s13] =	ssyncset.done @!p4 $0x0  }
0x118: {  	[sflag:s13] =	ssyncadd.s32 @!p4 $0xFFFFEC00;
	s13 =	simm.s32 @!p4 $0x2  }
0x119: {  	_ =	swait.ge @!p4 [sflag:s13], $0x1400  }
0x11a: {  	[sflag:s13] =	ssyncset.done @!p4 $0x0  }
0x11b: {  	[sflag:s13] =	ssyncadd.s32 @!p4 $0xFFFFEC00;
	s13 =	simm.s32 @!p4 $0x9BF0  }
0x11c: {  	[spmem:s3] =	stream.indirect.scatter.add.f32 @!p4 [tilespmem:s17], [sflag:$0x6], $0x40, s13, s2, $0xb8;
	[tilespmem:$0x1B258] =	vst v63  }
0x11d: {  	_ =	swait.ge [sflag:s11], $0x1400  }
0x11e: {  	[sflag:s11] =	ssyncset.done $0x0  }
0x11f: {  	[sflag:s11] =	ssyncadd.s32 $0xFFFFEC00  }
0x120: {  	_ =	swait.ge [sflag:s29], $0x1400  }
0x121: {  	[sflag:s29] =	ssyncset.done $0x0  }
0x122: {  	[sflag:s29] =	ssyncadd.s32 $0xFFFFEC00  }
0x123: {  	_ =	swait.ge [sflag:s7], $0x1400  }
0x124: {  	[sflag:s7] =	ssyncset.done $0x0  }
0x125: {  	s16 =	simm.s32 @p5 $0x1FC9;
	[sflag:s7] =	ssyncadd.s32 $0xFFFFEC00  }
0x126: {  	s14 =	simm.s32 @p5 $0x10;
	s15 =	simm.s32 @p5 $0x8;
	[bflag:$0x0] =	sbarrier.arrive $0xFFFF  }
0x127: {  	s2 =	sshrl.u32 @p5 s9, $0x3;
	s13 =	simm.s32 @p5 $0x1;
	s17 =	rddreg [dreg:$0xb]  }
0x128: {  	[hbm:s17@s14], [sflag:s16] =	dma.strided @p5 [spmem:s2@s15], $0x1400, s13, $0x8   }
0x129: {  	s2 =	simm.s32 @p5 $0x9;
	s16 =	stileid.u32  }
0x12a: {  	s14 =	simm.s32 @!p5 $0x10;
	s15 =	simm.s32 @!p5 $0x8;
	_ =	swait.ge @p5 [sflag:s2], $0x1400  }
0x12b: {  	s13 =	sshll.u32 @!p5 s16, $0x6;
	[sflag:s2] =	ssyncset.done @p5 $0x0;
	s17 =	rddreg [dreg:$0xa]  }
0x12c: {  	[sflag:s2] =	ssyncadd.s32 @p5 $0xFFFFEC00;
	s2 =	sor.u32 @!p5 $0x1C09, s13;
	s13 =	simm.s32 @!p5 $0x1  }
0x12d: {  	[hbm:s17@s14], [sflag:s2] =	dma.strided @!p5 [spmem:s25@s15], $0x1380, s13, $0x8   }
0x12e: {  	s2 =	simm.s32 @!p5 $0x9  }
0x12f: {  	_ =	swait.ge @!p5 [sflag:s2], $0x1380  }
0x130: {  	[sflag:s2] =	ssyncset.done @!p5 $0x0  }
0x131: {  	s13 =	simm.s32 @p6 $0x9;
	[sflag:s2] =	ssyncadd.s32 @!p5 $0xFFFFEC80;
	s2 =	simm.s32 @p6 $0x188D0  }
0x132: {  	[tilespmem:s2], [sflag:$0x9] =	stream.linear.gather @p6 [spmem:s4], $0x2710, $0x38;
	[tilespmem:$0x1B258] =	vst v63  }
0x133: {  	_ =	swait.ge @p6 [sflag:s13], $0x2710  }
0x134: {  	[sflag:s13] =	ssyncset.done @p6 $0x0  }
0x135: {  	s14 =	simm.s32 @p6 $0x0;
	s15 =	rddreg [dreg:$0xc];
	[sflag:s13] =	ssyncadd.s32 @p6 $0xFFFFD8F0  }
0x136: {  	[hbm4b:s15+s14] =	stream.linear.scatter @p6 [tilespmem:s2], [sflag:$0x9], $0x7D0, $0x38;
	[tilespmem:$0x1B258] =	vst v63  }
0x137: {  	_ =	swait.ge @p6 [sflag:s13], $0x7D0  }
0x138: {  	[sflag:s13] =	ssyncset.done @p6 $0x0  }
0x139: {  	s2 =	simm.s32 @p6 $0x190A0;
	s15 =	rddreg [dreg:$0xd];
	[sflag:s13] =	ssyncadd.s32 @p6 $0xFFFFF830  }
0x13a: {  	[hbm4b:s15+s14] =	stream.linear.scatter @p6 [tilespmem:s2], [sflag:$0x9], $0x7D0, $0x38;
	[tilespmem:$0x1B258] =	vst v63  }
0x13b: {  	_ =	swait.ge @p6 [sflag:s13], $0x7D0  }
0x13c: {  	[sflag:s13] =	ssyncset.done @p6 $0x0  }
0x13d: {  	s2 =	simm.s32 @p6 $0x19870;
	s15 =	rddreg [dreg:$0xe];
	[sflag:s13] =	ssyncadd.s32 @p6 $0xFFFFF830  }
0x13e: {  	[hbm4b:s15+s14] =	stream.linear.scatter @p6 [tilespmem:s2], [sflag:$0x9], $0x7D0, $0x38;
	[tilespmem:$0x1B258] =	vst v63  }
0x13f: {  	_ =	swait.ge @p6 [sflag:s13], $0x7D0  }
0x140: {  	[sflag:s13] =	ssyncset.done @p6 $0x0  }
0x141: {  	s2 =	simm.s32 @p6 $0x1A040;
	s15 =	rddreg [dreg:$0xf];
	[sflag:s13] =	ssyncadd.s32 @p6 $0xFFFFF830  }
0x142: {  	[hbm4b:s15+s14] =	stream.linear.scatter @p6 [tilespmem:s2], [sflag:$0x9], $0x7D0, $0x38;
	[tilespmem:$0x1B258] =	vst v63  }
0x143: {  	_ =	swait.ge @p6 [sflag:s13], $0x7D0  }
0x144: {  	[sflag:s13] =	ssyncset.done @p6 $0x0  }
0x145: {  	s2 =	simm.s32 @p6 $0x1A810;
	s15 =	rddreg [dreg:$0x10];
	[sflag:s13] =	ssyncadd.s32 @p6 $0xFFFFF830  }
0x146: {  	[hbm4b:s15+s14] =	stream.linear.scatter @p6 [tilespmem:s2], [sflag:$0x9], $0x7D0, $0x38;
	[tilespmem:$0x1B258] =	vst v63  }
0x147: {  	_ =	swait.ge @p6 [sflag:s13], $0x7D0  }
0x148: {  	s12 =	sadd.s32 $0x1, s12;
	s21 =	rddreg [dreg:$0x11]  }
0x149: {  	p3 =	sne.s32 s12, s21  }
.Ltmp1:
0x14a: {  	_ = 	snop;
	(pc) =	sbr.rel @p3 .LBB2_1-.Ltmp1, $3  }
0x14b: {  	_ =	sdelay $0x1  }
0x14c: {  	[sflag:s13] =	ssyncset.done @p6 $0x0  }
0x14d: {  	[sflag:s13] =	ssyncadd.s32 @p6 $0xFFFFF830  }
0x14e: {  	_ =	sfence.sel $0x180000  }
0x14f: {  	[bflag:$0x0] =	sbarrier.arrive $0xFFFF  }
0x150: {  	_ =	strace $0x90000047  }
0x151: {  	[bflag:$0x2] =	sbarrier.arrive $0xFFFF  }
0x152: {  	p0 =	sne.s32 s16, $0x0;
	s0 =	rddreg [dreg:$0x5]  }
0x153: {  	s0 =	sadd.s32 @!p0 $0x100000, s0  }
0x154: {  	[sflag:s0] =	ssyncadd.tile.s32 @!p0 $0x1;
	_ =	shalt  }
.Lfunc_end2:
_tile_overlayer_lowered:
.L_overlay_start_2:
0x155: {  	(tag) =	ssettag $0x2  }
0x156: {  	s0 =	rddreg [dreg:$0x0];
	s2 =	stileid.u32  }
0x157: {  	s1 =	rddreg [dreg:$0x1];
	p0 =	sne.s32 s2, $0x0  }
0x158: {  	s3 =	rddreg [dreg:$0x2];
	[bflag:$0x3] =	sbarrier.arrive $0xFFFF;
	s2 =	simm.s32 @!p0 $0x1C09  }
0x159: {  	[timem:s3], [sflag:s2] =	dma.local @!p0 [hbm:s0], s1  }
0x15a: {  	s0 =	simm.s32 @!p0 $0x9  }
0x15b: {  	_ =	swait.ge @!p0 [sflag:s0], s1  }
0x15c: {  	s1 =	ssub.s32 @!p0 $0x0, s1;
	[sflag:s0] =	ssyncset.done @!p0 $0x0  }
0x15d: {  	[sflag:s0] =	ssyncadd.s32 @!p0 s1  }
0x15e: {  	[bflag:$0x3] =	sbarrier.arrive $0xFFFF  }
0x15f: {  	_ =	shalt  }

</sc_bundles>
